<compile_context>
chip_gen: v7x
topology: tpu7x:2x2x1
jax: 0.10.2.dev20260603
libtpu: 0.0.44.dev20260713+nightly
codegen_flags: <defaults>
</compile_context>

<pallas_src>
import functools

import jax
import jax.numpy as jnp
from jax import lax
from jax.experimental import pallas as pl
from jax.experimental.pallas import tpu as pltpu
from jax.experimental.pallas import tpu_sc as plsc

_VOCAB = 1000000
_D = 32
_B, _H, _W = 4, 512, 512
_HW = _H * _W
_N = _B * _HW

_NC, _NS, _L = 2, 16, 16
_NWORK = _NC * _NS
_NPW = _N // _NWORK
_C = 1024
_CP = _C + 1
_G = 128
_NG = _C // _G
_NCHUNK = _NPW // _C


def _body(emb_hbm, vert_hbm, mask_hbm, out_hbm,
          idx_v, mask_v, rows_v, obuf_v, gsem, osem):
    wid = lax.axis_index("s") * _NC + lax.axis_index("c")
    gbase = wid * _NPW
    b = gbase // _HW
    hw0 = gbase - b * _HW

    iota = lax.iota(jnp.int32, _L)

    def chunk_body(g, _):
        ebase = gbase + g * _C

        pltpu.sync_copy(
            vert_hbm.at[pl.ds(pl.multiple_of(ebase // _G, 8), _NG)], idx_v)
        pltpu.sync_copy(mask_hbm.at[pl.ds(ebase, _C)], mask_v)

        cps = []
        for j in range(_NG):
            cps.append(pltpu.async_copy(
                emb_hbm.at[idx_v.at[j]],
                rows_v.at[pl.ds(j * _G, _G)],
                gsem))
        for cp in cps:
            cp.wait()

        def tr_body(i, _):
            c0 = i * _L
            mv = mask_v[pl.ds(c0, _L)]
            for ci in range(_L):
                c = c0 + ci
                csplat = jnp.full((_L,), c, dtype=jnp.int32)
                m = mv[ci]
                r0 = rows_v[c, pl.ds(0, _L)]
                r1 = rows_v[c, pl.ds(_L, _L)]
                plsc.store_scatter(obuf_v, [iota, csplat], r0 * m)
                plsc.store_scatter(obuf_v, [iota + _L, csplat], r1 * m)
            return ()

        lax.fori_loop(0, _C // _L, tr_body, (), unroll=False)

        hw = hw0 + g * _C
        ocs = []
        for d in range(_D):
            ocs.append(pltpu.async_copy(
                obuf_v.at[d, pl.ds(0, _C)],
                out_hbm.at[b, d, pl.ds(hw, _C)],
                osem))
        for cp in ocs:
            cp.wait()
        return ()

    lax.fori_loop(0, _NCHUNK, chunk_body, (), unroll=False)


@jax.jit
def _run(embed_map, vert2d, maskflat):
    mesh = plsc.VectorSubcoreMesh(core_axis_name="c", subcore_axis_name="s")
    f = pl.kernel(
        _body,
        out_type=jax.ShapeDtypeStruct((_B, _D, _HW), jnp.float32),
        mesh=mesh,
        scratch_types=[
            pltpu.VMEM((_NG, _G), jnp.int32),
            pltpu.VMEM((_C,), jnp.float32),
            pltpu.VMEM((_C, _D), jnp.float32),
            pltpu.VMEM((_D, _CP), jnp.float32),
            pltpu.SemaphoreType.DMA,
            pltpu.SemaphoreType.DMA,
        ],
        compiler_params=pltpu.CompilerParams(
            needs_layout_passes=False, use_tc_tiling_on_sc=False),
    )
    return f(embed_map, vert2d, maskflat)


def kernel(embed_map, vertices, E_mask):
    vert2d = vertices.reshape(_N // _G, _G)
    maskflat = E_mask.reshape(_N)
    out = _run(embed_map, vert2d, maskflat)
    return out.reshape(_B, _D, _H, _W)

# --- scband reference (transcript-rebuilt; emitter-appended) ---
"""Pipeline reference for scband-create-embedding-78778290143956 (READ-ONLY COPY).

The authoritative reference and input builder live on the scoring server;
editing this copy changes nothing except your own understanding.
"""

import jax, jax.numpy as jnp
import numpy as np

VOCAB = 1000000
EMBED_DIM = 32
B, H, W = 4, 512, 512


def setup_inputs(seed: int = 0) -> dict:
    key = jax.random.key(seed)
    k1, k2, k3 = jax.random.split(key, 3)
    embed_map = jax.random.normal(k1, (VOCAB, EMBED_DIM), dtype=jnp.float32)
    vertices = jax.random.randint(k2, (B, 1, H, W), 0, VOCAB, dtype=jnp.int32)
    E_mask = jax.random.uniform(k3, (B, 1, H, W), dtype=jnp.float32)
    return {"embed_map": embed_map, "vertices": vertices, "E_mask": E_mask}


def reference(embed_map, vertices, E_mask):
    # embed_map[vertices.long()] -> gather along axis 0
    emb = jnp.take(embed_map, vertices, axis=0)      # [B, 1, H, W, D]
    emb = jnp.squeeze(emb, axis=1)                   # [B, H, W, D]
    emb = jnp.transpose(emb, (0, 3, 1, 2))           # [B, D, H, W]
    embedding = emb * E_mask                         # broadcast [B,1,H,W] over D
    return embedding

if __name__ == "__main__":
    import jax
    _d = setup_inputs()
    print(jax.jit(kernel)(*tuple(_d.values())))

</pallas_src>

<mosaic_0001>
#map = affine_map<(d0, d1) -> (0, 0)>
#map1 = affine_map<(d0, d1) -> (0)>
#map2 = affine_map<(d0, d1) -> (0, 0, 0)>
module attributes {stable_mosaic.version = 14 : i64} {
  func.func @_body(%arg0: i32, %arg1: i32, %arg2: memref<1000000x32xf32, #tpu.memory_space<hbm>>, %arg3: memref<8192x128xi32, #tpu.memory_space<hbm>>, %arg4: memref<1048576xf32, #tpu.memory_space<hbm>>, %arg5: memref<4x32x262144xf32, #tpu.memory_space<hbm>>, %arg6: memref<8x128xi32, #tpu.memory_space<vmem>>, %arg7: memref<1024xf32, #tpu.memory_space<vmem>>, %arg8: memref<1024x32xf32, #tpu.memory_space<vmem>>, %arg9: memref<32x1025xf32, #tpu.memory_space<vmem>>, %arg10: memref<!tpu.dma_semaphore, #tpu.memory_space<semaphore_mem>>, %arg11: memref<!tpu.dma_semaphore, #tpu.memory_space<semaphore_mem>>) attributes {dimension_semantics = [#tpu.dimension_semantics<core_parallel>, #tpu.dimension_semantics<subcore_parallel>], iteration_bounds = array<i64: 2, 16>, scalar_prefetch = 0 : i64, scratch_operands = 6 : i64, tpu.core_type = #tpu.core_type<sc_vector_subcore>, window_params = [{transform_indices = #map}, {transform_indices = #map}, {transform_indices = #map1}, {transform_indices = #map2}]} {
    %mul3A = arith.constant 2 : i32
    %mul3A_0 = arith.muli %arg1, %mul3A : i32
    %add3A = arith.addi %mul3A_0, %arg0 : i32
    %mul3A_1 = arith.constant 32768 : i32
    %mul3A_2 = arith.muli %add3A, %mul3A_1 : i32
    %jit3A = arith.constant 262144 : i32
    %div3A = arith.divsi %mul3A_2, %jit3A : i32
    %sign3A = arith.constant 0 : i32
    %sign3A_3 = arith.cmpi sgt, %mul3A_2, %sign3A : i32
    %sign3A_4 = arith.extui %sign3A_3 : i1 to i32
    %sign3A_5 = arith.constant 0 : i32
    %sign3A_6 = arith.cmpi slt, %mul3A_2, %sign3A_5 : i32
    %sign3A_7 = arith.extui %sign3A_6 : i1 to i32
    %sign3A_8 = arith.subi %sign3A_4, %sign3A_7 : i32
    %sign3A_9 = arith.constant 0 : i32
    %sign3A_10 = arith.cmpi sgt, %jit3A, %sign3A_9 : i32
    %sign3A_11 = arith.extui %sign3A_10 : i1 to i32
    %sign3A_12 = arith.constant 0 : i32
    %sign3A_13 = arith.cmpi slt, %jit3A, %sign3A_12 : i32
    %sign3A_14 = arith.extui %sign3A_13 : i1 to i32
    %sign3A_15 = arith.subi %sign3A_11, %sign3A_14 : i32
    %ne3A = arith.cmpi ne, %sign3A_8, %sign3A_15 : i32
    %rem3A = arith.remsi %mul3A_2, %jit3A : i32
    %ne3A_16 = arith.constant 0 : i32
    %ne3A_17 = arith.cmpi ne, %rem3A, %ne3A_16 : i32
    %and3A = arith.andi %ne3A, %ne3A_17 : i1
    %sub3A = arith.constant 1 : i32
    %sub3A_18 = arith.subi %div3A, %sub3A : i32
    %select_n3A = arith.select %and3A, %sub3A_18, %div3A : i32
    %mul3A_19 = arith.constant 262144 : i32
    %mul3A_20 = arith.muli %select_n3A, %mul3A_19 : i32
    %sub3A_21 = arith.subi %mul3A_2, %mul3A_20 : i32
    %iota3A = tpu.iota {dimensions = array<i32: 0>} : vector<16xi32>
    %scan3A = arith.constant 0 : i32
    %scan3A_22 = arith.constant 32 : i32
    %scan3A_23 = arith.addi %scan3A, %scan3A_22 : i32
    %scan3A_24 = arith.constant 1 : i32
    scf.for %scan3A_26 = %scan3A to %scan3A_23 step %scan3A_24  : i32 {
      %mul3A_27 = arith.constant 1024 : i32
      %mul3A_28 = arith.muli %scan3A_26, %mul3A_27 : i32
      %add3A_29 = arith.addi %mul3A_2, %mul3A_28 : i32
      %jit3A_30 = arith.constant 128 : i32
      %div3A_31 = arith.divsi %add3A_29, %jit3A_30 : i32
      %sign3A_32 = arith.constant 0 : i32
      %sign3A_33 = arith.cmpi sgt, %add3A_29, %sign3A_32 : i32
      %sign3A_34 = arith.extui %sign3A_33 : i1 to i32
      %sign3A_35 = arith.constant 0 : i32
      %sign3A_36 = arith.cmpi slt, %add3A_29, %sign3A_35 : i32
      %sign3A_37 = arith.extui %sign3A_36 : i1 to i32
      %sign3A_38 = arith.subi %sign3A_34, %sign3A_37 : i32
      %sign3A_39 = arith.constant 0 : i32
      %sign3A_40 = arith.cmpi sgt, %jit3A_30, %sign3A_39 : i32
      %sign3A_41 = arith.extui %sign3A_40 : i1 to i32
      %sign3A_42 = arith.constant 0 : i32
      %sign3A_43 = arith.cmpi slt, %jit3A_30, %sign3A_42 : i32
      %sign3A_44 = arith.extui %sign3A_43 : i1 to i32
      %sign3A_45 = arith.subi %sign3A_41, %sign3A_44 : i32
      %ne3A_46 = arith.cmpi ne, %sign3A_38, %sign3A_45 : i32
      %rem3A_47 = arith.remsi %add3A_29, %jit3A_30 : i32
      %ne3A_48 = arith.constant 0 : i32
      %ne3A_49 = arith.cmpi ne, %rem3A_47, %ne3A_48 : i32
      %and3A_50 = arith.andi %ne3A_46, %ne3A_49 : i1
      %sub3A_51 = arith.constant 1 : i32
      %sub3A_52 = arith.subi %div3A_31, %sub3A_51 : i32
      %select_n3A_53 = arith.select %and3A_50, %sub3A_52, %div3A_31 : i32
      %multiple_of3A = tpu.assume_multiple %select_n3A_53, 8 : i32
      "tpu.region"() ({
        %run_scoped3A = tpu.sem_alloc : memref<!tpu.dma_semaphore, #tpu.memory_space<semaphore_mem>>
        %dma_start3A_988 = arith.constant 0 : i32
        %dma_start3A_989 = tpu.memref_slice %arg3[%multiple_of3A, %dma_start3A_988] : memref<8192x128xi32, #tpu.memory_space<hbm>> -> memref<8x128xi32, #tpu.memory_space<hbm>>
        %dma_start3A_990 = arith.constant 0 : i32
        %dma_start3A_991 = tpu.memref_slice %arg3[%multiple_of3A, %dma_start3A_990] : memref<8192x128xi32, #tpu.memory_space<hbm>> -> memref<8x128xi32, #tpu.memory_space<hbm>>
        tpu.enqueue_dma source(%dma_start3A_991 : memref<8x128xi32, #tpu.memory_space<hbm>>) target(%arg6 : memref<8x128xi32, #tpu.memory_space<vmem>>) target_semaphore(%run_scoped3A : memref<!tpu.dma_semaphore, #tpu.memory_space<semaphore_mem>>)
        %dma_wait3A_992 = arith.constant 0 : i32
        %dma_wait3A_993 = tpu.memref_slice %arg3[%multiple_of3A, %dma_wait3A_992] : memref<8192x128xi32, #tpu.memory_space<hbm>> -> memref<8x128xi32, #tpu.memory_space<hbm>>
        %dma_wait3A_994 = arith.constant 0 : i32
        %dma_wait3A_995 = tpu.memref_slice %arg3[%multiple_of3A, %dma_wait3A_994] : memref<8192x128xi32, #tpu.memory_space<hbm>> -> memref<8x128xi32, #tpu.memory_space<hbm>>
        tpu.wait_dma2 semaphore(%run_scoped3A : memref<!tpu.dma_semaphore, #tpu.memory_space<semaphore_mem>>) src(%dma_wait3A_995 : memref<8x128xi32, #tpu.memory_space<hbm>>) dst(%arg6 : memref<8x128xi32, #tpu.memory_space<vmem>>)
        tpu.yield
      }) : () -> ()
      "tpu.region"() ({
        %run_scoped3A = tpu.sem_alloc : memref<!tpu.dma_semaphore, #tpu.memory_space<semaphore_mem>>
        %dma_start3A_988 = tpu.memref_slice %arg4[%add3A_29] : memref<1048576xf32, #tpu.memory_space<hbm>> -> memref<1024xf32, #tpu.memory_space<hbm>>
        %dma_start3A_989 = tpu.memref_slice %arg4[%add3A_29] : memref<1048576xf32, #tpu.memory_space<hbm>> -> memref<1024xf32, #tpu.memory_space<hbm>>
        tpu.enqueue_dma source(%dma_start3A_989 : memref<1024xf32, #tpu.memory_space<hbm>>) target(%arg7 : memref<1024xf32, #tpu.memory_space<vmem>>) target_semaphore(%run_scoped3A : memref<!tpu.dma_semaphore, #tpu.memory_space<semaphore_mem>>)
        %dma_wait3A_990 = tpu.memref_slice %arg4[%add3A_29] : memref<1048576xf32, #tpu.memory_space<hbm>> -> memref<1024xf32, #tpu.memory_space<hbm>>
        %dma_wait3A_991 = tpu.memref_slice %arg4[%add3A_29] : memref<1048576xf32, #tpu.memory_space<hbm>> -> memref<1024xf32, #tpu.memory_space<hbm>>
        tpu.wait_dma2 semaphore(%run_scoped3A : memref<!tpu.dma_semaphore, #tpu.memory_space<semaphore_mem>>) src(%dma_wait3A_991 : memref<1024xf32, #tpu.memory_space<hbm>>) dst(%arg7 : memref<1024xf32, #tpu.memory_space<vmem>>)
        tpu.yield
      }) : () -> ()
      %dma_start3A = arith.constant 0 : i32
      %dma_start3A_54 = arith.constant 0 : i32
      %dma_start3A_55 = arith.constant 0 : i32
      %dma_start3A_56 = tpu.memref_slice %arg8[%dma_start3A_54, %dma_start3A_55] : memref<1024x32xf32, #tpu.memory_space<vmem>> -> memref<128x32xf32, #tpu.memory_space<vmem>>
      %dma_start3A_57 = arith.constant 0 : i32
      %dma_start3A_58 = tpu.memref_slice %arg6[%dma_start3A, %dma_start3A_57] : memref<8x128xi32, #tpu.memory_space<vmem>> -> memref<1x128xi32, #tpu.memory_space<vmem>>
      %dma_start3A_59 = tpu.memref_squeeze %dma_start3A_58 : memref<1x128xi32, #tpu.memory_space<vmem>> -> memref<128xi32, #tpu.memory_space<vmem>>
      %dma_start3A_60 = arith.constant 0 : i32
      %dma_start3A_61 = arith.constant 0 : i32
      %dma_start3A_62 = tpu.memref_slice %arg2[%dma_start3A_60, %dma_start3A_61] : memref<1000000x32xf32, #tpu.memory_space<hbm>> -> memref<1000000x32xf32, #tpu.memory_space<hbm>>
      tpu.enqueue_indirect_dma source(%dma_start3A_62 : memref<1000000x32xf32, #tpu.memory_space<hbm>>) target(%dma_start3A_56 : memref<128x32xf32, #tpu.memory_space<vmem>>) offsets(%dma_start3A_59 : memref<128xi32, #tpu.memory_space<vmem>>) semaphore(%arg10 : memref<!tpu.dma_semaphore, #tpu.memory_space<semaphore_mem>>)
      %dma_start3A_63 = arith.constant 1 : i32
      %dma_start3A_64 = arith.constant 128 : i32
      %dma_start3A_65 = arith.constant 0 : i32
      %dma_start3A_66 = tpu.memref_slice %arg8[%dma_start3A_64, %dma_start3A_65] : memref<1024x32xf32, #tpu.memory_space<vmem>> -> memref<128x32xf32, #tpu.memory_space<vmem>>
      %dma_start3A_67 = arith.constant 0 : i32
      %dma_start3A_68 = tpu.memref_slice %arg6[%dma_start3A_63, %dma_start3A_67] : memref<8x128xi32, #tpu.memory_space<vmem>> -> memref<1x128xi32, #tpu.memory_space<vmem>>
      %dma_start3A_69 = tpu.memref_squeeze %dma_start3A_68 : memref<1x128xi32, #tpu.memory_space<vmem>> -> memref<128xi32, #tpu.memory_space<vmem>>
      %dma_start3A_70 = arith.constant 0 : i32
      %dma_start3A_71 = arith.constant 0 : i32
      %dma_start3A_72 = tpu.memref_slice %arg2[%dma_start3A_70, %dma_start3A_71] : memref<1000000x32xf32, #tpu.memory_space<hbm>> -> memref<1000000x32xf32, #tpu.memory_space<hbm>>
      tpu.enqueue_indirect_dma source(%dma_start3A_72 : memref<1000000x32xf32, #tpu.memory_space<hbm>>) target(%dma_start3A_66 : memref<128x32xf32, #tpu.memory_space<vmem>>) offsets(%dma_start3A_69 : memref<128xi32, #tpu.memory_space<vmem>>) semaphore(%arg10 : memref<!tpu.dma_semaphore, #tpu.memory_space<semaphore_mem>>)
      %dma_start3A_73 = arith.constant 2 : i32
      %dma_start3A_74 = arith.constant 256 : i32
      %dma_start3A_75 = arith.constant 0 : i32
      %dma_start3A_76 = tpu.memref_slice %arg8[%dma_start3A_74, %dma_start3A_75] : memref<1024x32xf32, #tpu.memory_space<vmem>> -> memref<128x32xf32, #tpu.memory_space<vmem>>
      %dma_start3A_77 = arith.constant 0 : i32
      %dma_start3A_78 = tpu.memref_slice %arg6[%dma_start3A_73, %dma_start3A_77] : memref<8x128xi32, #tpu.memory_space<vmem>> -> memref<1x128xi32, #tpu.memory_space<vmem>>
      %dma_start3A_79 = tpu.memref_squeeze %dma_start3A_78 : memref<1x128xi32, #tpu.memory_space<vmem>> -> memref<128xi32, #tpu.memory_space<vmem>>
      %dma_start3A_80 = arith.constant 0 : i32
      %dma_start3A_81 = arith.constant 0 : i32
      %dma_start3A_82 = tpu.memref_slice %arg2[%dma_start3A_80, %dma_start3A_81] : memref<1000000x32xf32, #tpu.memory_space<hbm>> -> memref<1000000x32xf32, #tpu.memory_space<hbm>>
      tpu.enqueue_indirect_dma source(%dma_start3A_82 : memref<1000000x32xf32, #tpu.memory_space<hbm>>) target(%dma_start3A_76 : memref<128x32xf32, #tpu.memory_space<vmem>>) offsets(%dma_start3A_79 : memref<128xi32, #tpu.memory_space<vmem>>) semaphore(%arg10 : memref<!tpu.dma_semaphore, #tpu.memory_space<semaphore_mem>>)
      %dma_start3A_83 = arith.constant 3 : i32
      %dma_start3A_84 = arith.constant 384 : i32
      %dma_start3A_85 = arith.constant 0 : i32
      %dma_start3A_86 = tpu.memref_slice %arg8[%dma_start3A_84, %dma_start3A_85] : memref<1024x32xf32, #tpu.memory_space<vmem>> -> memref<128x32xf32, #tpu.memory_space<vmem>>
      %dma_start3A_87 = arith.constant 0 : i32
      %dma_start3A_88 = tpu.memref_slice %arg6[%dma_start3A_83, %dma_start3A_87] : memref<8x128xi32, #tpu.memory_space<vmem>> -> memref<1x128xi32, #tpu.memory_space<vmem>>
      %dma_start3A_89 = tpu.memref_squeeze %dma_start3A_88 : memref<1x128xi32, #tpu.memory_space<vmem>> -> memref<128xi32, #tpu.memory_space<vmem>>
      %dma_start3A_90 = arith.constant 0 : i32
      %dma_start3A_91 = arith.constant 0 : i32
      %dma_start3A_92 = tpu.memref_slice %arg2[%dma_start3A_90, %dma_start3A_91] : memref<1000000x32xf32, #tpu.memory_space<hbm>> -> memref<1000000x32xf32, #tpu.memory_space<hbm>>
      tpu.enqueue_indirect_dma source(%dma_start3A_92 : memref<1000000x32xf32, #tpu.memory_space<hbm>>) target(%dma_start3A_86 : memref<128x32xf32, #tpu.memory_space<vmem>>) offsets(%dma_start3A_89 : memref<128xi32, #tpu.memory_space<vmem>>) semaphore(%arg10 : memref<!tpu.dma_semaphore, #tpu.memory_space<semaphore_mem>>)
      %dma_start3A_93 = arith.constant 4 : i32
      %dma_start3A_94 = arith.constant 512 : i32
      %dma_start3A_95 = arith.constant 0 : i32
      %dma_start3A_96 = tpu.memref_slice %arg8[%dma_start3A_94, %dma_start3A_95] : memref<1024x32xf32, #tpu.memory_space<vmem>> -> memref<128x32xf32, #tpu.memory_space<vmem>>
      %dma_start3A_97 = arith.constant 0 : i32
      %dma_start3A_98 = tpu.memref_slice %arg6[%dma_start3A_93, %dma_start3A_97] : memref<8x128xi32, #tpu.memory_space<vmem>> -> memref<1x128xi32, #tpu.memory_space<vmem>>
      %dma_start3A_99 = tpu.memref_squeeze %dma_start3A_98 : memref<1x128xi32, #tpu.memory_space<vmem>> -> memref<128xi32, #tpu.memory_space<vmem>>
      %dma_start3A_100 = arith.constant 0 : i32
      %dma_start3A_101 = arith.constant 0 : i32
      %dma_start3A_102 = tpu.memref_slice %arg2[%dma_start3A_100, %dma_start3A_101] : memref<1000000x32xf32, #tpu.memory_space<hbm>> -> memref<1000000x32xf32, #tpu.memory_space<hbm>>
      tpu.enqueue_indirect_dma source(%dma_start3A_102 : memref<1000000x32xf32, #tpu.memory_space<hbm>>) target(%dma_start3A_96 : memref<128x32xf32, #tpu.memory_space<vmem>>) offsets(%dma_start3A_99 : memref<128xi32, #tpu.memory_space<vmem>>) semaphore(%arg10 : memref<!tpu.dma_semaphore, #tpu.memory_space<semaphore_mem>>)
      %dma_start3A_103 = arith.constant 5 : i32
      %dma_start3A_104 = arith.constant 640 : i32
      %dma_start3A_105 = arith.constant 0 : i32
      %dma_start3A_106 = tpu.memref_slice %arg8[%dma_start3A_104, %dma_start3A_105] : memref<1024x32xf32, #tpu.memory_space<vmem>> -> memref<128x32xf32, #tpu.memory_space<vmem>>
      %dma_start3A_107 = arith.constant 0 : i32
      %dma_start3A_108 = tpu.memref_slice %arg6[%dma_start3A_103, %dma_start3A_107] : memref<8x128xi32, #tpu.memory_space<vmem>> -> memref<1x128xi32, #tpu.memory_space<vmem>>
      %dma_start3A_109 = tpu.memref_squeeze %dma_start3A_108 : memref<1x128xi32, #tpu.memory_space<vmem>> -> memref<128xi32, #tpu.memory_space<vmem>>
      %dma_start3A_110 = arith.constant 0 : i32
      %dma_start3A_111 = arith.constant 0 : i32
      %dma_start3A_112 = tpu.memref_slice %arg2[%dma_start3A_110, %dma_start3A_111] : memref<1000000x32xf32, #tpu.memory_space<hbm>> -> memref<1000000x32xf32, #tpu.memory_space<hbm>>
      tpu.enqueue_indirect_dma source(%dma_start3A_112 : memref<1000000x32xf32, #tpu.memory_space<hbm>>) target(%dma_start3A_106 : memref<128x32xf32, #tpu.memory_space<vmem>>) offsets(%dma_start3A_109 : memref<128xi32, #tpu.memory_space<vmem>>) semaphore(%arg10 : memref<!tpu.dma_semaphore, #tpu.memory_space<semaphore_mem>>)
      %dma_start3A_113 = arith.constant 6 : i32
      %dma_start3A_114 = arith.constant 768 : i32
      %dma_start3A_115 = arith.constant 0 : i32
      %dma_start3A_116 = tpu.memref_slice %arg8[%dma_start3A_114, %dma_start3A_115] : memref<1024x32xf32, #tpu.memory_space<vmem>> -> memref<128x32xf32, #tpu.memory_space<vmem>>
      %dma_start3A_117 = arith.constant 0 : i32
      %dma_start3A_118 = tpu.memref_slice %arg6[%dma_start3A_113, %dma_start3A_117] : memref<8x128xi32, #tpu.memory_space<vmem>> -> memref<1x128xi32, #tpu.memory_space<vmem>>
      %dma_start3A_119 = tpu.memref_squeeze %dma_start3A_118 : memref<1x128xi32, #tpu.memory_space<vmem>> -> memref<128xi32, #tpu.memory_space<vmem>>
      %dma_start3A_120 = arith.constant 0 : i32
      %dma_start3A_121 = arith.constant 0 : i32
      %dma_start3A_122 = tpu.memref_slice %arg2[%dma_start3A_120, %dma_start3A_121] : memref<1000000x32xf32, #tpu.memory_space<hbm>> -> memref<1000000x32xf32, #tpu.memory_space<hbm>>
      tpu.enqueue_indirect_dma source(%dma_start3A_122 : memref<1000000x32xf32, #tpu.memory_space<hbm>>) target(%dma_start3A_116 : memref<128x32xf32, #tpu.memory_space<vmem>>) offsets(%dma_start3A_119 : memref<128xi32, #tpu.memory_space<vmem>>) semaphore(%arg10 : memref<!tpu.dma_semaphore, #tpu.memory_space<semaphore_mem>>)
      %dma_start3A_123 = arith.constant 7 : i32
      %dma_start3A_124 = arith.constant 896 : i32
      %dma_start3A_125 = arith.constant 0 : i32
      %dma_start3A_126 = tpu.memref_slice %arg8[%dma_start3A_124, %dma_start3A_125] : memref<1024x32xf32, #tpu.memory_space<vmem>> -> memref<128x32xf32, #tpu.memory_space<vmem>>
      %dma_start3A_127 = arith.constant 0 : i32
      %dma_start3A_128 = tpu.memref_slice %arg6[%dma_start3A_123, %dma_start3A_127] : memref<8x128xi32, #tpu.memory_space<vmem>> -> memref<1x128xi32, #tpu.memory_space<vmem>>
      %dma_start3A_129 = tpu.memref_squeeze %dma_start3A_128 : memref<1x128xi32, #tpu.memory_space<vmem>> -> memref<128xi32, #tpu.memory_space<vmem>>
      %dma_start3A_130 = arith.constant 0 : i32
      %dma_start3A_131 = arith.constant 0 : i32
      %dma_start3A_132 = tpu.memref_slice %arg2[%dma_start3A_130, %dma_start3A_131] : memref<1000000x32xf32, #tpu.memory_space<hbm>> -> memref<1000000x32xf32, #tpu.memory_space<hbm>>
      tpu.enqueue_indirect_dma source(%dma_start3A_132 : memref<1000000x32xf32, #tpu.memory_space<hbm>>) target(%dma_start3A_126 : memref<128x32xf32, #tpu.memory_space<vmem>>) offsets(%dma_start3A_129 : memref<128xi32, #tpu.memory_space<vmem>>) semaphore(%arg10 : memref<!tpu.dma_semaphore, #tpu.memory_space<semaphore_mem>>)
      %dma_wait3A = arith.constant 0 : i32
      %dma_wait3A_133 = arith.constant 0 : i32
      %dma_wait3A_134 = arith.constant 0 : i32
      %dma_wait3A_135 = tpu.memref_slice %arg8[%dma_wait3A_133, %dma_wait3A_134] : memref<1024x32xf32, #tpu.memory_space<vmem>> -> memref<128x32xf32, #tpu.memory_space<vmem>>
      %dma_wait3A_136 = arith.constant 0 : i32
      %dma_wait3A_137 = tpu.memref_slice %arg6[%dma_wait3A, %dma_wait3A_136] : memref<8x128xi32, #tpu.memory_space<vmem>> -> memref<1x128xi32, #tpu.memory_space<vmem>>
      %dma_wait3A_138 = tpu.memref_squeeze %dma_wait3A_137 : memref<1x128xi32, #tpu.memory_space<vmem>> -> memref<128xi32, #tpu.memory_space<vmem>>
      %dma_wait3A_139 = arith.constant 0 : i32
      %dma_wait3A_140 = arith.constant 0 : i32
      %dma_wait3A_141 = tpu.memref_slice %arg2[%dma_wait3A_139, %dma_wait3A_140] : memref<1000000x32xf32, #tpu.memory_space<hbm>> -> memref<1000000x32xf32, #tpu.memory_space<hbm>>
      tpu.wait_indirect_dma semaphore(%arg10 : memref<!tpu.dma_semaphore, #tpu.memory_space<semaphore_mem>>) src(%dma_wait3A_141 : memref<1000000x32xf32, #tpu.memory_space<hbm>>) dst(%dma_wait3A_135 : memref<128x32xf32, #tpu.memory_space<vmem>>)
      %dma_wait3A_142 = arith.constant 1 : i32
      %dma_wait3A_143 = arith.constant 128 : i32
      %dma_wait3A_144 = arith.constant 0 : i32
      %dma_wait3A_145 = tpu.memref_slice %arg8[%dma_wait3A_143, %dma_wait3A_144] : memref<1024x32xf32, #tpu.memory_space<vmem>> -> memref<128x32xf32, #tpu.memory_space<vmem>>
      %dma_wait3A_146 = arith.constant 0 : i32
      %dma_wait3A_147 = tpu.memref_slice %arg6[%dma_wait3A_142, %dma_wait3A_146] : memref<8x128xi32, #tpu.memory_space<vmem>> -> memref<1x128xi32, #tpu.memory_space<vmem>>
      %dma_wait3A_148 = tpu.memref_squeeze %dma_wait3A_147 : memref<1x128xi32, #tpu.memory_space<vmem>> -> memref<128xi32, #tpu.memory_space<vmem>>
      %dma_wait3A_149 = arith.constant 0 : i32
      %dma_wait3A_150 = arith.constant 0 : i32
      %dma_wait3A_151 = tpu.memref_slice %arg2[%dma_wait3A_149, %dma_wait3A_150] : memref<1000000x32xf32, #tpu.memory_space<hbm>> -> memref<1000000x32xf32, #tpu.memory_space<hbm>>
      tpu.wait_indirect_dma semaphore(%arg10 : memref<!tpu.dma_semaphore, #tpu.memory_space<semaphore_mem>>) src(%dma_wait3A_151 : memref<1000000x32xf32, #tpu.memory_space<hbm>>) dst(%dma_wait3A_145 : memref<128x32xf32, #tpu.memory_space<vmem>>)
      %dma_wait3A_152 = arith.constant 2 : i32
      %dma_wait3A_153 = arith.constant 256 : i32
      %dma_wait3A_154 = arith.constant 0 : i32
      %dma_wait3A_155 = tpu.memref_slice %arg8[%dma_wait3A_153, %dma_wait3A_154] : memref<1024x32xf32, #tpu.memory_space<vmem>> -> memref<128x32xf32, #tpu.memory_space<vmem>>
      %dma_wait3A_156 = arith.constant 0 : i32
      %dma_wait3A_157 = tpu.memref_slice %arg6[%dma_wait3A_152, %dma_wait3A_156] : memref<8x128xi32, #tpu.memory_space<vmem>> -> memref<1x128xi32, #tpu.memory_space<vmem>>
      %dma_wait3A_158 = tpu.memref_squeeze %dma_wait3A_157 : memref<1x128xi32, #tpu.memory_space<vmem>> -> memref<128xi32, #tpu.memory_space<vmem>>
      %dma_wait3A_159 = arith.constant 0 : i32
      %dma_wait3A_160 = arith.constant 0 : i32
      %dma_wait3A_161 = tpu.memref_slice %arg2[%dma_wait3A_159, %dma_wait3A_160] : memref<1000000x32xf32, #tpu.memory_space<hbm>> -> memref<1000000x32xf32, #tpu.memory_space<hbm>>
      tpu.wait_indirect_dma semaphore(%arg10 : memref<!tpu.dma_semaphore, #tpu.memory_space<semaphore_mem>>) src(%dma_wait3A_161 : memref<1000000x32xf32, #tpu.memory_space<hbm>>) dst(%dma_wait3A_155 : memref<128x32xf32, #tpu.memory_space<vmem>>)
      %dma_wait3A_162 = arith.constant 3 : i32
      %dma_wait3A_163 = arith.constant 384 : i32
      %dma_wait3A_164 = arith.constant 0 : i32
      %dma_wait3A_165 = tpu.memref_slice %arg8[%dma_wait3A_163, %dma_wait3A_164] : memref<1024x32xf32, #tpu.memory_space<vmem>> -> memref<128x32xf32, #tpu.memory_space<vmem>>
      %dma_wait3A_166 = arith.constant 0 : i32
      %dma_wait3A_167 = tpu.memref_slice %arg6[%dma_wait3A_162, %dma_wait3A_166] : memref<8x128xi32, #tpu.memory_space<vmem>> -> memref<1x128xi32, #tpu.memory_space<vmem>>
      %dma_wait3A_168 = tpu.memref_squeeze %dma_wait3A_167 : memref<1x128xi32, #tpu.memory_space<vmem>> -> memref<128xi32, #tpu.memory_space<vmem>>
      %dma_wait3A_169 = arith.constant 0 : i32
      %dma_wait3A_170 = arith.constant 0 : i32
      %dma_wait3A_171 = tpu.memref_slice %arg2[%dma_wait3A_169, %dma_wait3A_170] : memref<1000000x32xf32, #tpu.memory_space<hbm>> -> memref<1000000x32xf32, #tpu.memory_space<hbm>>
      tpu.wait_indirect_dma semaphore(%arg10 : memref<!tpu.dma_semaphore, #tpu.memory_space<semaphore_mem>>) src(%dma_wait3A_171 : memref<1000000x32xf32, #tpu.memory_space<hbm>>) dst(%dma_wait3A_165 : memref<128x32xf32, #tpu.memory_space<vmem>>)
      %dma_wait3A_172 = arith.constant 4 : i32
      %dma_wait3A_173 = arith.constant 512 : i32
      %dma_wait3A_174 = arith.constant 0 : i32
      %dma_wait3A_175 = tpu.memref_slice %arg8[%dma_wait3A_173, %dma_wait3A_174] : memref<1024x32xf32, #tpu.memory_space<vmem>> -> memref<128x32xf32, #tpu.memory_space<vmem>>
      %dma_wait3A_176 = arith.constant 0 : i32
      %dma_wait3A_177 = tpu.memref_slice %arg6[%dma_wait3A_172, %dma_wait3A_176] : memref<8x128xi32, #tpu.memory_space<vmem>> -> memref<1x128xi32, #tpu.memory_space<vmem>>
      %dma_wait3A_178 = tpu.memref_squeeze %dma_wait3A_177 : memref<1x128xi32, #tpu.memory_space<vmem>> -> memref<128xi32, #tpu.memory_space<vmem>>
      %dma_wait3A_179 = arith.constant 0 : i32
      %dma_wait3A_180 = arith.constant 0 : i32
      %dma_wait3A_181 = tpu.memref_slice %arg2[%dma_wait3A_179, %dma_wait3A_180] : memref<1000000x32xf32, #tpu.memory_space<hbm>> -> memref<1000000x32xf32, #tpu.memory_space<hbm>>
      tpu.wait_indirect_dma semaphore(%arg10 : memref<!tpu.dma_semaphore, #tpu.memory_space<semaphore_mem>>) src(%dma_wait3A_181 : memref<1000000x32xf32, #tpu.memory_space<hbm>>) dst(%dma_wait3A_175 : memref<128x32xf32, #tpu.memory_space<vmem>>)
      %dma_wait3A_182 = arith.constant 5 : i32
      %dma_wait3A_183 = arith.constant 640 : i32
      %dma_wait3A_184 = arith.constant 0 : i32
      %dma_wait3A_185 = tpu.memref_slice %arg8[%dma_wait3A_183, %dma_wait3A_184] : memref<1024x32xf32, #tpu.memory_space<vmem>> -> memref<128x32xf32, #tpu.memory_space<vmem>>
      %dma_wait3A_186 = arith.constant 0 : i32
      %dma_wait3A_187 = tpu.memref_slice %arg6[%dma_wait3A_182, %dma_wait3A_186] : memref<8x128xi32, #tpu.memory_space<vmem>> -> memref<1x128xi32, #tpu.memory_space<vmem>>
      %dma_wait3A_188 = tpu.memref_squeeze %dma_wait3A_187 : memref<1x128xi32, #tpu.memory_space<vmem>> -> memref<128xi32, #tpu.memory_space<vmem>>
      %dma_wait3A_189 = arith.constant 0 : i32
      %dma_wait3A_190 = arith.constant 0 : i32
      %dma_wait3A_191 = tpu.memref_slice %arg2[%dma_wait3A_189, %dma_wait3A_190] : memref<1000000x32xf32, #tpu.memory_space<hbm>> -> memref<1000000x32xf32, #tpu.memory_space<hbm>>
      tpu.wait_indirect_dma semaphore(%arg10 : memref<!tpu.dma_semaphore, #tpu.memory_space<semaphore_mem>>) src(%dma_wait3A_191 : memref<1000000x32xf32, #tpu.memory_space<hbm>>) dst(%dma_wait3A_185 : memref<128x32xf32, #tpu.memory_space<vmem>>)
      %dma_wait3A_192 = arith.constant 6 : i32
      %dma_wait3A_193 = arith.constant 768 : i32
      %dma_wait3A_194 = arith.constant 0 : i32
      %dma_wait3A_195 = tpu.memref_slice %arg8[%dma_wait3A_193, %dma_wait3A_194] : memref<1024x32xf32, #tpu.memory_space<vmem>> -> memref<128x32xf32, #tpu.memory_space<vmem>>
      %dma_wait3A_196 = arith.constant 0 : i32
      %dma_wait3A_197 = tpu.memref_slice %arg6[%dma_wait3A_192, %dma_wait3A_196] : memref<8x128xi32, #tpu.memory_space<vmem>> -> memref<1x128xi32, #tpu.memory_space<vmem>>
      %dma_wait3A_198 = tpu.memref_squeeze %dma_wait3A_197 : memref<1x128xi32, #tpu.memory_space<vmem>> -> memref<128xi32, #tpu.memory_space<vmem>>
      %dma_wait3A_199 = arith.constant 0 : i32
      %dma_wait3A_200 = arith.constant 0 : i32
      %dma_wait3A_201 = tpu.memref_slice %arg2[%dma_wait3A_199, %dma_wait3A_200] : memref<1000000x32xf32, #tpu.memory_space<hbm>> -> memref<1000000x32xf32, #tpu.memory_space<hbm>>
      tpu.wait_indirect_dma semaphore(%arg10 : memref<!tpu.dma_semaphore, #tpu.memory_space<semaphore_mem>>) src(%dma_wait3A_201 : memref<1000000x32xf32, #tpu.memory_space<hbm>>) dst(%dma_wait3A_195 : memref<128x32xf32, #tpu.memory_space<vmem>>)
      %dma_wait3A_202 = arith.constant 7 : i32
      %dma_wait3A_203 = arith.constant 896 : i32
      %dma_wait3A_204 = arith.constant 0 : i32
      %dma_wait3A_205 = tpu.memref_slice %arg8[%dma_wait3A_203, %dma_wait3A_204] : memref<1024x32xf32, #tpu.memory_space<vmem>> -> memref<128x32xf32, #tpu.memory_space<vmem>>
      %dma_wait3A_206 = arith.constant 0 : i32
      %dma_wait3A_207 = tpu.memref_slice %arg6[%dma_wait3A_202, %dma_wait3A_206] : memref<8x128xi32, #tpu.memory_space<vmem>> -> memref<1x128xi32, #tpu.memory_space<vmem>>
      %dma_wait3A_208 = tpu.memref_squeeze %dma_wait3A_207 : memref<1x128xi32, #tpu.memory_space<vmem>> -> memref<128xi32, #tpu.memory_space<vmem>>
      %dma_wait3A_209 = arith.constant 0 : i32
      %dma_wait3A_210 = arith.constant 0 : i32
      %dma_wait3A_211 = tpu.memref_slice %arg2[%dma_wait3A_209, %dma_wait3A_210] : memref<1000000x32xf32, #tpu.memory_space<hbm>> -> memref<1000000x32xf32, #tpu.memory_space<hbm>>
      tpu.wait_indirect_dma semaphore(%arg10 : memref<!tpu.dma_semaphore, #tpu.memory_space<semaphore_mem>>) src(%dma_wait3A_211 : memref<1000000x32xf32, #tpu.memory_space<hbm>>) dst(%dma_wait3A_205 : memref<128x32xf32, #tpu.memory_space<vmem>>)
      %scan3A_212 = arith.constant 0 : i32
      %scan3A_213 = arith.constant 64 : i32
      %scan3A_214 = arith.addi %scan3A_212, %scan3A_213 : i32
      %scan3A_215 = arith.constant 1 : i32
      scf.for %scan3A_988 = %scan3A_212 to %scan3A_214 step %scan3A_215  : i32 {
        %mul3A_989 = arith.constant 16 : i32
        %mul3A_990 = arith.muli %scan3A_988, %mul3A_989 : i32
        %get3A = arith.index_cast %mul3A_990 : i32 to index
        %get3A_991 = tpu.vector_load %arg7[%get3A] {strides = array<i32>} : memref<1024xf32, #tpu.memory_space<vmem>>, vector<16xf32>,
        %add3A_992 = arith.constant 0 : i32
        %add3A_993 = arith.addi %mul3A_990, %add3A_992 : i32
        %broadcast_in_dim3A = vector.broadcast %add3A_993 : i32 to vector<16xi32>
        %slice3A = vector.extract_strided_slice %get3A_991 {offsets = [0], sizes = [1], strides = [1]} : vector<16xf32> to vector<1xf32>
        %squeeze3A = vector.extract %slice3A[0] : f32 from vector<1xf32>
        %get3A_994 = arith.index_cast %add3A_993 : i32 to index
        %get3A_995 = arith.constant 0 : index
        %get3A_996 = tpu.vector_load %arg8[%get3A_994, %get3A_995] {strides = array<i32>} : memref<1024x32xf32, #tpu.memory_space<vmem>>, vector<16xf32>,
        %get3A_997 = arith.index_cast %add3A_993 : i32 to index
        %get3A_998 = arith.constant 16 : index
        %get3A_999 = tpu.vector_load %arg8[%get3A_997, %get3A_998] {strides = array<i32>} : memref<1024x32xf32, #tpu.memory_space<vmem>>, vector<16xf32>,
        %mul3A_1000 = vector.broadcast %squeeze3A : f32 to vector<16xf32>
        %mul3A_1001 = arith.mulf %get3A_996, %mul3A_1000 : vector<16xf32>
        tpu.vector_store_idx %arg9[%iota3A, %broadcast_in_dim3A], %mul3A_1001 : memref<32x1025xf32, #tpu.memory_space<vmem>>[vector<16xi32>, vector<16xi32>], vector<16xf32>,
        %add3A_1002 = arith.constant 16 : i32
        %add3A_1003 = vector.broadcast %add3A_1002 : i32 to vector<16xi32>
        %add3A_1004 = arith.addi %iota3A, %add3A_1003 : vector<16xi32>
        %mul3A_1005 = vector.broadcast %squeeze3A : f32 to vector<16xf32>
        %mul3A_1006 = arith.mulf %get3A_999, %mul3A_1005 : vector<16xf32>
        tpu.vector_store_idx %arg9[%add3A_1004, %broadcast_in_dim3A], %mul3A_1006 : memref<32x1025xf32, #tpu.memory_space<vmem>>[vector<16xi32>, vector<16xi32>], vector<16xf32>,
        %add3A_1007 = arith.constant 1 : i32
        %add3A_1008 = arith.addi %mul3A_990, %add3A_1007 : i32
        %broadcast_in_dim3A_1009 = vector.broadcast %add3A_1008 : i32 to vector<16xi32>
        %slice3A_1010 = vector.extract_strided_slice %get3A_991 {offsets = [1], sizes = [1], strides = [1]} : vector<16xf32> to vector<1xf32>
        %squeeze3A_1011 = vector.extract %slice3A_1010[0] : f32 from vector<1xf32>
        %get3A_1012 = arith.index_cast %add3A_1008 : i32 to index
        %get3A_1013 = arith.constant 0 : index
        %get3A_1014 = tpu.vector_load %arg8[%get3A_1012, %get3A_1013] {strides = array<i32>} : memref<1024x32xf32, #tpu.memory_space<vmem>>, vector<16xf32>,
        %get3A_1015 = arith.index_cast %add3A_1008 : i32 to index
        %get3A_1016 = arith.constant 16 : index
        %get3A_1017 = tpu.vector_load %arg8[%get3A_1015, %get3A_1016] {strides = array<i32>} : memref<1024x32xf32, #tpu.memory_space<vmem>>, vector<16xf32>,
        %mul3A_1018 = vector.broadcast %squeeze3A_1011 : f32 to vector<16xf32>
        %mul3A_1019 = arith.mulf %get3A_1014, %mul3A_1018 : vector<16xf32>
        tpu.vector_store_idx %arg9[%iota3A, %broadcast_in_dim3A_1009], %mul3A_1019 : memref<32x1025xf32, #tpu.memory_space<vmem>>[vector<16xi32>, vector<16xi32>], vector<16xf32>,
        %add3A_1020 = arith.constant 16 : i32
        %add3A_1021 = vector.broadcast %add3A_1020 : i32 to vector<16xi32>
        %add3A_1022 = arith.addi %iota3A, %add3A_1021 : vector<16xi32>
        %mul3A_1023 = vector.broadcast %squeeze3A_1011 : f32 to vector<16xf32>
        %mul3A_1024 = arith.mulf %get3A_1017, %mul3A_1023 : vector<16xf32>
        tpu.vector_store_idx %arg9[%add3A_1022, %broadcast_in_dim3A_1009], %mul3A_1024 : memref<32x1025xf32, #tpu.memory_space<vmem>>[vector<16xi32>, vector<16xi32>], vector<16xf32>,
        %add3A_1025 = arith.constant 2 : i32
        %add3A_1026 = arith.addi %mul3A_990, %add3A_1025 : i32
        %broadcast_in_dim3A_1027 = vector.broadcast %add3A_1026 : i32 to vector<16xi32>
        %slice3A_1028 = vector.extract_strided_slice %get3A_991 {offsets = [2], sizes = [1], strides = [1]} : vector<16xf32> to vector<1xf32>
        %squeeze3A_1029 = vector.extract %slice3A_1028[0] : f32 from vector<1xf32>
        %get3A_1030 = arith.index_cast %add3A_1026 : i32 to index
        %get3A_1031 = arith.constant 0 : index
        %get3A_1032 = tpu.vector_load %arg8[%get3A_1030, %get3A_1031] {strides = array<i32>} : memref<1024x32xf32, #tpu.memory_space<vmem>>, vector<16xf32>,
        %get3A_1033 = arith.index_cast %add3A_1026 : i32 to index
        %get3A_1034 = arith.constant 16 : index
        %get3A_1035 = tpu.vector_load %arg8[%get3A_1033, %get3A_1034] {strides = array<i32>} : memref<1024x32xf32, #tpu.memory_space<vmem>>, vector<16xf32>,
        %mul3A_1036 = vector.broadcast %squeeze3A_1029 : f32 to vector<16xf32>
        %mul3A_1037 = arith.mulf %get3A_1032, %mul3A_1036 : vector<16xf32>
        tpu.vector_store_idx %arg9[%iota3A, %broadcast_in_dim3A_1027], %mul3A_1037 : memref<32x1025xf32, #tpu.memory_space<vmem>>[vector<16xi32>, vector<16xi32>], vector<16xf32>,
        %add3A_1038 = arith.constant 16 : i32
        %add3A_1039 = vector.broadcast %add3A_1038 : i32 to vector<16xi32>
        %add3A_1040 = arith.addi %iota3A, %add3A_1039 : vector<16xi32>
        %mul3A_1041 = vector.broadcast %squeeze3A_1029 : f32 to vector<16xf32>
        %mul3A_1042 = arith.mulf %get3A_1035, %mul3A_1041 : vector<16xf32>
        tpu.vector_store_idx %arg9[%add3A_1040, %broadcast_in_dim3A_1027], %mul3A_1042 : memref<32x1025xf32, #tpu.memory_space<vmem>>[vector<16xi32>, vector<16xi32>], vector<16xf32>,
        %add3A_1043 = arith.constant 3 : i32
        %add3A_1044 = arith.addi %mul3A_990, %add3A_1043 : i32
        %broadcast_in_dim3A_1045 = vector.broadcast %add3A_1044 : i32 to vector<16xi32>
        %slice3A_1046 = vector.extract_strided_slice %get3A_991 {offsets = [3], sizes = [1], strides = [1]} : vector<16xf32> to vector<1xf32>
        %squeeze3A_1047 = vector.extract %slice3A_1046[0] : f32 from vector<1xf32>
        %get3A_1048 = arith.index_cast %add3A_1044 : i32 to index
        %get3A_1049 = arith.constant 0 : index
        %get3A_1050 = tpu.vector_load %arg8[%get3A_1048, %get3A_1049] {strides = array<i32>} : memref<1024x32xf32, #tpu.memory_space<vmem>>, vector<16xf32>,
        %get3A_1051 = arith.index_cast %add3A_1044 : i32 to index
        %get3A_1052 = arith.constant 16 : index
        %get3A_1053 = tpu.vector_load %arg8[%get3A_1051, %get3A_1052] {strides = array<i32>} : memref<1024x32xf32, #tpu.memory_space<vmem>>, vector<16xf32>,
        %mul3A_1054 = vector.broadcast %squeeze3A_1047 : f32 to vector<16xf32>
        %mul3A_1055 = arith.mulf %get3A_1050, %mul3A_1054 : vector<16xf32>
        tpu.vector_store_idx %arg9[%iota3A, %broadcast_in_dim3A_1045], %mul3A_1055 : memref<32x1025xf32, #tpu.memory_space<vmem>>[vector<16xi32>, vector<16xi32>], vector<16xf32>,
        %add3A_1056 = arith.constant 16 : i32
        %add3A_1057 = vector.broadcast %add3A_1056 : i32 to vector<16xi32>
        %add3A_1058 = arith.addi %iota3A, %add3A_1057 : vector<16xi32>
        %mul3A_1059 = vector.broadcast %squeeze3A_1047 : f32 to vector<16xf32>
        %mul3A_1060 = arith.mulf %get3A_1053, %mul3A_1059 : vector<16xf32>
        tpu.vector_store_idx %arg9[%add3A_1058, %broadcast_in_dim3A_1045], %mul3A_1060 : memref<32x1025xf32, #tpu.memory_space<vmem>>[vector<16xi32>, vector<16xi32>], vector<16xf32>,
        %add3A_1061 = arith.constant 4 : i32
        %add3A_1062 = arith.addi %mul3A_990, %add3A_1061 : i32
        %broadcast_in_dim3A_1063 = vector.broadcast %add3A_1062 : i32 to vector<16xi32>
        %slice3A_1064 = vector.extract_strided_slice %get3A_991 {offsets = [4], sizes = [1], strides = [1]} : vector<16xf32> to vector<1xf32>
        %squeeze3A_1065 = vector.extract %slice3A_1064[0] : f32 from vector<1xf32>
        %get3A_1066 = arith.index_cast %add3A_1062 : i32 to index
        %get3A_1067 = arith.constant 0 : index
        %get3A_1068 = tpu.vector_load %arg8[%get3A_1066, %get3A_1067] {strides = array<i32>} : memref<1024x32xf32, #tpu.memory_space<vmem>>, vector<16xf32>,
        %get3A_1069 = arith.index_cast %add3A_1062 : i32 to index
        %get3A_1070 = arith.constant 16 : index
        %get3A_1071 = tpu.vector_load %arg8[%get3A_1069, %get3A_1070] {strides = array<i32>} : memref<1024x32xf32, #tpu.memory_space<vmem>>, vector<16xf32>,
        %mul3A_1072 = vector.broadcast %squeeze3A_1065 : f32 to vector<16xf32>
        %mul3A_1073 = arith.mulf %get3A_1068, %mul3A_1072 : vector<16xf32>
        tpu.vector_store_idx %arg9[%iota3A, %broadcast_in_dim3A_1063], %mul3A_1073 : memref<32x1025xf32, #tpu.memory_space<vmem>>[vector<16xi32>, vector<16xi32>], vector<16xf32>,
        %add3A_1074 = arith.constant 16 : i32
        %add3A_1075 = vector.broadcast %add3A_1074 : i32 to vector<16xi32>
        %add3A_1076 = arith.addi %iota3A, %add3A_1075 : vector<16xi32>
        %mul3A_1077 = vector.broadcast %squeeze3A_1065 : f32 to vector<16xf32>
        %mul3A_1078 = arith.mulf %get3A_1071, %mul3A_1077 : vector<16xf32>
        tpu.vector_store_idx %arg9[%add3A_1076, %broadcast_in_dim3A_1063], %mul3A_1078 : memref<32x1025xf32, #tpu.memory_space<vmem>>[vector<16xi32>, vector<16xi32>], vector<16xf32>,
        %add3A_1079 = arith.constant 5 : i32
        %add3A_1080 = arith.addi %mul3A_990, %add3A_1079 : i32
        %broadcast_in_dim3A_1081 = vector.broadcast %add3A_1080 : i32 to vector<16xi32>
        %slice3A_1082 = vector.extract_strided_slice %get3A_991 {offsets = [5], sizes = [1], strides = [1]} : vector<16xf32> to vector<1xf32>
        %squeeze3A_1083 = vector.extract %slice3A_1082[0] : f32 from vector<1xf32>
        %get3A_1084 = arith.index_cast %add3A_1080 : i32 to index
        %get3A_1085 = arith.constant 0 : index
        %get3A_1086 = tpu.vector_load %arg8[%get3A_1084, %get3A_1085] {strides = array<i32>} : memref<1024x32xf32, #tpu.memory_space<vmem>>, vector<16xf32>,
        %get3A_1087 = arith.index_cast %add3A_1080 : i32 to index
        %get3A_1088 = arith.constant 16 : index
        %get3A_1089 = tpu.vector_load %arg8[%get3A_1087, %get3A_1088] {strides = array<i32>} : memref<1024x32xf32, #tpu.memory_space<vmem>>, vector<16xf32>,
        %mul3A_1090 = vector.broadcast %squeeze3A_1083 : f32 to vector<16xf32>
        %mul3A_1091 = arith.mulf %get3A_1086, %mul3A_1090 : vector<16xf32>
        tpu.vector_store_idx %arg9[%iota3A, %broadcast_in_dim3A_1081], %mul3A_1091 : memref<32x1025xf32, #tpu.memory_space<vmem>>[vector<16xi32>, vector<16xi32>], vector<16xf32>,
        %add3A_1092 = arith.constant 16 : i32
        %add3A_1093 = vector.broadcast %add3A_1092 : i32 to vector<16xi32>
        %add3A_1094 = arith.addi %iota3A, %add3A_1093 : vector<16xi32>
        %mul3A_1095 = vector.broadcast %squeeze3A_1083 : f32 to vector<16xf32>
        %mul3A_1096 = arith.mulf %get3A_1089, %mul3A_1095 : vector<16xf32>
        tpu.vector_store_idx %arg9[%add3A_1094, %broadcast_in_dim3A_1081], %mul3A_1096 : memref<32x1025xf32, #tpu.memory_space<vmem>>[vector<16xi32>, vector<16xi32>], vector<16xf32>,
        %add3A_1097 = arith.constant 6 : i32
        %add3A_1098 = arith.addi %mul3A_990, %add3A_1097 : i32
        %broadcast_in_dim3A_1099 = vector.broadcast %add3A_1098 : i32 to vector<16xi32>
        %slice3A_1100 = vector.extract_strided_slice %get3A_991 {offsets = [6], sizes = [1], strides = [1]} : vector<16xf32> to vector<1xf32>
        %squeeze3A_1101 = vector.extract %slice3A_1100[0] : f32 from vector<1xf32>
        %get3A_1102 = arith.index_cast %add3A_1098 : i32 to index
        %get3A_1103 = arith.constant 0 : index
        %get3A_1104 = tpu.vector_load %arg8[%get3A_1102, %get3A_1103] {strides = array<i32>} : memref<1024x32xf32, #tpu.memory_space<vmem>>, vector<16xf32>,
        %get3A_1105 = arith.index_cast %add3A_1098 : i32 to index
        %get3A_1106 = arith.constant 16 : index
        %get3A_1107 = tpu.vector_load %arg8[%get3A_1105, %get3A_1106] {strides = array<i32>} : memref<1024x32xf32, #tpu.memory_space<vmem>>, vector<16xf32>,
        %mul3A_1108 = vector.broadcast %squeeze3A_1101 : f32 to vector<16xf32>
        %mul3A_1109 = arith.mulf %get3A_1104, %mul3A_1108 : vector<16xf32>
        tpu.vector_store_idx %arg9[%iota3A, %broadcast_in_dim3A_1099], %mul3A_1109 : memref<32x1025xf32, #tpu.memory_space<vmem>>[vector<16xi32>, vector<16xi32>], vector<16xf32>,
        %add3A_1110 = arith.constant 16 : i32
        %add3A_1111 = vector.broadcast %add3A_1110 : i32 to vector<16xi32>
        %add3A_1112 = arith.addi %iota3A, %add3A_1111 : vector<16xi32>
        %mul3A_1113 = vector.broadcast %squeeze3A_1101 : f32 to vector<16xf32>
        %mul3A_1114 = arith.mulf %get3A_1107, %mul3A_1113 : vector<16xf32>
        tpu.vector_store_idx %arg9[%add3A_1112, %broadcast_in_dim3A_1099], %mul3A_1114 : memref<32x1025xf32, #tpu.memory_space<vmem>>[vector<16xi32>, vector<16xi32>], vector<16xf32>,
        %add3A_1115 = arith.constant 7 : i32
        %add3A_1116 = arith.addi %mul3A_990, %add3A_1115 : i32
        %broadcast_in_dim3A_1117 = vector.broadcast %add3A_1116 : i32 to vector<16xi32>
        %slice3A_1118 = vector.extract_strided_slice %get3A_991 {offsets = [7], sizes = [1], strides = [1]} : vector<16xf32> to vector<1xf32>
        %squeeze3A_1119 = vector.extract %slice3A_1118[0] : f32 from vector<1xf32>
        %get3A_1120 = arith.index_cast %add3A_1116 : i32 to index
        %get3A_1121 = arith.constant 0 : index
        %get3A_1122 = tpu.vector_load %arg8[%get3A_1120, %get3A_1121] {strides = array<i32>} : memref<1024x32xf32, #tpu.memory_space<vmem>>, vector<16xf32>,
        %get3A_1123 = arith.index_cast %add3A_1116 : i32 to index
        %get3A_1124 = arith.constant 16 : index
        %get3A_1125 = tpu.vector_load %arg8[%get3A_1123, %get3A_1124] {strides = array<i32>} : memref<1024x32xf32, #tpu.memory_space<vmem>>, vector<16xf32>,
        %mul3A_1126 = vector.broadcast %squeeze3A_1119 : f32 to vector<16xf32>
        %mul3A_1127 = arith.mulf %get3A_1122, %mul3A_1126 : vector<16xf32>
        tpu.vector_store_idx %arg9[%iota3A, %broadcast_in_dim3A_1117], %mul3A_1127 : memref<32x1025xf32, #tpu.memory_space<vmem>>[vector<16xi32>, vector<16xi32>], vector<16xf32>,
        %add3A_1128 = arith.constant 16 : i32
        %add3A_1129 = vector.broadcast %add3A_1128 : i32 to vector<16xi32>
        %add3A_1130 = arith.addi %iota3A, %add3A_1129 : vector<16xi32>
        %mul3A_1131 = vector.broadcast %squeeze3A_1119 : f32 to vector<16xf32>
        %mul3A_1132 = arith.mulf %get3A_1125, %mul3A_1131 : vector<16xf32>
        tpu.vector_store_idx %arg9[%add3A_1130, %broadcast_in_dim3A_1117], %mul3A_1132 : memref<32x1025xf32, #tpu.memory_space<vmem>>[vector<16xi32>, vector<16xi32>], vector<16xf32>,
        %add3A_1133 = arith.constant 8 : i32
        %add3A_1134 = arith.addi %mul3A_990, %add3A_1133 : i32
        %broadcast_in_dim3A_1135 = vector.broadcast %add3A_1134 : i32 to vector<16xi32>
        %slice3A_1136 = vector.extract_strided_slice %get3A_991 {offsets = [8], sizes = [1], strides = [1]} : vector<16xf32> to vector<1xf32>
        %squeeze3A_1137 = vector.extract %slice3A_1136[0] : f32 from vector<1xf32>
        %get3A_1138 = arith.index_cast %add3A_1134 : i32 to index
        %get3A_1139 = arith.constant 0 : index
        %get3A_1140 = tpu.vector_load %arg8[%get3A_1138, %get3A_1139] {strides = array<i32>} : memref<1024x32xf32, #tpu.memory_space<vmem>>, vector<16xf32>,
        %get3A_1141 = arith.index_cast %add3A_1134 : i32 to index
        %get3A_1142 = arith.constant 16 : index
        %get3A_1143 = tpu.vector_load %arg8[%get3A_1141, %get3A_1142] {strides = array<i32>} : memref<1024x32xf32, #tpu.memory_space<vmem>>, vector<16xf32>,
        %mul3A_1144 = vector.broadcast %squeeze3A_1137 : f32 to vector<16xf32>
        %mul3A_1145 = arith.mulf %get3A_1140, %mul3A_1144 : vector<16xf32>
        tpu.vector_store_idx %arg9[%iota3A, %broadcast_in_dim3A_1135], %mul3A_1145 : memref<32x1025xf32, #tpu.memory_space<vmem>>[vector<16xi32>, vector<16xi32>], vector<16xf32>,
        %add3A_1146 = arith.constant 16 : i32
        %add3A_1147 = vector.broadcast %add3A_1146 : i32 to vector<16xi32>
        %add3A_1148 = arith.addi %iota3A, %add3A_1147 : vector<16xi32>
        %mul3A_1149 = vector.broadcast %squeeze3A_1137 : f32 to vector<16xf32>
        %mul3A_1150 = arith.mulf %get3A_1143, %mul3A_1149 : vector<16xf32>
        tpu.vector_store_idx %arg9[%add3A_1148, %broadcast_in_dim3A_1135], %mul3A_1150 : memref<32x1025xf32, #tpu.memory_space<vmem>>[vector<16xi32>, vector<16xi32>], vector<16xf32>,
        %add3A_1151 = arith.constant 9 : i32
        %add3A_1152 = arith.addi %mul3A_990, %add3A_1151 : i32
        %broadcast_in_dim3A_1153 = vector.broadcast %add3A_1152 : i32 to vector<16xi32>
        %slice3A_1154 = vector.extract_strided_slice %get3A_991 {offsets = [9], sizes = [1], strides = [1]} : vector<16xf32> to vector<1xf32>
        %squeeze3A_1155 = vector.extract %slice3A_1154[0] : f32 from vector<1xf32>
        %get3A_1156 = arith.index_cast %add3A_1152 : i32 to index
        %get3A_1157 = arith.constant 0 : index
        %get3A_1158 = tpu.vector_load %arg8[%get3A_1156, %get3A_1157] {strides = array<i32>} : memref<1024x32xf32, #tpu.memory_space<vmem>>, vector<16xf32>,
        %get3A_1159 = arith.index_cast %add3A_1152 : i32 to index
        %get3A_1160 = arith.constant 16 : index
        %get3A_1161 = tpu.vector_load %arg8[%get3A_1159, %get3A_1160] {strides = array<i32>} : memref<1024x32xf32, #tpu.memory_space<vmem>>, vector<16xf32>,
        %mul3A_1162 = vector.broadcast %squeeze3A_1155 : f32 to vector<16xf32>
        %mul3A_1163 = arith.mulf %get3A_1158, %mul3A_1162 : vector<16xf32>
        tpu.vector_store_idx %arg9[%iota3A, %broadcast_in_dim3A_1153], %mul3A_1163 : memref<32x1025xf32, #tpu.memory_space<vmem>>[vector<16xi32>, vector<16xi32>], vector<16xf32>,
        %add3A_1164 = arith.constant 16 : i32
        %add3A_1165 = vector.broadcast %add3A_1164 : i32 to vector<16xi32>
        %add3A_1166 = arith.addi %iota3A, %add3A_1165 : vector<16xi32>
        %mul3A_1167 = vector.broadcast %squeeze3A_1155 : f32 to vector<16xf32>
        %mul3A_1168 = arith.mulf %get3A_1161, %mul3A_1167 : vector<16xf32>
        tpu.vector_store_idx %arg9[%add3A_1166, %broadcast_in_dim3A_1153], %mul3A_1168 : memref<32x1025xf32, #tpu.memory_space<vmem>>[vector<16xi32>, vector<16xi32>], vector<16xf32>,
        %add3A_1169 = arith.constant 10 : i32
        %add3A_1170 = arith.addi %mul3A_990, %add3A_1169 : i32
        %broadcast_in_dim3A_1171 = vector.broadcast %add3A_1170 : i32 to vector<16xi32>
        %slice3A_1172 = vector.extract_strided_slice %get3A_991 {offsets = [10], sizes = [1], strides = [1]} : vector<16xf32> to vector<1xf32>
        %squeeze3A_1173 = vector.extract %slice3A_1172[0] : f32 from vector<1xf32>
        %get3A_1174 = arith.index_cast %add3A_1170 : i32 to index
        %get3A_1175 = arith.constant 0 : index
        %get3A_1176 = tpu.vector_load %arg8[%get3A_1174, %get3A_1175] {strides = array<i32>} : memref<1024x32xf32, #tpu.memory_space<vmem>>, vector<16xf32>,
        %get3A_1177 = arith.index_cast %add3A_1170 : i32 to index
        %get3A_1178 = arith.constant 16 : index
        %get3A_1179 = tpu.vector_load %arg8[%get3A_1177, %get3A_1178] {strides = array<i32>} : memref<1024x32xf32, #tpu.memory_space<vmem>>, vector<16xf32>,
        %mul3A_1180 = vector.broadcast %squeeze3A_1173 : f32 to vector<16xf32>
        %mul3A_1181 = arith.mulf %get3A_1176, %mul3A_1180 : vector<16xf32>
        tpu.vector_store_idx %arg9[%iota3A, %broadcast_in_dim3A_1171], %mul3A_1181 : memref<32x1025xf32, #tpu.memory_space<vmem>>[vector<16xi32>, vector<16xi32>], vector<16xf32>,
        %add3A_1182 = arith.constant 16 : i32
        %add3A_1183 = vector.broadcast %add3A_1182 : i32 to vector<16xi32>
        %add3A_1184 = arith.addi %iota3A, %add3A_1183 : vector<16xi32>
        %mul3A_1185 = vector.broadcast %squeeze3A_1173 : f32 to vector<16xf32>
        %mul3A_1186 = arith.mulf %get3A_1179, %mul3A_1185 : vector<16xf32>
        tpu.vector_store_idx %arg9[%add3A_1184, %broadcast_in_dim3A_1171], %mul3A_1186 : memref<32x1025xf32, #tpu.memory_space<vmem>>[vector<16xi32>, vector<16xi32>], vector<16xf32>,
        %add3A_1187 = arith.constant 11 : i32
        %add3A_1188 = arith.addi %mul3A_990, %add3A_1187 : i32
        %broadcast_in_dim3A_1189 = vector.broadcast %add3A_1188 : i32 to vector<16xi32>
        %slice3A_1190 = vector.extract_strided_slice %get3A_991 {offsets = [11], sizes = [1], strides = [1]} : vector<16xf32> to vector<1xf32>
        %squeeze3A_1191 = vector.extract %slice3A_1190[0] : f32 from vector<1xf32>
        %get3A_1192 = arith.index_cast %add3A_1188 : i32 to index
        %get3A_1193 = arith.constant 0 : index
        %get3A_1194 = tpu.vector_load %arg8[%get3A_1192, %get3A_1193] {strides = array<i32>} : memref<1024x32xf32, #tpu.memory_space<vmem>>, vector<16xf32>,
        %get3A_1195 = arith.index_cast %add3A_1188 : i32 to index
        %get3A_1196 = arith.constant 16 : index
        %get3A_1197 = tpu.vector_load %arg8[%get3A_1195, %get3A_1196] {strides = array<i32>} : memref<1024x32xf32, #tpu.memory_space<vmem>>, vector<16xf32>,
        %mul3A_1198 = vector.broadcast %squeeze3A_1191 : f32 to vector<16xf32>
        %mul3A_1199 = arith.mulf %get3A_1194, %mul3A_1198 : vector<16xf32>
        tpu.vector_store_idx %arg9[%iota3A, %broadcast_in_dim3A_1189], %mul3A_1199 : memref<32x1025xf32, #tpu.memory_space<vmem>>[vector<16xi32>, vector<16xi32>], vector<16xf32>,
        %add3A_1200 = arith.constant 16 : i32
        %add3A_1201 = vector.broadcast %add3A_1200 : i32 to vector<16xi32>
        %add3A_1202 = arith.addi %iota3A, %add3A_1201 : vector<16xi32>
        %mul3A_1203 = vector.broadcast %squeeze3A_1191 : f32 to vector<16xf32>
        %mul3A_1204 = arith.mulf %get3A_1197, %mul3A_1203 : vector<16xf32>
        tpu.vector_store_idx %arg9[%add3A_1202, %broadcast_in_dim3A_1189], %mul3A_1204 : memref<32x1025xf32, #tpu.memory_space<vmem>>[vector<16xi32>, vector<16xi32>], vector<16xf32>,
        %add3A_1205 = arith.constant 12 : i32
        %add3A_1206 = arith.addi %mul3A_990, %add3A_1205 : i32
        %broadcast_in_dim3A_1207 = vector.broadcast %add3A_1206 : i32 to vector<16xi32>
        %slice3A_1208 = vector.extract_strided_slice %get3A_991 {offsets = [12], sizes = [1], strides = [1]} : vector<16xf32> to vector<1xf32>
        %squeeze3A_1209 = vector.extract %slice3A_1208[0] : f32 from vector<1xf32>
        %get3A_1210 = arith.index_cast %add3A_1206 : i32 to index
        %get3A_1211 = arith.constant 0 : index
        %get3A_1212 = tpu.vector_load %arg8[%get3A_1210, %get3A_1211] {strides = array<i32>} : memref<1024x32xf32, #tpu.memory_space<vmem>>, vector<16xf32>,
        %get3A_1213 = arith.index_cast %add3A_1206 : i32 to index
        %get3A_1214 = arith.constant 16 : index
        %get3A_1215 = tpu.vector_load %arg8[%get3A_1213, %get3A_1214] {strides = array<i32>} : memref<1024x32xf32, #tpu.memory_space<vmem>>, vector<16xf32>,
        %mul3A_1216 = vector.broadcast %squeeze3A_1209 : f32 to vector<16xf32>
        %mul3A_1217 = arith.mulf %get3A_1212, %mul3A_1216 : vector<16xf32>
        tpu.vector_store_idx %arg9[%iota3A, %broadcast_in_dim3A_1207], %mul3A_1217 : memref<32x1025xf32, #tpu.memory_space<vmem>>[vector<16xi32>, vector<16xi32>], vector<16xf32>,
        %add3A_1218 = arith.constant 16 : i32
        %add3A_1219 = vector.broadcast %add3A_1218 : i32 to vector<16xi32>
        %add3A_1220 = arith.addi %iota3A, %add3A_1219 : vector<16xi32>
        %mul3A_1221 = vector.broadcast %squeeze3A_1209 : f32 to vector<16xf32>
        %mul3A_1222 = arith.mulf %get3A_1215, %mul3A_1221 : vector<16xf32>
        tpu.vector_store_idx %arg9[%add3A_1220, %broadcast_in_dim3A_1207], %mul3A_1222 : memref<32x1025xf32, #tpu.memory_space<vmem>>[vector<16xi32>, vector<16xi32>], vector<16xf32>,
        %add3A_1223 = arith.constant 13 : i32
        %add3A_1224 = arith.addi %mul3A_990, %add3A_1223 : i32
        %broadcast_in_dim3A_1225 = vector.broadcast %add3A_1224 : i32 to vector<16xi32>
        %slice3A_1226 = vector.extract_strided_slice %get3A_991 {offsets = [13], sizes = [1], strides = [1]} : vector<16xf32> to vector<1xf32>
        %squeeze3A_1227 = vector.extract %slice3A_1226[0] : f32 from vector<1xf32>
        %get3A_1228 = arith.index_cast %add3A_1224 : i32 to index
        %get3A_1229 = arith.constant 0 : index
        %get3A_1230 = tpu.vector_load %arg8[%get3A_1228, %get3A_1229] {strides = array<i32>} : memref<1024x32xf32, #tpu.memory_space<vmem>>, vector<16xf32>,
        %get3A_1231 = arith.index_cast %add3A_1224 : i32 to index
        %get3A_1232 = arith.constant 16 : index
        %get3A_1233 = tpu.vector_load %arg8[%get3A_1231, %get3A_1232] {strides = array<i32>} : memref<1024x32xf32, #tpu.memory_space<vmem>>, vector<16xf32>,
        %mul3A_1234 = vector.broadcast %squeeze3A_1227 : f32 to vector<16xf32>
        %mul3A_1235 = arith.mulf %get3A_1230, %mul3A_1234 : vector<16xf32>
        tpu.vector_store_idx %arg9[%iota3A, %broadcast_in_dim3A_1225], %mul3A_1235 : memref<32x1025xf32, #tpu.memory_space<vmem>>[vector<16xi32>, vector<16xi32>], vector<16xf32>,
        %add3A_1236 = arith.constant 16 : i32
        %add3A_1237 = vector.broadcast %add3A_1236 : i32 to vector<16xi32>
        %add3A_1238 = arith.addi %iota3A, %add3A_1237 : vector<16xi32>
        %mul3A_1239 = vector.broadcast %squeeze3A_1227 : f32 to vector<16xf32>
        %mul3A_1240 = arith.mulf %get3A_1233, %mul3A_1239 : vector<16xf32>
        tpu.vector_store_idx %arg9[%add3A_1238, %broadcast_in_dim3A_1225], %mul3A_1240 : memref<32x1025xf32, #tpu.memory_space<vmem>>[vector<16xi32>, vector<16xi32>], vector<16xf32>,
        %add3A_1241 = arith.constant 14 : i32
        %add3A_1242 = arith.addi %mul3A_990, %add3A_1241 : i32
        %broadcast_in_dim3A_1243 = vector.broadcast %add3A_1242 : i32 to vector<16xi32>
        %slice3A_1244 = vector.extract_strided_slice %get3A_991 {offsets = [14], sizes = [1], strides = [1]} : vector<16xf32> to vector<1xf32>
        %squeeze3A_1245 = vector.extract %slice3A_1244[0] : f32 from vector<1xf32>
        %get3A_1246 = arith.index_cast %add3A_1242 : i32 to index
        %get3A_1247 = arith.constant 0 : index
        %get3A_1248 = tpu.vector_load %arg8[%get3A_1246, %get3A_1247] {strides = array<i32>} : memref<1024x32xf32, #tpu.memory_space<vmem>>, vector<16xf32>,
        %get3A_1249 = arith.index_cast %add3A_1242 : i32 to index
        %get3A_1250 = arith.constant 16 : index
        %get3A_1251 = tpu.vector_load %arg8[%get3A_1249, %get3A_1250] {strides = array<i32>} : memref<1024x32xf32, #tpu.memory_space<vmem>>, vector<16xf32>,
        %mul3A_1252 = vector.broadcast %squeeze3A_1245 : f32 to vector<16xf32>
        %mul3A_1253 = arith.mulf %get3A_1248, %mul3A_1252 : vector<16xf32>
        tpu.vector_store_idx %arg9[%iota3A, %broadcast_in_dim3A_1243], %mul3A_1253 : memref<32x1025xf32, #tpu.memory_space<vmem>>[vector<16xi32>, vector<16xi32>], vector<16xf32>,
        %add3A_1254 = arith.constant 16 : i32
        %add3A_1255 = vector.broadcast %add3A_1254 : i32 to vector<16xi32>
        %add3A_1256 = arith.addi %iota3A, %add3A_1255 : vector<16xi32>
        %mul3A_1257 = vector.broadcast %squeeze3A_1245 : f32 to vector<16xf32>
        %mul3A_1258 = arith.mulf %get3A_1251, %mul3A_1257 : vector<16xf32>
        tpu.vector_store_idx %arg9[%add3A_1256, %broadcast_in_dim3A_1243], %mul3A_1258 : memref<32x1025xf32, #tpu.memory_space<vmem>>[vector<16xi32>, vector<16xi32>], vector<16xf32>,
        %add3A_1259 = arith.constant 15 : i32
        %add3A_1260 = arith.addi %mul3A_990, %add3A_1259 : i32
        %broadcast_in_dim3A_1261 = vector.broadcast %add3A_1260 : i32 to vector<16xi32>
        %slice3A_1262 = vector.extract_strided_slice %get3A_991 {offsets = [15], sizes = [1], strides = [1]} : vector<16xf32> to vector<1xf32>
        %squeeze3A_1263 = vector.extract %slice3A_1262[0] : f32 from vector<1xf32>
        %get3A_1264 = arith.index_cast %add3A_1260 : i32 to index
        %get3A_1265 = arith.constant 0 : index
        %get3A_1266 = tpu.vector_load %arg8[%get3A_1264, %get3A_1265] {strides = array<i32>} : memref<1024x32xf32, #tpu.memory_space<vmem>>, vector<16xf32>,
        %get3A_1267 = arith.index_cast %add3A_1260 : i32 to index
        %get3A_1268 = arith.constant 16 : index
        %get3A_1269 = tpu.vector_load %arg8[%get3A_1267, %get3A_1268] {strides = array<i32>} : memref<1024x32xf32, #tpu.memory_space<vmem>>, vector<16xf32>,
        %mul3A_1270 = vector.broadcast %squeeze3A_1263 : f32 to vector<16xf32>
        %mul3A_1271 = arith.mulf %get3A_1266, %mul3A_1270 : vector<16xf32>
        tpu.vector_store_idx %arg9[%iota3A, %broadcast_in_dim3A_1261], %mul3A_1271 : memref<32x1025xf32, #tpu.memory_space<vmem>>[vector<16xi32>, vector<16xi32>], vector<16xf32>,
        %add3A_1272 = arith.constant 16 : i32
        %add3A_1273 = vector.broadcast %add3A_1272 : i32 to vector<16xi32>
        %add3A_1274 = arith.addi %iota3A, %add3A_1273 : vector<16xi32>
        %mul3A_1275 = vector.broadcast %squeeze3A_1263 : f32 to vector<16xf32>
        %mul3A_1276 = arith.mulf %get3A_1269, %mul3A_1275 : vector<16xf32>
        tpu.vector_store_idx %arg9[%add3A_1274, %broadcast_in_dim3A_1261], %mul3A_1276 : memref<32x1025xf32, #tpu.memory_space<vmem>>[vector<16xi32>, vector<16xi32>], vector<16xf32>,
      }
      %scan3A_216 = arith.constant 64 : i32
      %mul3A_217 = arith.constant 1024 : i32
      %mul3A_218 = arith.muli %scan3A_26, %mul3A_217 : i32
      %add3A_219 = arith.addi %sub3A_21, %mul3A_218 : i32
      %dma_start3A_220 = arith.constant 0 : i32
      %dma_start3A_221 = arith.constant 0 : i32
      %dma_start3A_222 = arith.constant 0 : i32
      %dma_start3A_223 = tpu.memref_slice %arg9[%dma_start3A_220, %dma_start3A_222] : memref<32x1025xf32, #tpu.memory_space<vmem>> -> memref<1x1024xf32, #tpu.memory_space<vmem>>
      %dma_start3A_224 = tpu.memref_squeeze %dma_start3A_223 : memref<1x1024xf32, #tpu.memory_space<vmem>> -> memref<1024xf32, #tpu.memory_space<vmem>>
      %dma_start3A_225 = tpu.memref_slice %arg5[%select_n3A, %dma_start3A_221, %add3A_219] : memref<4x32x262144xf32, #tpu.memory_space<hbm>> -> memref<1x1x1024xf32, #tpu.memory_space<hbm>>
      %dma_start3A_226 = tpu.memref_squeeze %dma_start3A_225 : memref<1x1x1024xf32, #tpu.memory_space<hbm>> -> memref<1024xf32, #tpu.memory_space<hbm>>
      %dma_start3A_227 = tpu.memref_slice %arg5[%select_n3A, %dma_start3A_221, %add3A_219] : memref<4x32x262144xf32, #tpu.memory_space<hbm>> -> memref<1x1x1024xf32, #tpu.memory_space<hbm>>
      %dma_start3A_228 = tpu.memref_squeeze %dma_start3A_227 : memref<1x1x1024xf32, #tpu.memory_space<hbm>> -> memref<1024xf32, #tpu.memory_space<hbm>>
      %dma_start3A_229 = arith.constant 0 : i32
      %dma_start3A_230 = tpu.memref_slice %arg9[%dma_start3A_220, %dma_start3A_229] : memref<32x1025xf32, #tpu.memory_space<vmem>> -> memref<1x1024xf32, #tpu.memory_space<vmem>>
      %dma_start3A_231 = tpu.memref_squeeze %dma_start3A_230 : memref<1x1024xf32, #tpu.memory_space<vmem>> -> memref<1024xf32, #tpu.memory_space<vmem>>
      tpu.enqueue_dma source(%dma_start3A_231 : memref<1024xf32, #tpu.memory_space<vmem>>) target(%dma_start3A_228 : memref<1024xf32, #tpu.memory_space<hbm>>) target_semaphore(%arg11 : memref<!tpu.dma_semaphore, #tpu.memory_space<semaphore_mem>>)
      %dma_start3A_232 = arith.constant 1 : i32
      %dma_start3A_233 = arith.constant 1 : i32
      %dma_start3A_234 = arith.constant 0 : i32
      %dma_start3A_235 = tpu.memref_slice %arg9[%dma_start3A_232, %dma_start3A_234] : memref<32x1025xf32, #tpu.memory_space<vmem>> -> memref<1x1024xf32, #tpu.memory_space<vmem>>
      %dma_start3A_236 = tpu.memref_squeeze %dma_start3A_235 : memref<1x1024xf32, #tpu.memory_space<vmem>> -> memref<1024xf32, #tpu.memory_space<vmem>>
      %dma_start3A_237 = tpu.memref_slice %arg5[%select_n3A, %dma_start3A_233, %add3A_219] : memref<4x32x262144xf32, #tpu.memory_space<hbm>> -> memref<1x1x1024xf32, #tpu.memory_space<hbm>>
      %dma_start3A_238 = tpu.memref_squeeze %dma_start3A_237 : memref<1x1x1024xf32, #tpu.memory_space<hbm>> -> memref<1024xf32, #tpu.memory_space<hbm>>
      %dma_start3A_239 = tpu.memref_slice %arg5[%select_n3A, %dma_start3A_233, %add3A_219] : memref<4x32x262144xf32, #tpu.memory_space<hbm>> -> memref<1x1x1024xf32, #tpu.memory_space<hbm>>
      %dma_start3A_240 = tpu.memref_squeeze %dma_start3A_239 : memref<1x1x1024xf32, #tpu.memory_space<hbm>> -> memref<1024xf32, #tpu.memory_space<hbm>>
      %dma_start3A_241 = arith.constant 0 : i32
      %dma_start3A_242 = tpu.memref_slice %arg9[%dma_start3A_232, %dma_start3A_241] : memref<32x1025xf32, #tpu.memory_space<vmem>> -> memref<1x1024xf32, #tpu.memory_space<vmem>>
      %dma_start3A_243 = tpu.memref_squeeze %dma_start3A_242 : memref<1x1024xf32, #tpu.memory_space<vmem>> -> memref<1024xf32, #tpu.memory_space<vmem>>
      tpu.enqueue_dma source(%dma_start3A_243 : memref<1024xf32, #tpu.memory_space<vmem>>) target(%dma_start3A_240 : memref<1024xf32, #tpu.memory_space<hbm>>) target_semaphore(%arg11 : memref<!tpu.dma_semaphore, #tpu.memory_space<semaphore_mem>>)
      %dma_start3A_244 = arith.constant 2 : i32
      %dma_start3A_245 = arith.constant 2 : i32
      %dma_start3A_246 = arith.constant 0 : i32
      %dma_start3A_247 = tpu.memref_slice %arg9[%dma_start3A_244, %dma_start3A_246] : memref<32x1025xf32, #tpu.memory_space<vmem>> -> memref<1x1024xf32, #tpu.memory_space<vmem>>
      %dma_start3A_248 = tpu.memref_squeeze %dma_start3A_247 : memref<1x1024xf32, #tpu.memory_space<vmem>> -> memref<1024xf32, #tpu.memory_space<vmem>>
      %dma_start3A_249 = tpu.memref_slice %arg5[%select_n3A, %dma_start3A_245, %add3A_219] : memref<4x32x262144xf32, #tpu.memory_space<hbm>> -> memref<1x1x1024xf32, #tpu.memory_space<hbm>>
      %dma_start3A_250 = tpu.memref_squeeze %dma_start3A_249 : memref<1x1x1024xf32, #tpu.memory_space<hbm>> -> memref<1024xf32, #tpu.memory_space<hbm>>
      %dma_start3A_251 = tpu.memref_slice %arg5[%select_n3A, %dma_start3A_245, %add3A_219] : memref<4x32x262144xf32, #tpu.memory_space<hbm>> -> memref<1x1x1024xf32, #tpu.memory_space<hbm>>
      %dma_start3A_252 = tpu.memref_squeeze %dma_start3A_251 : memref<1x1x1024xf32, #tpu.memory_space<hbm>> -> memref<1024xf32, #tpu.memory_space<hbm>>
      %dma_start3A_253 = arith.constant 0 : i32
      %dma_start3A_254 = tpu.memref_slice %arg9[%dma_start3A_244, %dma_start3A_253] : memref<32x1025xf32, #tpu.memory_space<vmem>> -> memref<1x1024xf32, #tpu.memory_space<vmem>>
      %dma_start3A_255 = tpu.memref_squeeze %dma_start3A_254 : memref<1x1024xf32, #tpu.memory_space<vmem>> -> memref<1024xf32, #tpu.memory_space<vmem>>
      tpu.enqueue_dma source(%dma_start3A_255 : memref<1024xf32, #tpu.memory_space<vmem>>) target(%dma_start3A_252 : memref<1024xf32, #tpu.memory_space<hbm>>) target_semaphore(%arg11 : memref<!tpu.dma_semaphore, #tpu.memory_space<semaphore_mem>>)
      %dma_start3A_256 = arith.constant 3 : i32
      %dma_start3A_257 = arith.constant 3 : i32
      %dma_start3A_258 = arith.constant 0 : i32
      %dma_start3A_259 = tpu.memref_slice %arg9[%dma_start3A_256, %dma_start3A_258] : memref<32x1025xf32, #tpu.memory_space<vmem>> -> memref<1x1024xf32, #tpu.memory_space<vmem>>
      %dma_start3A_260 = tpu.memref_squeeze %dma_start3A_259 : memref<1x1024xf32, #tpu.memory_space<vmem>> -> memref<1024xf32, #tpu.memory_space<vmem>>
      %dma_start3A_261 = tpu.memref_slice %arg5[%select_n3A, %dma_start3A_257, %add3A_219] : memref<4x32x262144xf32, #tpu.memory_space<hbm>> -> memref<1x1x1024xf32, #tpu.memory_space<hbm>>
      %dma_start3A_262 = tpu.memref_squeeze %dma_start3A_261 : memref<1x1x1024xf32, #tpu.memory_space<hbm>> -> memref<1024xf32, #tpu.memory_space<hbm>>
      %dma_start3A_263 = tpu.memref_slice %arg5[%select_n3A, %dma_start3A_257, %add3A_219] : memref<4x32x262144xf32, #tpu.memory_space<hbm>> -> memref<1x1x1024xf32, #tpu.memory_space<hbm>>
      %dma_start3A_264 = tpu.memref_squeeze %dma_start3A_263 : memref<1x1x1024xf32, #tpu.memory_space<hbm>> -> memref<1024xf32, #tpu.memory_space<hbm>>
      %dma_start3A_265 = arith.constant 0 : i32
      %dma_start3A_266 = tpu.memref_slice %arg9[%dma_start3A_256, %dma_start3A_265] : memref<32x1025xf32, #tpu.memory_space<vmem>> -> memref<1x1024xf32, #tpu.memory_space<vmem>>
      %dma_start3A_267 = tpu.memref_squeeze %dma_start3A_266 : memref<1x1024xf32, #tpu.memory_space<vmem>> -> memref<1024xf32, #tpu.memory_space<vmem>>
      tpu.enqueue_dma source(%dma_start3A_267 : memref<1024xf32, #tpu.memory_space<vmem>>) target(%dma_start3A_264 : memref<1024xf32, #tpu.memory_space<hbm>>) target_semaphore(%arg11 : memref<!tpu.dma_semaphore, #tpu.memory_space<semaphore_mem>>)
      %dma_start3A_268 = arith.constant 4 : i32
      %dma_start3A_269 = arith.constant 4 : i32
      %dma_start3A_270 = arith.constant 0 : i32
      %dma_start3A_271 = tpu.memref_slice %arg9[%dma_start3A_268, %dma_start3A_270] : memref<32x1025xf32, #tpu.memory_space<vmem>> -> memref<1x1024xf32, #tpu.memory_space<vmem>>
      %dma_start3A_272 = tpu.memref_squeeze %dma_start3A_271 : memref<1x1024xf32, #tpu.memory_space<vmem>> -> memref<1024xf32, #tpu.memory_space<vmem>>
      %dma_start3A_273 = tpu.memref_slice %arg5[%select_n3A, %dma_start3A_269, %add3A_219] : memref<4x32x262144xf32, #tpu.memory_space<hbm>> -> memref<1x1x1024xf32, #tpu.memory_space<hbm>>
      %dma_start3A_274 = tpu.memref_squeeze %dma_start3A_273 : memref<1x1x1024xf32, #tpu.memory_space<hbm>> -> memref<1024xf32, #tpu.memory_space<hbm>>
      %dma_start3A_275 = tpu.memref_slice %arg5[%select_n3A, %dma_start3A_269, %add3A_219] : memref<4x32x262144xf32, #tpu.memory_space<hbm>> -> memref<1x1x1024xf32, #tpu.memory_space<hbm>>
      %dma_start3A_276 = tpu.memref_squeeze %dma_start3A_275 : memref<1x1x1024xf32, #tpu.memory_space<hbm>> -> memref<1024xf32, #tpu.memory_space<hbm>>
      %dma_start3A_277 = arith.constant 0 : i32
      %dma_start3A_278 = tpu.memref_slice %arg9[%dma_start3A_268, %dma_start3A_277] : memref<32x1025xf32, #tpu.memory_space<vmem>> -> memref<1x1024xf32, #tpu.memory_space<vmem>>
      %dma_start3A_279 = tpu.memref_squeeze %dma_start3A_278 : memref<1x1024xf32, #tpu.memory_space<vmem>> -> memref<1024xf32, #tpu.memory_space<vmem>>
      tpu.enqueue_dma source(%dma_start3A_279 : memref<1024xf32, #tpu.memory_space<vmem>>) target(%dma_start3A_276 : memref<1024xf32, #tpu.memory_space<hbm>>) target_semaphore(%arg11 : memref<!tpu.dma_semaphore, #tpu.memory_space<semaphore_mem>>)
      %dma_start3A_280 = arith.constant 5 : i32
      %dma_start3A_281 = arith.constant 5 : i32
      %dma_start3A_282 = arith.constant 0 : i32
      %dma_start3A_283 = tpu.memref_slice %arg9[%dma_start3A_280, %dma_start3A_282] : memref<32x1025xf32, #tpu.memory_space<vmem>> -> memref<1x1024xf32, #tpu.memory_space<vmem>>
      %dma_start3A_284 = tpu.memref_squeeze %dma_start3A_283 : memref<1x1024xf32, #tpu.memory_space<vmem>> -> memref<1024xf32, #tpu.memory_space<vmem>>
      %dma_start3A_285 = tpu.memref_slice %arg5[%select_n3A, %dma_start3A_281, %add3A_219] : memref<4x32x262144xf32, #tpu.memory_space<hbm>> -> memref<1x1x1024xf32, #tpu.memory_space<hbm>>
      %dma_start3A_286 = tpu.memref_squeeze %dma_start3A_285 : memref<1x1x1024xf32, #tpu.memory_space<hbm>> -> memref<1024xf32, #tpu.memory_space<hbm>>
      %dma_start3A_287 = tpu.memref_slice %arg5[%select_n3A, %dma_start3A_281, %add3A_219] : memref<4x32x262144xf32, #tpu.memory_space<hbm>> -> memref<1x1x1024xf32, #tpu.memory_space<hbm>>
      %dma_start3A_288 = tpu.memref_squeeze %dma_start3A_287 : memref<1x1x1024xf32, #tpu.memory_space<hbm>> -> memref<1024xf32, #tpu.memory_space<hbm>>
      %dma_start3A_289 = arith.constant 0 : i32
      %dma_start3A_290 = tpu.memref_slice %arg9[%dma_start3A_280, %dma_start3A_289] : memref<32x1025xf32, #tpu.memory_space<vmem>> -> memref<1x1024xf32, #tpu.memory_space<vmem>>
      %dma_start3A_291 = tpu.memref_squeeze %dma_start3A_290 : memref<1x1024xf32, #tpu.memory_space<vmem>> -> memref<1024xf32, #tpu.memory_space<vmem>>
      tpu.enqueue_dma source(%dma_start3A_291 : memref<1024xf32, #tpu.memory_space<vmem>>) target(%dma_start3A_288 : memref<1024xf32, #tpu.memory_space<hbm>>) target_semaphore(%arg11 : memref<!tpu.dma_semaphore, #tpu.memory_space<semaphore_mem>>)
      %dma_start3A_292 = arith.constant 6 : i32
      %dma_start3A_293 = arith.constant 6 : i32
      %dma_start3A_294 = arith.constant 0 : i32
      %dma_start3A_295 = tpu.memref_slice %arg9[%dma_start3A_292, %dma_start3A_294] : memref<32x1025xf32, #tpu.memory_space<vmem>> -> memref<1x1024xf32, #tpu.memory_space<vmem>>
      %dma_start3A_296 = tpu.memref_squeeze %dma_start3A_295 : memref<1x1024xf32, #tpu.memory_space<vmem>> -> memref<1024xf32, #tpu.memory_space<vmem>>
      %dma_start3A_297 = tpu.memref_slice %arg5[%select_n3A, %dma_start3A_293, %add3A_219] : memref<4x32x262144xf32, #tpu.memory_space<hbm>> -> memref<1x1x1024xf32, #tpu.memory_space<hbm>>
      %dma_start3A_298 = tpu.memref_squeeze %dma_start3A_297 : memref<1x1x1024xf32, #tpu.memory_space<hbm>> -> memref<1024xf32, #tpu.memory_space<hbm>>
      %dma_start3A_299 = tpu.memref_slice %arg5[%select_n3A, %dma_start3A_293, %add3A_219] : memref<4x32x262144xf32, #tpu.memory_space<hbm>> -> memref<1x1x1024xf32, #tpu.memory_space<hbm>>
      %dma_start3A_300 = tpu.memref_squeeze %dma_start3A_299 : memref<1x1x1024xf32, #tpu.memory_space<hbm>> -> memref<1024xf32, #tpu.memory_space<hbm>>
      %dma_start3A_301 = arith.constant 0 : i32
      %dma_start3A_302 = tpu.memref_slice %arg9[%dma_start3A_292, %dma_start3A_301] : memref<32x1025xf32, #tpu.memory_space<vmem>> -> memref<1x1024xf32, #tpu.memory_space<vmem>>
      %dma_start3A_303 = tpu.memref_squeeze %dma_start3A_302 : memref<1x1024xf32, #tpu.memory_space<vmem>> -> memref<1024xf32, #tpu.memory_space<vmem>>
      tpu.enqueue_dma source(%dma_start3A_303 : memref<1024xf32, #tpu.memory_space<vmem>>) target(%dma_start3A_300 : memref<1024xf32, #tpu.memory_space<hbm>>) target_semaphore(%arg11 : memref<!tpu.dma_semaphore, #tpu.memory_space<semaphore_mem>>)
      %dma_start3A_304 = arith.constant 7 : i32
      %dma_start3A_305 = arith.constant 7 : i32
      %dma_start3A_306 = arith.constant 0 : i32
      %dma_start3A_307 = tpu.memref_slice %arg9[%dma_start3A_304, %dma_start3A_306] : memref<32x1025xf32, #tpu.memory_space<vmem>> -> memref<1x1024xf32, #tpu.memory_space<vmem>>
      %dma_start3A_308 = tpu.memref_squeeze %dma_start3A_307 : memref<1x1024xf32, #tpu.memory_space<vmem>> -> memref<1024xf32, #tpu.memory_space<vmem>>
      %dma_start3A_309 = tpu.memref_slice %arg5[%select_n3A, %dma_start3A_305, %add3A_219] : memref<4x32x262144xf32, #tpu.memory_space<hbm>> -> memref<1x1x1024xf32, #tpu.memory_space<hbm>>
      %dma_start3A_310 = tpu.memref_squeeze %dma_start3A_309 : memref<1x1x1024xf32, #tpu.memory_space<hbm>> -> memref<1024xf32, #tpu.memory_space<hbm>>
      %dma_start3A_311 = tpu.memref_slice %arg5[%select_n3A, %dma_start3A_305, %add3A_219] : memref<4x32x262144xf32, #tpu.memory_space<hbm>> -> memref<1x1x1024xf32, #tpu.memory_space<hbm>>
      %dma_start3A_312 = tpu.memref_squeeze %dma_start3A_311 : memref<1x1x1024xf32, #tpu.memory_space<hbm>> -> memref<1024xf32, #tpu.memory_space<hbm>>
      %dma_start3A_313 = arith.constant 0 : i32
      %dma_start3A_314 = tpu.memref_slice %arg9[%dma_start3A_304, %dma_start3A_313] : memref<32x1025xf32, #tpu.memory_space<vmem>> -> memref<1x1024xf32, #tpu.memory_space<vmem>>
      %dma_start3A_315 = tpu.memref_squeeze %dma_start3A_314 : memref<1x1024xf32, #tpu.memory_space<vmem>> -> memref<1024xf32, #tpu.memory_space<vmem>>
      tpu.enqueue_dma source(%dma_start3A_315 : memref<1024xf32, #tpu.memory_space<vmem>>) target(%dma_start3A_312 : memref<1024xf32, #tpu.memory_space<hbm>>) target_semaphore(%arg11 : memref<!tpu.dma_semaphore, #tpu.memory_space<semaphore_mem>>)
      %dma_start3A_316 = arith.constant 8 : i32
      %dma_start3A_317 = arith.constant 8 : i32
      %dma_start3A_318 = arith.constant 0 : i32
      %dma_start3A_319 = tpu.memref_slice %arg9[%dma_start3A_316, %dma_start3A_318] : memref<32x1025xf32, #tpu.memory_space<vmem>> -> memref<1x1024xf32, #tpu.memory_space<vmem>>
      %dma_start3A_320 = tpu.memref_squeeze %dma_start3A_319 : memref<1x1024xf32, #tpu.memory_space<vmem>> -> memref<1024xf32, #tpu.memory_space<vmem>>
      %dma_start3A_321 = tpu.memref_slice %arg5[%select_n3A, %dma_start3A_317, %add3A_219] : memref<4x32x262144xf32, #tpu.memory_space<hbm>> -> memref<1x1x1024xf32, #tpu.memory_space<hbm>>
      %dma_start3A_322 = tpu.memref_squeeze %dma_start3A_321 : memref<1x1x1024xf32, #tpu.memory_space<hbm>> -> memref<1024xf32, #tpu.memory_space<hbm>>
      %dma_start3A_323 = tpu.memref_slice %arg5[%select_n3A, %dma_start3A_317, %add3A_219] : memref<4x32x262144xf32, #tpu.memory_space<hbm>> -> memref<1x1x1024xf32, #tpu.memory_space<hbm>>
      %dma_start3A_324 = tpu.memref_squeeze %dma_start3A_323 : memref<1x1x1024xf32, #tpu.memory_space<hbm>> -> memref<1024xf32, #tpu.memory_space<hbm>>
      %dma_start3A_325 = arith.constant 0 : i32
      %dma_start3A_326 = tpu.memref_slice %arg9[%dma_start3A_316, %dma_start3A_325] : memref<32x1025xf32, #tpu.memory_space<vmem>> -> memref<1x1024xf32, #tpu.memory_space<vmem>>
      %dma_start3A_327 = tpu.memref_squeeze %dma_start3A_326 : memref<1x1024xf32, #tpu.memory_space<vmem>> -> memref<1024xf32, #tpu.memory_space<vmem>>
      tpu.enqueue_dma source(%dma_start3A_327 : memref<1024xf32, #tpu.memory_space<vmem>>) target(%dma_start3A_324 : memref<1024xf32, #tpu.memory_space<hbm>>) target_semaphore(%arg11 : memref<!tpu.dma_semaphore, #tpu.memory_space<semaphore_mem>>)
      %dma_start3A_328 = arith.constant 9 : i32
      %dma_start3A_329 = arith.constant 9 : i32
      %dma_start3A_330 = arith.constant 0 : i32
      %dma_start3A_331 = tpu.memref_slice %arg9[%dma_start3A_328, %dma_start3A_330] : memref<32x1025xf32, #tpu.memory_space<vmem>> -> memref<1x1024xf32, #tpu.memory_space<vmem>>
      %dma_start3A_332 = tpu.memref_squeeze %dma_start3A_331 : memref<1x1024xf32, #tpu.memory_space<vmem>> -> memref<1024xf32, #tpu.memory_space<vmem>>
      %dma_start3A_333 = tpu.memref_slice %arg5[%select_n3A, %dma_start3A_329, %add3A_219] : memref<4x32x262144xf32, #tpu.memory_space<hbm>> -> memref<1x1x1024xf32, #tpu.memory_space<hbm>>
      %dma_start3A_334 = tpu.memref_squeeze %dma_start3A_333 : memref<1x1x1024xf32, #tpu.memory_space<hbm>> -> memref<1024xf32, #tpu.memory_space<hbm>>
      %dma_start3A_335 = tpu.memref_slice %arg5[%select_n3A, %dma_start3A_329, %add3A_219] : memref<4x32x262144xf32, #tpu.memory_space<hbm>> -> memref<1x1x1024xf32, #tpu.memory_space<hbm>>
      %dma_start3A_336 = tpu.memref_squeeze %dma_start3A_335 : memref<1x1x1024xf32, #tpu.memory_space<hbm>> -> memref<1024xf32, #tpu.memory_space<hbm>>
      %dma_start3A_337 = arith.constant 0 : i32
      %dma_start3A_338 = tpu.memref_slice %arg9[%dma_start3A_328, %dma_start3A_337] : memref<32x1025xf32, #tpu.memory_space<vmem>> -> memref<1x1024xf32, #tpu.memory_space<vmem>>
      %dma_start3A_339 = tpu.memref_squeeze %dma_start3A_338 : memref<1x1024xf32, #tpu.memory_space<vmem>> -> memref<1024xf32, #tpu.memory_space<vmem>>
      tpu.enqueue_dma source(%dma_start3A_339 : memref<1024xf32, #tpu.memory_space<vmem>>) target(%dma_start3A_336 : memref<1024xf32, #tpu.memory_space<hbm>>) target_semaphore(%arg11 : memref<!tpu.dma_semaphore, #tpu.memory_space<semaphore_mem>>)
      %dma_start3A_340 = arith.constant 10 : i32
      %dma_start3A_341 = arith.constant 10 : i32
      %dma_start3A_342 = arith.constant 0 : i32
      %dma_start3A_343 = tpu.memref_slice %arg9[%dma_start3A_340, %dma_start3A_342] : memref<32x1025xf32, #tpu.memory_space<vmem>> -> memref<1x1024xf32, #tpu.memory_space<vmem>>
      %dma_start3A_344 = tpu.memref_squeeze %dma_start3A_343 : memref<1x1024xf32, #tpu.memory_space<vmem>> -> memref<1024xf32, #tpu.memory_space<vmem>>
      %dma_start3A_345 = tpu.memref_slice %arg5[%select_n3A, %dma_start3A_341, %add3A_219] : memref<4x32x262144xf32, #tpu.memory_space<hbm>> -> memref<1x1x1024xf32, #tpu.memory_space<hbm>>
      %dma_start3A_346 = tpu.memref_squeeze %dma_start3A_345 : memref<1x1x1024xf32, #tpu.memory_space<hbm>> -> memref<1024xf32, #tpu.memory_space<hbm>>
      %dma_start3A_347 = tpu.memref_slice %arg5[%select_n3A, %dma_start3A_341, %add3A_219] : memref<4x32x262144xf32, #tpu.memory_space<hbm>> -> memref<1x1x1024xf32, #tpu.memory_space<hbm>>
      %dma_start3A_348 = tpu.memref_squeeze %dma_start3A_347 : memref<1x1x1024xf32, #tpu.memory_space<hbm>> -> memref<1024xf32, #tpu.memory_space<hbm>>
      %dma_start3A_349 = arith.constant 0 : i32
      %dma_start3A_350 = tpu.memref_slice %arg9[%dma_start3A_340, %dma_start3A_349] : memref<32x1025xf32, #tpu.memory_space<vmem>> -> memref<1x1024xf32, #tpu.memory_space<vmem>>
      %dma_start3A_351 = tpu.memref_squeeze %dma_start3A_350 : memref<1x1024xf32, #tpu.memory_space<vmem>> -> memref<1024xf32, #tpu.memory_space<vmem>>
      tpu.enqueue_dma source(%dma_start3A_351 : memref<1024xf32, #tpu.memory_space<vmem>>) target(%dma_start3A_348 : memref<1024xf32, #tpu.memory_space<hbm>>) target_semaphore(%arg11 : memref<!tpu.dma_semaphore, #tpu.memory_space<semaphore_mem>>)
      %dma_start3A_352 = arith.constant 11 : i32
      %dma_start3A_353 = arith.constant 11 : i32
      %dma_start3A_354 = arith.constant 0 : i32
      %dma_start3A_355 = tpu.memref_slice %arg9[%dma_start3A_352, %dma_start3A_354] : memref<32x1025xf32, #tpu.memory_space<vmem>> -> memref<1x1024xf32, #tpu.memory_space<vmem>>
      %dma_start3A_356 = tpu.memref_squeeze %dma_start3A_355 : memref<1x1024xf32, #tpu.memory_space<vmem>> -> memref<1024xf32, #tpu.memory_space<vmem>>
      %dma_start3A_357 = tpu.memref_slice %arg5[%select_n3A, %dma_start3A_353, %add3A_219] : memref<4x32x262144xf32, #tpu.memory_space<hbm>> -> memref<1x1x1024xf32, #tpu.memory_space<hbm>>
      %dma_start3A_358 = tpu.memref_squeeze %dma_start3A_357 : memref<1x1x1024xf32, #tpu.memory_space<hbm>> -> memref<1024xf32, #tpu.memory_space<hbm>>
      %dma_start3A_359 = tpu.memref_slice %arg5[%select_n3A, %dma_start3A_353, %add3A_219] : memref<4x32x262144xf32, #tpu.memory_space<hbm>> -> memref<1x1x1024xf32, #tpu.memory_space<hbm>>
      %dma_start3A_360 = tpu.memref_squeeze %dma_start3A_359 : memref<1x1x1024xf32, #tpu.memory_space<hbm>> -> memref<1024xf32, #tpu.memory_space<hbm>>
      %dma_start3A_361 = arith.constant 0 : i32
      %dma_start3A_362 = tpu.memref_slice %arg9[%dma_start3A_352, %dma_start3A_361] : memref<32x1025xf32, #tpu.memory_space<vmem>> -> memref<1x1024xf32, #tpu.memory_space<vmem>>
      %dma_start3A_363 = tpu.memref_squeeze %dma_start3A_362 : memref<1x1024xf32, #tpu.memory_space<vmem>> -> memref<1024xf32, #tpu.memory_space<vmem>>
      tpu.enqueue_dma source(%dma_start3A_363 : memref<1024xf32, #tpu.memory_space<vmem>>) target(%dma_start3A_360 : memref<1024xf32, #tpu.memory_space<hbm>>) target_semaphore(%arg11 : memref<!tpu.dma_semaphore, #tpu.memory_space<semaphore_mem>>)
      %dma_start3A_364 = arith.constant 12 : i32
      %dma_start3A_365 = arith.constant 12 : i32
      %dma_start3A_366 = arith.constant 0 : i32
      %dma_start3A_367 = tpu.memref_slice %arg9[%dma_start3A_364, %dma_start3A_366] : memref<32x1025xf32, #tpu.memory_space<vmem>> -> memref<1x1024xf32, #tpu.memory_space<vmem>>
      %dma_start3A_368 = tpu.memref_squeeze %dma_start3A_367 : memref<1x1024xf32, #tpu.memory_space<vmem>> -> memref<1024xf32, #tpu.memory_space<vmem>>
      %dma_start3A_369 = tpu.memref_slice %arg5[%select_n3A, %dma_start3A_365, %add3A_219] : memref<4x32x262144xf32, #tpu.memory_space<hbm>> -> memref<1x1x1024xf32, #tpu.memory_space<hbm>>
      %dma_start3A_370 = tpu.memref_squeeze %dma_start3A_369 : memref<1x1x1024xf32, #tpu.memory_space<hbm>> -> memref<1024xf32, #tpu.memory_space<hbm>>
      %dma_start3A_371 = tpu.memref_slice %arg5[%select_n3A, %dma_start3A_365, %add3A_219] : memref<4x32x262144xf32, #tpu.memory_space<hbm>> -> memref<1x1x1024xf32, #tpu.memory_space<hbm>>
      %dma_start3A_372 = tpu.memref_squeeze %dma_start3A_371 : memref<1x1x1024xf32, #tpu.memory_space<hbm>> -> memref<1024xf32, #tpu.memory_space<hbm>>
      %dma_start3A_373 = arith.constant 0 : i32
      %dma_start3A_374 = tpu.memref_slice %arg9[%dma_start3A_364, %dma_start3A_373] : memref<32x1025xf32, #tpu.memory_space<vmem>> -> memref<1x1024xf32, #tpu.memory_space<vmem>>
      %dma_start3A_375 = tpu.memref_squeeze %dma_start3A_374 : memref<1x1024xf32, #tpu.memory_space<vmem>> -> memref<1024xf32, #tpu.memory_space<vmem>>
      tpu.enqueue_dma source(%dma_start3A_375 : memref<1024xf32, #tpu.memory_space<vmem>>) target(%dma_start3A_372 : memref<1024xf32, #tpu.memory_space<hbm>>) target_semaphore(%arg11 : memref<!tpu.dma_semaphore, #tpu.memory_space<semaphore_mem>>)
      %dma_start3A_376 = arith.constant 13 : i32
      %dma_start3A_377 = arith.constant 13 : i32
      %dma_start3A_378 = arith.constant 0 : i32
      %dma_start3A_379 = tpu.memref_slice %arg9[%dma_start3A_376, %dma_start3A_378] : memref<32x1025xf32, #tpu.memory_space<vmem>> -> memref<1x1024xf32, #tpu.memory_space<vmem>>
      %dma_start3A_380 = tpu.memref_squeeze %dma_start3A_379 : memref<1x1024xf32, #tpu.memory_space<vmem>> -> memref<1024xf32, #tpu.memory_space<vmem>>
      %dma_start3A_381 = tpu.memref_slice %arg5[%select_n3A, %dma_start3A_377, %add3A_219] : memref<4x32x262144xf32, #tpu.memory_space<hbm>> -> memref<1x1x1024xf32, #tpu.memory_space<hbm>>
      %dma_start3A_382 = tpu.memref_squeeze %dma_start3A_381 : memref<1x1x1024xf32, #tpu.memory_space<hbm>> -> memref<1024xf32, #tpu.memory_space<hbm>>
      %dma_start3A_383 = tpu.memref_slice %arg5[%select_n3A, %dma_start3A_377, %add3A_219] : memref<4x32x262144xf32, #tpu.memory_space<hbm>> -> memref<1x1x1024xf32, #tpu.memory_space<hbm>>
      %dma_start3A_384 = tpu.memref_squeeze %dma_start3A_383 : memref<1x1x1024xf32, #tpu.memory_space<hbm>> -> memref<1024xf32, #tpu.memory_space<hbm>>
      %dma_start3A_385 = arith.constant 0 : i32
      %dma_start3A_386 = tpu.memref_slice %arg9[%dma_start3A_376, %dma_start3A_385] : memref<32x1025xf32, #tpu.memory_space<vmem>> -> memref<1x1024xf32, #tpu.memory_space<vmem>>
      %dma_start3A_387 = tpu.memref_squeeze %dma_start3A_386 : memref<1x1024xf32, #tpu.memory_space<vmem>> -> memref<1024xf32, #tpu.memory_space<vmem>>
      tpu.enqueue_dma source(%dma_start3A_387 : memref<1024xf32, #tpu.memory_space<vmem>>) target(%dma_start3A_384 : memref<1024xf32, #tpu.memory_space<hbm>>) target_semaphore(%arg11 : memref<!tpu.dma_semaphore, #tpu.memory_space<semaphore_mem>>)
      %dma_start3A_388 = arith.constant 14 : i32
      %dma_start3A_389 = arith.constant 14 : i32
      %dma_start3A_390 = arith.constant 0 : i32
      %dma_start3A_391 = tpu.memref_slice %arg9[%dma_start3A_388, %dma_start3A_390] : memref<32x1025xf32, #tpu.memory_space<vmem>> -> memref<1x1024xf32, #tpu.memory_space<vmem>>
      %dma_start3A_392 = tpu.memref_squeeze %dma_start3A_391 : memref<1x1024xf32, #tpu.memory_space<vmem>> -> memref<1024xf32, #tpu.memory_space<vmem>>
      %dma_start3A_393 = tpu.memref_slice %arg5[%select_n3A, %dma_start3A_389, %add3A_219] : memref<4x32x262144xf32, #tpu.memory_space<hbm>> -> memref<1x1x1024xf32, #tpu.memory_space<hbm>>
      %dma_start3A_394 = tpu.memref_squeeze %dma_start3A_393 : memref<1x1x1024xf32, #tpu.memory_space<hbm>> -> memref<1024xf32, #tpu.memory_space<hbm>>
      %dma_start3A_395 = tpu.memref_slice %arg5[%select_n3A, %dma_start3A_389, %add3A_219] : memref<4x32x262144xf32, #tpu.memory_space<hbm>> -> memref<1x1x1024xf32, #tpu.memory_space<hbm>>
      %dma_start3A_396 = tpu.memref_squeeze %dma_start3A_395 : memref<1x1x1024xf32, #tpu.memory_space<hbm>> -> memref<1024xf32, #tpu.memory_space<hbm>>
      %dma_start3A_397 = arith.constant 0 : i32
      %dma_start3A_398 = tpu.memref_slice %arg9[%dma_start3A_388, %dma_start3A_397] : memref<32x1025xf32, #tpu.memory_space<vmem>> -> memref<1x1024xf32, #tpu.memory_space<vmem>>
      %dma_start3A_399 = tpu.memref_squeeze %dma_start3A_398 : memref<1x1024xf32, #tpu.memory_space<vmem>> -> memref<1024xf32, #tpu.memory_space<vmem>>
      tpu.enqueue_dma source(%dma_start3A_399 : memref<1024xf32, #tpu.memory_space<vmem>>) target(%dma_start3A_396 : memref<1024xf32, #tpu.memory_space<hbm>>) target_semaphore(%arg11 : memref<!tpu.dma_semaphore, #tpu.memory_space<semaphore_mem>>)
      %dma_start3A_400 = arith.constant 15 : i32
      %dma_start3A_401 = arith.constant 15 : i32
      %dma_start3A_402 = arith.constant 0 : i32
      %dma_start3A_403 = tpu.memref_slice %arg9[%dma_start3A_400, %dma_start3A_402] : memref<32x1025xf32, #tpu.memory_space<vmem>> -> memref<1x1024xf32, #tpu.memory_space<vmem>>
      %dma_start3A_404 = tpu.memref_squeeze %dma_start3A_403 : memref<1x1024xf32, #tpu.memory_space<vmem>> -> memref<1024xf32, #tpu.memory_space<vmem>>
      %dma_start3A_405 = tpu.memref_slice %arg5[%select_n3A, %dma_start3A_401, %add3A_219] : memref<4x32x262144xf32, #tpu.memory_space<hbm>> -> memref<1x1x1024xf32, #tpu.memory_space<hbm>>
      %dma_start3A_406 = tpu.memref_squeeze %dma_start3A_405 : memref<1x1x1024xf32, #tpu.memory_space<hbm>> -> memref<1024xf32, #tpu.memory_space<hbm>>
      %dma_start3A_407 = tpu.memref_slice %arg5[%select_n3A, %dma_start3A_401, %add3A_219] : memref<4x32x262144xf32, #tpu.memory_space<hbm>> -> memref<1x1x1024xf32, #tpu.memory_space<hbm>>
      %dma_start3A_408 = tpu.memref_squeeze %dma_start3A_407 : memref<1x1x1024xf32, #tpu.memory_space<hbm>> -> memref<1024xf32, #tpu.memory_space<hbm>>
      %dma_start3A_409 = arith.constant 0 : i32
      %dma_start3A_410 = tpu.memref_slice %arg9[%dma_start3A_400, %dma_start3A_409] : memref<32x1025xf32, #tpu.memory_space<vmem>> -> memref<1x1024xf32, #tpu.memory_space<vmem>>
      %dma_start3A_411 = tpu.memref_squeeze %dma_start3A_410 : memref<1x1024xf32, #tpu.memory_space<vmem>> -> memref<1024xf32, #tpu.memory_space<vmem>>
      tpu.enqueue_dma source(%dma_start3A_411 : memref<1024xf32, #tpu.memory_space<vmem>>) target(%dma_start3A_408 : memref<1024xf32, #tpu.memory_space<hbm>>) target_semaphore(%arg11 : memref<!tpu.dma_semaphore, #tpu.memory_space<semaphore_mem>>)
      %dma_start3A_412 = arith.constant 16 : i32
      %dma_start3A_413 = arith.constant 16 : i32
      %dma_start3A_414 = arith.constant 0 : i32
      %dma_start3A_415 = tpu.memref_slice %arg9[%dma_start3A_412, %dma_start3A_414] : memref<32x1025xf32, #tpu.memory_space<vmem>> -> memref<1x1024xf32, #tpu.memory_space<vmem>>
      %dma_start3A_416 = tpu.memref_squeeze %dma_start3A_415 : memref<1x1024xf32, #tpu.memory_space<vmem>> -> memref<1024xf32, #tpu.memory_space<vmem>>
      %dma_start3A_417 = tpu.memref_slice %arg5[%select_n3A, %dma_start3A_413, %add3A_219] : memref<4x32x262144xf32, #tpu.memory_space<hbm>> -> memref<1x1x1024xf32, #tpu.memory_space<hbm>>
      %dma_start3A_418 = tpu.memref_squeeze %dma_start3A_417 : memref<1x1x1024xf32, #tpu.memory_space<hbm>> -> memref<1024xf32, #tpu.memory_space<hbm>>
      %dma_start3A_419 = tpu.memref_slice %arg5[%select_n3A, %dma_start3A_413, %add3A_219] : memref<4x32x262144xf32, #tpu.memory_space<hbm>> -> memref<1x1x1024xf32, #tpu.memory_space<hbm>>
      %dma_start3A_420 = tpu.memref_squeeze %dma_start3A_419 : memref<1x1x1024xf32, #tpu.memory_space<hbm>> -> memref<1024xf32, #tpu.memory_space<hbm>>
      %dma_start3A_421 = arith.constant 0 : i32
      %dma_start3A_422 = tpu.memref_slice %arg9[%dma_start3A_412, %dma_start3A_421] : memref<32x1025xf32, #tpu.memory_space<vmem>> -> memref<1x1024xf32, #tpu.memory_space<vmem>>
      %dma_start3A_423 = tpu.memref_squeeze %dma_start3A_422 : memref<1x1024xf32, #tpu.memory_space<vmem>> -> memref<1024xf32, #tpu.memory_space<vmem>>
      tpu.enqueue_dma source(%dma_start3A_423 : memref<1024xf32, #tpu.memory_space<vmem>>) target(%dma_start3A_420 : memref<1024xf32, #tpu.memory_space<hbm>>) target_semaphore(%arg11 : memref<!tpu.dma_semaphore, #tpu.memory_space<semaphore_mem>>)
      %dma_start3A_424 = arith.constant 17 : i32
      %dma_start3A_425 = arith.constant 17 : i32
      %dma_start3A_426 = arith.constant 0 : i32
      %dma_start3A_427 = tpu.memref_slice %arg9[%dma_start3A_424, %dma_start3A_426] : memref<32x1025xf32, #tpu.memory_space<vmem>> -> memref<1x1024xf32, #tpu.memory_space<vmem>>
      %dma_start3A_428 = tpu.memref_squeeze %dma_start3A_427 : memref<1x1024xf32, #tpu.memory_space<vmem>> -> memref<1024xf32, #tpu.memory_space<vmem>>
      %dma_start3A_429 = tpu.memref_slice %arg5[%select_n3A, %dma_start3A_425, %add3A_219] : memref<4x32x262144xf32, #tpu.memory_space<hbm>> -> memref<1x1x1024xf32, #tpu.memory_space<hbm>>
      %dma_start3A_430 = tpu.memref_squeeze %dma_start3A_429 : memref<1x1x1024xf32, #tpu.memory_space<hbm>> -> memref<1024xf32, #tpu.memory_space<hbm>>
      %dma_start3A_431 = tpu.memref_slice %arg5[%select_n3A, %dma_start3A_425, %add3A_219] : memref<4x32x262144xf32, #tpu.memory_space<hbm>> -> memref<1x1x1024xf32, #tpu.memory_space<hbm>>
      %dma_start3A_432 = tpu.memref_squeeze %dma_start3A_431 : memref<1x1x1024xf32, #tpu.memory_space<hbm>> -> memref<1024xf32, #tpu.memory_space<hbm>>
      %dma_start3A_433 = arith.constant 0 : i32
      %dma_start3A_434 = tpu.memref_slice %arg9[%dma_start3A_424, %dma_start3A_433] : memref<32x1025xf32, #tpu.memory_space<vmem>> -> memref<1x1024xf32, #tpu.memory_space<vmem>>
      %dma_start3A_435 = tpu.memref_squeeze %dma_start3A_434 : memref<1x1024xf32, #tpu.memory_space<vmem>> -> memref<1024xf32, #tpu.memory_space<vmem>>
      tpu.enqueue_dma source(%dma_start3A_435 : memref<1024xf32, #tpu.memory_space<vmem>>) target(%dma_start3A_432 : memref<1024xf32, #tpu.memory_space<hbm>>) target_semaphore(%arg11 : memref<!tpu.dma_semaphore, #tpu.memory_space<semaphore_mem>>)
      %dma_start3A_436 = arith.constant 18 : i32
      %dma_start3A_437 = arith.constant 18 : i32
      %dma_start3A_438 = arith.constant 0 : i32
      %dma_start3A_439 = tpu.memref_slice %arg9[%dma_start3A_436, %dma_start3A_438] : memref<32x1025xf32, #tpu.memory_space<vmem>> -> memref<1x1024xf32, #tpu.memory_space<vmem>>
      %dma_start3A_440 = tpu.memref_squeeze %dma_start3A_439 : memref<1x1024xf32, #tpu.memory_space<vmem>> -> memref<1024xf32, #tpu.memory_space<vmem>>
      %dma_start3A_441 = tpu.memref_slice %arg5[%select_n3A, %dma_start3A_437, %add3A_219] : memref<4x32x262144xf32, #tpu.memory_space<hbm>> -> memref<1x1x1024xf32, #tpu.memory_space<hbm>>
      %dma_start3A_442 = tpu.memref_squeeze %dma_start3A_441 : memref<1x1x1024xf32, #tpu.memory_space<hbm>> -> memref<1024xf32, #tpu.memory_space<hbm>>
      %dma_start3A_443 = tpu.memref_slice %arg5[%select_n3A, %dma_start3A_437, %add3A_219] : memref<4x32x262144xf32, #tpu.memory_space<hbm>> -> memref<1x1x1024xf32, #tpu.memory_space<hbm>>
      %dma_start3A_444 = tpu.memref_squeeze %dma_start3A_443 : memref<1x1x1024xf32, #tpu.memory_space<hbm>> -> memref<1024xf32, #tpu.memory_space<hbm>>
      %dma_start3A_445 = arith.constant 0 : i32
      %dma_start3A_446 = tpu.memref_slice %arg9[%dma_start3A_436, %dma_start3A_445] : memref<32x1025xf32, #tpu.memory_space<vmem>> -> memref<1x1024xf32, #tpu.memory_space<vmem>>
      %dma_start3A_447 = tpu.memref_squeeze %dma_start3A_446 : memref<1x1024xf32, #tpu.memory_space<vmem>> -> memref<1024xf32, #tpu.memory_space<vmem>>
      tpu.enqueue_dma source(%dma_start3A_447 : memref<1024xf32, #tpu.memory_space<vmem>>) target(%dma_start3A_444 : memref<1024xf32, #tpu.memory_space<hbm>>) target_semaphore(%arg11 : memref<!tpu.dma_semaphore, #tpu.memory_space<semaphore_mem>>)
      %dma_start3A_448 = arith.constant 19 : i32
      %dma_start3A_449 = arith.constant 19 : i32
      %dma_start3A_450 = arith.constant 0 : i32
      %dma_start3A_451 = tpu.memref_slice %arg9[%dma_start3A_448, %dma_start3A_450] : memref<32x1025xf32, #tpu.memory_space<vmem>> -> memref<1x1024xf32, #tpu.memory_space<vmem>>
      %dma_start3A_452 = tpu.memref_squeeze %dma_start3A_451 : memref<1x1024xf32, #tpu.memory_space<vmem>> -> memref<1024xf32, #tpu.memory_space<vmem>>
      %dma_start3A_453 = tpu.memref_slice %arg5[%select_n3A, %dma_start3A_449, %add3A_219] : memref<4x32x262144xf32, #tpu.memory_space<hbm>> -> memref<1x1x1024xf32, #tpu.memory_space<hbm>>
      %dma_start3A_454 = tpu.memref_squeeze %dma_start3A_453 : memref<1x1x1024xf32, #tpu.memory_space<hbm>> -> memref<1024xf32, #tpu.memory_space<hbm>>
      %dma_start3A_455 = tpu.memref_slice %arg5[%select_n3A, %dma_start3A_449, %add3A_219] : memref<4x32x262144xf32, #tpu.memory_space<hbm>> -> memref<1x1x1024xf32, #tpu.memory_space<hbm>>
      %dma_start3A_456 = tpu.memref_squeeze %dma_start3A_455 : memref<1x1x1024xf32, #tpu.memory_space<hbm>> -> memref<1024xf32, #tpu.memory_space<hbm>>
      %dma_start3A_457 = arith.constant 0 : i32
      %dma_start3A_458 = tpu.memref_slice %arg9[%dma_start3A_448, %dma_start3A_457] : memref<32x1025xf32, #tpu.memory_space<vmem>> -> memref<1x1024xf32, #tpu.memory_space<vmem>>
      %dma_start3A_459 = tpu.memref_squeeze %dma_start3A_458 : memref<1x1024xf32, #tpu.memory_space<vmem>> -> memref<1024xf32, #tpu.memory_space<vmem>>
      tpu.enqueue_dma source(%dma_start3A_459 : memref<1024xf32, #tpu.memory_space<vmem>>) target(%dma_start3A_456 : memref<1024xf32, #tpu.memory_space<hbm>>) target_semaphore(%arg11 : memref<!tpu.dma_semaphore, #tpu.memory_space<semaphore_mem>>)
      %dma_start3A_460 = arith.constant 20 : i32
      %dma_start3A_461 = arith.constant 20 : i32
      %dma_start3A_462 = arith.constant 0 : i32
      %dma_start3A_463 = tpu.memref_slice %arg9[%dma_start3A_460, %dma_start3A_462] : memref<32x1025xf32, #tpu.memory_space<vmem>> -> memref<1x1024xf32, #tpu.memory_space<vmem>>
      %dma_start3A_464 = tpu.memref_squeeze %dma_start3A_463 : memref<1x1024xf32, #tpu.memory_space<vmem>> -> memref<1024xf32, #tpu.memory_space<vmem>>
      %dma_start3A_465 = tpu.memref_slice %arg5[%select_n3A, %dma_start3A_461, %add3A_219] : memref<4x32x262144xf32, #tpu.memory_space<hbm>> -> memref<1x1x1024xf32, #tpu.memory_space<hbm>>
      %dma_start3A_466 = tpu.memref_squeeze %dma_start3A_465 : memref<1x1x1024xf32, #tpu.memory_space<hbm>> -> memref<1024xf32, #tpu.memory_space<hbm>>
      %dma_start3A_467 = tpu.memref_slice %arg5[%select_n3A, %dma_start3A_461, %add3A_219] : memref<4x32x262144xf32, #tpu.memory_space<hbm>> -> memref<1x1x1024xf32, #tpu.memory_space<hbm>>
      %dma_start3A_468 = tpu.memref_squeeze %dma_start3A_467 : memref<1x1x1024xf32, #tpu.memory_space<hbm>> -> memref<1024xf32, #tpu.memory_space<hbm>>
      %dma_start3A_469 = arith.constant 0 : i32
      %dma_start3A_470 = tpu.memref_slice %arg9[%dma_start3A_460, %dma_start3A_469] : memref<32x1025xf32, #tpu.memory_space<vmem>> -> memref<1x1024xf32, #tpu.memory_space<vmem>>
      %dma_start3A_471 = tpu.memref_squeeze %dma_start3A_470 : memref<1x1024xf32, #tpu.memory_space<vmem>> -> memref<1024xf32, #tpu.memory_space<vmem>>
      tpu.enqueue_dma source(%dma_start3A_471 : memref<1024xf32, #tpu.memory_space<vmem>>) target(%dma_start3A_468 : memref<1024xf32, #tpu.memory_space<hbm>>) target_semaphore(%arg11 : memref<!tpu.dma_semaphore, #tpu.memory_space<semaphore_mem>>)
      %dma_start3A_472 = arith.constant 21 : i32
      %dma_start3A_473 = arith.constant 21 : i32
      %dma_start3A_474 = arith.constant 0 : i32
      %dma_start3A_475 = tpu.memref_slice %arg9[%dma_start3A_472, %dma_start3A_474] : memref<32x1025xf32, #tpu.memory_space<vmem>> -> memref<1x1024xf32, #tpu.memory_space<vmem>>
      %dma_start3A_476 = tpu.memref_squeeze %dma_start3A_475 : memref<1x1024xf32, #tpu.memory_space<vmem>> -> memref<1024xf32, #tpu.memory_space<vmem>>
      %dma_start3A_477 = tpu.memref_slice %arg5[%select_n3A, %dma_start3A_473, %add3A_219] : memref<4x32x262144xf32, #tpu.memory_space<hbm>> -> memref<1x1x1024xf32, #tpu.memory_space<hbm>>
      %dma_start3A_478 = tpu.memref_squeeze %dma_start3A_477 : memref<1x1x1024xf32, #tpu.memory_space<hbm>> -> memref<1024xf32, #tpu.memory_space<hbm>>
      %dma_start3A_479 = tpu.memref_slice %arg5[%select_n3A, %dma_start3A_473, %add3A_219] : memref<4x32x262144xf32, #tpu.memory_space<hbm>> -> memref<1x1x1024xf32, #tpu.memory_space<hbm>>
      %dma_start3A_480 = tpu.memref_squeeze %dma_start3A_479 : memref<1x1x1024xf32, #tpu.memory_space<hbm>> -> memref<1024xf32, #tpu.memory_space<hbm>>
      %dma_start3A_481 = arith.constant 0 : i32
      %dma_start3A_482 = tpu.memref_slice %arg9[%dma_start3A_472, %dma_start3A_481] : memref<32x1025xf32, #tpu.memory_space<vmem>> -> memref<1x1024xf32, #tpu.memory_space<vmem>>
      %dma_start3A_483 = tpu.memref_squeeze %dma_start3A_482 : memref<1x1024xf32, #tpu.memory_space<vmem>> -> memref<1024xf32, #tpu.memory_space<vmem>>
      tpu.enqueue_dma source(%dma_start3A_483 : memref<1024xf32, #tpu.memory_space<vmem>>) target(%dma_start3A_480 : memref<1024xf32, #tpu.memory_space<hbm>>) target_semaphore(%arg11 : memref<!tpu.dma_semaphore, #tpu.memory_space<semaphore_mem>>)
      %dma_start3A_484 = arith.constant 22 : i32
      %dma_start3A_485 = arith.constant 22 : i32
      %dma_start3A_486 = arith.constant 0 : i32
      %dma_start3A_487 = tpu.memref_slice %arg9[%dma_start3A_484, %dma_start3A_486] : memref<32x1025xf32, #tpu.memory_space<vmem>> -> memref<1x1024xf32, #tpu.memory_space<vmem>>
      %dma_start3A_488 = tpu.memref_squeeze %dma_start3A_487 : memref<1x1024xf32, #tpu.memory_space<vmem>> -> memref<1024xf32, #tpu.memory_space<vmem>>
      %dma_start3A_489 = tpu.memref_slice %arg5[%select_n3A, %dma_start3A_485, %add3A_219] : memref<4x32x262144xf32, #tpu.memory_space<hbm>> -> memref<1x1x1024xf32, #tpu.memory_space<hbm>>
      %dma_start3A_490 = tpu.memref_squeeze %dma_start3A_489 : memref<1x1x1024xf32, #tpu.memory_space<hbm>> -> memref<1024xf32, #tpu.memory_space<hbm>>
      %dma_start3A_491 = tpu.memref_slice %arg5[%select_n3A, %dma_start3A_485, %add3A_219] : memref<4x32x262144xf32, #tpu.memory_space<hbm>> -> memref<1x1x1024xf32, #tpu.memory_space<hbm>>
      %dma_start3A_492 = tpu.memref_squeeze %dma_start3A_491 : memref<1x1x1024xf32, #tpu.memory_space<hbm>> -> memref<1024xf32, #tpu.memory_space<hbm>>
      %dma_start3A_493 = arith.constant 0 : i32
      %dma_start3A_494 = tpu.memref_slice %arg9[%dma_start3A_484, %dma_start3A_493] : memref<32x1025xf32, #tpu.memory_space<vmem>> -> memref<1x1024xf32, #tpu.memory_space<vmem>>
      %dma_start3A_495 = tpu.memref_squeeze %dma_start3A_494 : memref<1x1024xf32, #tpu.memory_space<vmem>> -> memref<1024xf32, #tpu.memory_space<vmem>>
      tpu.enqueue_dma source(%dma_start3A_495 : memref<1024xf32, #tpu.memory_space<vmem>>) target(%dma_start3A_492 : memref<1024xf32, #tpu.memory_space<hbm>>) target_semaphore(%arg11 : memref<!tpu.dma_semaphore, #tpu.memory_space<semaphore_mem>>)
      %dma_start3A_496 = arith.constant 23 : i32
      %dma_start3A_497 = arith.constant 23 : i32
      %dma_start3A_498 = arith.constant 0 : i32
      %dma_start3A_499 = tpu.memref_slice %arg9[%dma_start3A_496, %dma_start3A_498] : memref<32x1025xf32, #tpu.memory_space<vmem>> -> memref<1x1024xf32, #tpu.memory_space<vmem>>
      %dma_start3A_500 = tpu.memref_squeeze %dma_start3A_499 : memref<1x1024xf32, #tpu.memory_space<vmem>> -> memref<1024xf32, #tpu.memory_space<vmem>>
      %dma_start3A_501 = tpu.memref_slice %arg5[%select_n3A, %dma_start3A_497, %add3A_219] : memref<4x32x262144xf32, #tpu.memory_space<hbm>> -> memref<1x1x1024xf32, #tpu.memory_space<hbm>>
      %dma_start3A_502 = tpu.memref_squeeze %dma_start3A_501 : memref<1x1x1024xf32, #tpu.memory_space<hbm>> -> memref<1024xf32, #tpu.memory_space<hbm>>
      %dma_start3A_503 = tpu.memref_slice %arg5[%select_n3A, %dma_start3A_497, %add3A_219] : memref<4x32x262144xf32, #tpu.memory_space<hbm>> -> memref<1x1x1024xf32, #tpu.memory_space<hbm>>
      %dma_start3A_504 = tpu.memref_squeeze %dma_start3A_503 : memref<1x1x1024xf32, #tpu.memory_space<hbm>> -> memref<1024xf32, #tpu.memory_space<hbm>>
      %dma_start3A_505 = arith.constant 0 : i32
      %dma_start3A_506 = tpu.memref_slice %arg9[%dma_start3A_496, %dma_start3A_505] : memref<32x1025xf32, #tpu.memory_space<vmem>> -> memref<1x1024xf32, #tpu.memory_space<vmem>>
      %dma_start3A_507 = tpu.memref_squeeze %dma_start3A_506 : memref<1x1024xf32, #tpu.memory_space<vmem>> -> memref<1024xf32, #tpu.memory_space<vmem>>
      tpu.enqueue_dma source(%dma_start3A_507 : memref<1024xf32, #tpu.memory_space<vmem>>) target(%dma_start3A_504 : memref<1024xf32, #tpu.memory_space<hbm>>) target_semaphore(%arg11 : memref<!tpu.dma_semaphore, #tpu.memory_space<semaphore_mem>>)
      %dma_start3A_508 = arith.constant 24 : i32
      %dma_start3A_509 = arith.constant 24 : i32
      %dma_start3A_510 = arith.constant 0 : i32
      %dma_start3A_511 = tpu.memref_slice %arg9[%dma_start3A_508, %dma_start3A_510] : memref<32x1025xf32, #tpu.memory_space<vmem>> -> memref<1x1024xf32, #tpu.memory_space<vmem>>
      %dma_start3A_512 = tpu.memref_squeeze %dma_start3A_511 : memref<1x1024xf32, #tpu.memory_space<vmem>> -> memref<1024xf32, #tpu.memory_space<vmem>>
      %dma_start3A_513 = tpu.memref_slice %arg5[%select_n3A, %dma_start3A_509, %add3A_219] : memref<4x32x262144xf32, #tpu.memory_space<hbm>> -> memref<1x1x1024xf32, #tpu.memory_space<hbm>>
      %dma_start3A_514 = tpu.memref_squeeze %dma_start3A_513 : memref<1x1x1024xf32, #tpu.memory_space<hbm>> -> memref<1024xf32, #tpu.memory_space<hbm>>
      %dma_start3A_515 = tpu.memref_slice %arg5[%select_n3A, %dma_start3A_509, %add3A_219] : memref<4x32x262144xf32, #tpu.memory_space<hbm>> -> memref<1x1x1024xf32, #tpu.memory_space<hbm>>
      %dma_start3A_516 = tpu.memref_squeeze %dma_start3A_515 : memref<1x1x1024xf32, #tpu.memory_space<hbm>> -> memref<1024xf32, #tpu.memory_space<hbm>>
      %dma_start3A_517 = arith.constant 0 : i32
      %dma_start3A_518 = tpu.memref_slice %arg9[%dma_start3A_508, %dma_start3A_517] : memref<32x1025xf32, #tpu.memory_space<vmem>> -> memref<1x1024xf32, #tpu.memory_space<vmem>>
      %dma_start3A_519 = tpu.memref_squeeze %dma_start3A_518 : memref<1x1024xf32, #tpu.memory_space<vmem>> -> memref<1024xf32, #tpu.memory_space<vmem>>
      tpu.enqueue_dma source(%dma_start3A_519 : memref<1024xf32, #tpu.memory_space<vmem>>) target(%dma_start3A_516 : memref<1024xf32, #tpu.memory_space<hbm>>) target_semaphore(%arg11 : memref<!tpu.dma_semaphore, #tpu.memory_space<semaphore_mem>>)
      %dma_start3A_520 = arith.constant 25 : i32
      %dma_start3A_521 = arith.constant 25 : i32
      %dma_start3A_522 = arith.constant 0 : i32
      %dma_start3A_523 = tpu.memref_slice %arg9[%dma_start3A_520, %dma_start3A_522] : memref<32x1025xf32, #tpu.memory_space<vmem>> -> memref<1x1024xf32, #tpu.memory_space<vmem>>
      %dma_start3A_524 = tpu.memref_squeeze %dma_start3A_523 : memref<1x1024xf32, #tpu.memory_space<vmem>> -> memref<1024xf32, #tpu.memory_space<vmem>>
      %dma_start3A_525 = tpu.memref_slice %arg5[%select_n3A, %dma_start3A_521, %add3A_219] : memref<4x32x262144xf32, #tpu.memory_space<hbm>> -> memref<1x1x1024xf32, #tpu.memory_space<hbm>>
      %dma_start3A_526 = tpu.memref_squeeze %dma_start3A_525 : memref<1x1x1024xf32, #tpu.memory_space<hbm>> -> memref<1024xf32, #tpu.memory_space<hbm>>
      %dma_start3A_527 = tpu.memref_slice %arg5[%select_n3A, %dma_start3A_521, %add3A_219] : memref<4x32x262144xf32, #tpu.memory_space<hbm>> -> memref<1x1x1024xf32, #tpu.memory_space<hbm>>
      %dma_start3A_528 = tpu.memref_squeeze %dma_start3A_527 : memref<1x1x1024xf32, #tpu.memory_space<hbm>> -> memref<1024xf32, #tpu.memory_space<hbm>>
      %dma_start3A_529 = arith.constant 0 : i32
      %dma_start3A_530 = tpu.memref_slice %arg9[%dma_start3A_520, %dma_start3A_529] : memref<32x1025xf32, #tpu.memory_space<vmem>> -> memref<1x1024xf32, #tpu.memory_space<vmem>>
      %dma_start3A_531 = tpu.memref_squeeze %dma_start3A_530 : memref<1x1024xf32, #tpu.memory_space<vmem>> -> memref<1024xf32, #tpu.memory_space<vmem>>
      tpu.enqueue_dma source(%dma_start3A_531 : memref<1024xf32, #tpu.memory_space<vmem>>) target(%dma_start3A_528 : memref<1024xf32, #tpu.memory_space<hbm>>) target_semaphore(%arg11 : memref<!tpu.dma_semaphore, #tpu.memory_space<semaphore_mem>>)
      %dma_start3A_532 = arith.constant 26 : i32
      %dma_start3A_533 = arith.constant 26 : i32
      %dma_start3A_534 = arith.constant 0 : i32
      %dma_start3A_535 = tpu.memref_slice %arg9[%dma_start3A_532, %dma_start3A_534] : memref<32x1025xf32, #tpu.memory_space<vmem>> -> memref<1x1024xf32, #tpu.memory_space<vmem>>
      %dma_start3A_536 = tpu.memref_squeeze %dma_start3A_535 : memref<1x1024xf32, #tpu.memory_space<vmem>> -> memref<1024xf32, #tpu.memory_space<vmem>>
      %dma_start3A_537 = tpu.memref_slice %arg5[%select_n3A, %dma_start3A_533, %add3A_219] : memref<4x32x262144xf32, #tpu.memory_space<hbm>> -> memref<1x1x1024xf32, #tpu.memory_space<hbm>>
      %dma_start3A_538 = tpu.memref_squeeze %dma_start3A_537 : memref<1x1x1024xf32, #tpu.memory_space<hbm>> -> memref<1024xf32, #tpu.memory_space<hbm>>
      %dma_start3A_539 = tpu.memref_slice %arg5[%select_n3A, %dma_start3A_533, %add3A_219] : memref<4x32x262144xf32, #tpu.memory_space<hbm>> -> memref<1x1x1024xf32, #tpu.memory_space<hbm>>
      %dma_start3A_540 = tpu.memref_squeeze %dma_start3A_539 : memref<1x1x1024xf32, #tpu.memory_space<hbm>> -> memref<1024xf32, #tpu.memory_space<hbm>>
      %dma_start3A_541 = arith.constant 0 : i32
      %dma_start3A_542 = tpu.memref_slice %arg9[%dma_start3A_532, %dma_start3A_541] : memref<32x1025xf32, #tpu.memory_space<vmem>> -> memref<1x1024xf32, #tpu.memory_space<vmem>>
      %dma_start3A_543 = tpu.memref_squeeze %dma_start3A_542 : memref<1x1024xf32, #tpu.memory_space<vmem>> -> memref<1024xf32, #tpu.memory_space<vmem>>
      tpu.enqueue_dma source(%dma_start3A_543 : memref<1024xf32, #tpu.memory_space<vmem>>) target(%dma_start3A_540 : memref<1024xf32, #tpu.memory_space<hbm>>) target_semaphore(%arg11 : memref<!tpu.dma_semaphore, #tpu.memory_space<semaphore_mem>>)
      %dma_start3A_544 = arith.constant 27 : i32
      %dma_start3A_545 = arith.constant 27 : i32
      %dma_start3A_546 = arith.constant 0 : i32
      %dma_start3A_547 = tpu.memref_slice %arg9[%dma_start3A_544, %dma_start3A_546] : memref<32x1025xf32, #tpu.memory_space<vmem>> -> memref<1x1024xf32, #tpu.memory_space<vmem>>
      %dma_start3A_548 = tpu.memref_squeeze %dma_start3A_547 : memref<1x1024xf32, #tpu.memory_space<vmem>> -> memref<1024xf32, #tpu.memory_space<vmem>>
      %dma_start3A_549 = tpu.memref_slice %arg5[%select_n3A, %dma_start3A_545, %add3A_219] : memref<4x32x262144xf32, #tpu.memory_space<hbm>> -> memref<1x1x1024xf32, #tpu.memory_space<hbm>>
      %dma_start3A_550 = tpu.memref_squeeze %dma_start3A_549 : memref<1x1x1024xf32, #tpu.memory_space<hbm>> -> memref<1024xf32, #tpu.memory_space<hbm>>
      %dma_start3A_551 = tpu.memref_slice %arg5[%select_n3A, %dma_start3A_545, %add3A_219] : memref<4x32x262144xf32, #tpu.memory_space<hbm>> -> memref<1x1x1024xf32, #tpu.memory_space<hbm>>
      %dma_start3A_552 = tpu.memref_squeeze %dma_start3A_551 : memref<1x1x1024xf32, #tpu.memory_space<hbm>> -> memref<1024xf32, #tpu.memory_space<hbm>>
      %dma_start3A_553 = arith.constant 0 : i32
      %dma_start3A_554 = tpu.memref_slice %arg9[%dma_start3A_544, %dma_start3A_553] : memref<32x1025xf32, #tpu.memory_space<vmem>> -> memref<1x1024xf32, #tpu.memory_space<vmem>>
      %dma_start3A_555 = tpu.memref_squeeze %dma_start3A_554 : memref<1x1024xf32, #tpu.memory_space<vmem>> -> memref<1024xf32, #tpu.memory_space<vmem>>
      tpu.enqueue_dma source(%dma_start3A_555 : memref<1024xf32, #tpu.memory_space<vmem>>) target(%dma_start3A_552 : memref<1024xf32, #tpu.memory_space<hbm>>) target_semaphore(%arg11 : memref<!tpu.dma_semaphore, #tpu.memory_space<semaphore_mem>>)
      %dma_start3A_556 = arith.constant 28 : i32
      %dma_start3A_557 = arith.constant 28 : i32
      %dma_start3A_558 = arith.constant 0 : i32
      %dma_start3A_559 = tpu.memref_slice %arg9[%dma_start3A_556, %dma_start3A_558] : memref<32x1025xf32, #tpu.memory_space<vmem>> -> memref<1x1024xf32, #tpu.memory_space<vmem>>
      %dma_start3A_560 = tpu.memref_squeeze %dma_start3A_559 : memref<1x1024xf32, #tpu.memory_space<vmem>> -> memref<1024xf32, #tpu.memory_space<vmem>>
      %dma_start3A_561 = tpu.memref_slice %arg5[%select_n3A, %dma_start3A_557, %add3A_219] : memref<4x32x262144xf32, #tpu.memory_space<hbm>> -> memref<1x1x1024xf32, #tpu.memory_space<hbm>>
      %dma_start3A_562 = tpu.memref_squeeze %dma_start3A_561 : memref<1x1x1024xf32, #tpu.memory_space<hbm>> -> memref<1024xf32, #tpu.memory_space<hbm>>
      %dma_start3A_563 = tpu.memref_slice %arg5[%select_n3A, %dma_start3A_557, %add3A_219] : memref<4x32x262144xf32, #tpu.memory_space<hbm>> -> memref<1x1x1024xf32, #tpu.memory_space<hbm>>
      %dma_start3A_564 = tpu.memref_squeeze %dma_start3A_563 : memref<1x1x1024xf32, #tpu.memory_space<hbm>> -> memref<1024xf32, #tpu.memory_space<hbm>>
      %dma_start3A_565 = arith.constant 0 : i32
      %dma_start3A_566 = tpu.memref_slice %arg9[%dma_start3A_556, %dma_start3A_565] : memref<32x1025xf32, #tpu.memory_space<vmem>> -> memref<1x1024xf32, #tpu.memory_space<vmem>>
      %dma_start3A_567 = tpu.memref_squeeze %dma_start3A_566 : memref<1x1024xf32, #tpu.memory_space<vmem>> -> memref<1024xf32, #tpu.memory_space<vmem>>
      tpu.enqueue_dma source(%dma_start3A_567 : memref<1024xf32, #tpu.memory_space<vmem>>) target(%dma_start3A_564 : memref<1024xf32, #tpu.memory_space<hbm>>) target_semaphore(%arg11 : memref<!tpu.dma_semaphore, #tpu.memory_space<semaphore_mem>>)
      %dma_start3A_568 = arith.constant 29 : i32
      %dma_start3A_569 = arith.constant 29 : i32
      %dma_start3A_570 = arith.constant 0 : i32
      %dma_start3A_571 = tpu.memref_slice %arg9[%dma_start3A_568, %dma_start3A_570] : memref<32x1025xf32, #tpu.memory_space<vmem>> -> memref<1x1024xf32, #tpu.memory_space<vmem>>
      %dma_start3A_572 = tpu.memref_squeeze %dma_start3A_571 : memref<1x1024xf32, #tpu.memory_space<vmem>> -> memref<1024xf32, #tpu.memory_space<vmem>>
      %dma_start3A_573 = tpu.memref_slice %arg5[%select_n3A, %dma_start3A_569, %add3A_219] : memref<4x32x262144xf32, #tpu.memory_space<hbm>> -> memref<1x1x1024xf32, #tpu.memory_space<hbm>>
      %dma_start3A_574 = tpu.memref_squeeze %dma_start3A_573 : memref<1x1x1024xf32, #tpu.memory_space<hbm>> -> memref<1024xf32, #tpu.memory_space<hbm>>
      %dma_start3A_575 = tpu.memref_slice %arg5[%select_n3A, %dma_start3A_569, %add3A_219] : memref<4x32x262144xf32, #tpu.memory_space<hbm>> -> memref<1x1x1024xf32, #tpu.memory_space<hbm>>
      %dma_start3A_576 = tpu.memref_squeeze %dma_start3A_575 : memref<1x1x1024xf32, #tpu.memory_space<hbm>> -> memref<1024xf32, #tpu.memory_space<hbm>>
      %dma_start3A_577 = arith.constant 0 : i32
      %dma_start3A_578 = tpu.memref_slice %arg9[%dma_start3A_568, %dma_start3A_577] : memref<32x1025xf32, #tpu.memory_space<vmem>> -> memref<1x1024xf32, #tpu.memory_space<vmem>>
      %dma_start3A_579 = tpu.memref_squeeze %dma_start3A_578 : memref<1x1024xf32, #tpu.memory_space<vmem>> -> memref<1024xf32, #tpu.memory_space<vmem>>
      tpu.enqueue_dma source(%dma_start3A_579 : memref<1024xf32, #tpu.memory_space<vmem>>) target(%dma_start3A_576 : memref<1024xf32, #tpu.memory_space<hbm>>) target_semaphore(%arg11 : memref<!tpu.dma_semaphore, #tpu.memory_space<semaphore_mem>>)
      %dma_start3A_580 = arith.constant 30 : i32
      %dma_start3A_581 = arith.constant 30 : i32
      %dma_start3A_582 = arith.constant 0 : i32
      %dma_start3A_583 = tpu.memref_slice %arg9[%dma_start3A_580, %dma_start3A_582] : memref<32x1025xf32, #tpu.memory_space<vmem>> -> memref<1x1024xf32, #tpu.memory_space<vmem>>
      %dma_start3A_584 = tpu.memref_squeeze %dma_start3A_583 : memref<1x1024xf32, #tpu.memory_space<vmem>> -> memref<1024xf32, #tpu.memory_space<vmem>>
      %dma_start3A_585 = tpu.memref_slice %arg5[%select_n3A, %dma_start3A_581, %add3A_219] : memref<4x32x262144xf32, #tpu.memory_space<hbm>> -> memref<1x1x1024xf32, #tpu.memory_space<hbm>>
      %dma_start3A_586 = tpu.memref_squeeze %dma_start3A_585 : memref<1x1x1024xf32, #tpu.memory_space<hbm>> -> memref<1024xf32, #tpu.memory_space<hbm>>
      %dma_start3A_587 = tpu.memref_slice %arg5[%select_n3A, %dma_start3A_581, %add3A_219] : memref<4x32x262144xf32, #tpu.memory_space<hbm>> -> memref<1x1x1024xf32, #tpu.memory_space<hbm>>
      %dma_start3A_588 = tpu.memref_squeeze %dma_start3A_587 : memref<1x1x1024xf32, #tpu.memory_space<hbm>> -> memref<1024xf32, #tpu.memory_space<hbm>>
      %dma_start3A_589 = arith.constant 0 : i32
      %dma_start3A_590 = tpu.memref_slice %arg9[%dma_start3A_580, %dma_start3A_589] : memref<32x1025xf32, #tpu.memory_space<vmem>> -> memref<1x1024xf32, #tpu.memory_space<vmem>>
      %dma_start3A_591 = tpu.memref_squeeze %dma_start3A_590 : memref<1x1024xf32, #tpu.memory_space<vmem>> -> memref<1024xf32, #tpu.memory_space<vmem>>
      tpu.enqueue_dma source(%dma_start3A_591 : memref<1024xf32, #tpu.memory_space<vmem>>) target(%dma_start3A_588 : memref<1024xf32, #tpu.memory_space<hbm>>) target_semaphore(%arg11 : memref<!tpu.dma_semaphore, #tpu.memory_space<semaphore_mem>>)
      %dma_start3A_592 = arith.constant 31 : i32
      %dma_start3A_593 = arith.constant 31 : i32
      %dma_start3A_594 = arith.constant 0 : i32
      %dma_start3A_595 = tpu.memref_slice %arg9[%dma_start3A_592, %dma_start3A_594] : memref<32x1025xf32, #tpu.memory_space<vmem>> -> memref<1x1024xf32, #tpu.memory_space<vmem>>
      %dma_start3A_596 = tpu.memref_squeeze %dma_start3A_595 : memref<1x1024xf32, #tpu.memory_space<vmem>> -> memref<1024xf32, #tpu.memory_space<vmem>>
      %dma_start3A_597 = tpu.memref_slice %arg5[%select_n3A, %dma_start3A_593, %add3A_219] : memref<4x32x262144xf32, #tpu.memory_space<hbm>> -> memref<1x1x1024xf32, #tpu.memory_space<hbm>>
      %dma_start3A_598 = tpu.memref_squeeze %dma_start3A_597 : memref<1x1x1024xf32, #tpu.memory_space<hbm>> -> memref<1024xf32, #tpu.memory_space<hbm>>
      %dma_start3A_599 = tpu.memref_slice %arg5[%select_n3A, %dma_start3A_593, %add3A_219] : memref<4x32x262144xf32, #tpu.memory_space<hbm>> -> memref<1x1x1024xf32, #tpu.memory_space<hbm>>
      %dma_start3A_600 = tpu.memref_squeeze %dma_start3A_599 : memref<1x1x1024xf32, #tpu.memory_space<hbm>> -> memref<1024xf32, #tpu.memory_space<hbm>>
      %dma_start3A_601 = arith.constant 0 : i32
      %dma_start3A_602 = tpu.memref_slice %arg9[%dma_start3A_592, %dma_start3A_601] : memref<32x1025xf32, #tpu.memory_space<vmem>> -> memref<1x1024xf32, #tpu.memory_space<vmem>>
      %dma_start3A_603 = tpu.memref_squeeze %dma_start3A_602 : memref<1x1024xf32, #tpu.memory_space<vmem>> -> memref<1024xf32, #tpu.memory_space<vmem>>
      tpu.enqueue_dma source(%dma_start3A_603 : memref<1024xf32, #tpu.memory_space<vmem>>) target(%dma_start3A_600 : memref<1024xf32, #tpu.memory_space<hbm>>) target_semaphore(%arg11 : memref<!tpu.dma_semaphore, #tpu.memory_space<semaphore_mem>>)
      %dma_wait3A_604 = arith.constant 0 : i32
      %dma_wait3A_605 = arith.constant 0 : i32
      %dma_wait3A_606 = arith.constant 0 : i32
      %dma_wait3A_607 = tpu.memref_slice %arg9[%dma_wait3A_604, %dma_wait3A_606] : memref<32x1025xf32, #tpu.memory_space<vmem>> -> memref<1x1024xf32, #tpu.memory_space<vmem>>
      %dma_wait3A_608 = tpu.memref_squeeze %dma_wait3A_607 : memref<1x1024xf32, #tpu.memory_space<vmem>> -> memref<1024xf32, #tpu.memory_space<vmem>>
      %dma_wait3A_609 = tpu.memref_slice %arg5[%select_n3A, %dma_wait3A_605, %add3A_219] : memref<4x32x262144xf32, #tpu.memory_space<hbm>> -> memref<1x1x1024xf32, #tpu.memory_space<hbm>>
      %dma_wait3A_610 = tpu.memref_squeeze %dma_wait3A_609 : memref<1x1x1024xf32, #tpu.memory_space<hbm>> -> memref<1024xf32, #tpu.memory_space<hbm>>
      %dma_wait3A_611 = tpu.memref_slice %arg5[%select_n3A, %dma_wait3A_605, %add3A_219] : memref<4x32x262144xf32, #tpu.memory_space<hbm>> -> memref<1x1x1024xf32, #tpu.memory_space<hbm>>
      %dma_wait3A_612 = tpu.memref_squeeze %dma_wait3A_611 : memref<1x1x1024xf32, #tpu.memory_space<hbm>> -> memref<1024xf32, #tpu.memory_space<hbm>>
      %dma_wait3A_613 = arith.constant 0 : i32
      %dma_wait3A_614 = tpu.memref_slice %arg9[%dma_wait3A_604, %dma_wait3A_613] : memref<32x1025xf32, #tpu.memory_space<vmem>> -> memref<1x1024xf32, #tpu.memory_space<vmem>>
      %dma_wait3A_615 = tpu.memref_squeeze %dma_wait3A_614 : memref<1x1024xf32, #tpu.memory_space<vmem>> -> memref<1024xf32, #tpu.memory_space<vmem>>
      tpu.wait_dma2 semaphore(%arg11 : memref<!tpu.dma_semaphore, #tpu.memory_space<semaphore_mem>>) src(%dma_wait3A_615 : memref<1024xf32, #tpu.memory_space<vmem>>) dst(%dma_wait3A_612 : memref<1024xf32, #tpu.memory_space<hbm>>)
      %dma_wait3A_616 = arith.constant 1 : i32
      %dma_wait3A_617 = arith.constant 1 : i32
      %dma_wait3A_618 = arith.constant 0 : i32
      %dma_wait3A_619 = tpu.memref_slice %arg9[%dma_wait3A_616, %dma_wait3A_618] : memref<32x1025xf32, #tpu.memory_space<vmem>> -> memref<1x1024xf32, #tpu.memory_space<vmem>>
      %dma_wait3A_620 = tpu.memref_squeeze %dma_wait3A_619 : memref<1x1024xf32, #tpu.memory_space<vmem>> -> memref<1024xf32, #tpu.memory_space<vmem>>
      %dma_wait3A_621 = tpu.memref_slice %arg5[%select_n3A, %dma_wait3A_617, %add3A_219] : memref<4x32x262144xf32, #tpu.memory_space<hbm>> -> memref<1x1x1024xf32, #tpu.memory_space<hbm>>
      %dma_wait3A_622 = tpu.memref_squeeze %dma_wait3A_621 : memref<1x1x1024xf32, #tpu.memory_space<hbm>> -> memref<1024xf32, #tpu.memory_space<hbm>>
      %dma_wait3A_623 = tpu.memref_slice %arg5[%select_n3A, %dma_wait3A_617, %add3A_219] : memref<4x32x262144xf32, #tpu.memory_space<hbm>> -> memref<1x1x1024xf32, #tpu.memory_space<hbm>>
      %dma_wait3A_624 = tpu.memref_squeeze %dma_wait3A_623 : memref<1x1x1024xf32, #tpu.memory_space<hbm>> -> memref<1024xf32, #tpu.memory_space<hbm>>
      %dma_wait3A_625 = arith.constant 0 : i32
      %dma_wait3A_626 = tpu.memref_slice %arg9[%dma_wait3A_616, %dma_wait3A_625] : memref<32x1025xf32, #tpu.memory_space<vmem>> -> memref<1x1024xf32, #tpu.memory_space<vmem>>
      %dma_wait3A_627 = tpu.memref_squeeze %dma_wait3A_626 : memref<1x1024xf32, #tpu.memory_space<vmem>> -> memref<1024xf32, #tpu.memory_space<vmem>>
      tpu.wait_dma2 semaphore(%arg11 : memref<!tpu.dma_semaphore, #tpu.memory_space<semaphore_mem>>) src(%dma_wait3A_627 : memref<1024xf32, #tpu.memory_space<vmem>>) dst(%dma_wait3A_624 : memref<1024xf32, #tpu.memory_space<hbm>>)
      %dma_wait3A_628 = arith.constant 2 : i32
      %dma_wait3A_629 = arith.constant 2 : i32
      %dma_wait3A_630 = arith.constant 0 : i32
      %dma_wait3A_631 = tpu.memref_slice %arg9[%dma_wait3A_628, %dma_wait3A_630] : memref<32x1025xf32, #tpu.memory_space<vmem>> -> memref<1x1024xf32, #tpu.memory_space<vmem>>
      %dma_wait3A_632 = tpu.memref_squeeze %dma_wait3A_631 : memref<1x1024xf32, #tpu.memory_space<vmem>> -> memref<1024xf32, #tpu.memory_space<vmem>>
      %dma_wait3A_633 = tpu.memref_slice %arg5[%select_n3A, %dma_wait3A_629, %add3A_219] : memref<4x32x262144xf32, #tpu.memory_space<hbm>> -> memref<1x1x1024xf32, #tpu.memory_space<hbm>>
      %dma_wait3A_634 = tpu.memref_squeeze %dma_wait3A_633 : memref<1x1x1024xf32, #tpu.memory_space<hbm>> -> memref<1024xf32, #tpu.memory_space<hbm>>
      %dma_wait3A_635 = tpu.memref_slice %arg5[%select_n3A, %dma_wait3A_629, %add3A_219] : memref<4x32x262144xf32, #tpu.memory_space<hbm>> -> memref<1x1x1024xf32, #tpu.memory_space<hbm>>
      %dma_wait3A_636 = tpu.memref_squeeze %dma_wait3A_635 : memref<1x1x1024xf32, #tpu.memory_space<hbm>> -> memref<1024xf32, #tpu.memory_space<hbm>>
      %dma_wait3A_637 = arith.constant 0 : i32
      %dma_wait3A_638 = tpu.memref_slice %arg9[%dma_wait3A_628, %dma_wait3A_637] : memref<32x1025xf32, #tpu.memory_space<vmem>> -> memref<1x1024xf32, #tpu.memory_space<vmem>>
      %dma_wait3A_639 = tpu.memref_squeeze %dma_wait3A_638 : memref<1x1024xf32, #tpu.memory_space<vmem>> -> memref<1024xf32, #tpu.memory_space<vmem>>
      tpu.wait_dma2 semaphore(%arg11 : memref<!tpu.dma_semaphore, #tpu.memory_space<semaphore_mem>>) src(%dma_wait3A_639 : memref<1024xf32, #tpu.memory_space<vmem>>) dst(%dma_wait3A_636 : memref<1024xf32, #tpu.memory_space<hbm>>)
      %dma_wait3A_640 = arith.constant 3 : i32
      %dma_wait3A_641 = arith.constant 3 : i32
      %dma_wait3A_642 = arith.constant 0 : i32
      %dma_wait3A_643 = tpu.memref_slice %arg9[%dma_wait3A_640, %dma_wait3A_642] : memref<32x1025xf32, #tpu.memory_space<vmem>> -> memref<1x1024xf32, #tpu.memory_space<vmem>>
      %dma_wait3A_644 = tpu.memref_squeeze %dma_wait3A_643 : memref<1x1024xf32, #tpu.memory_space<vmem>> -> memref<1024xf32, #tpu.memory_space<vmem>>
      %dma_wait3A_645 = tpu.memref_slice %arg5[%select_n3A, %dma_wait3A_641, %add3A_219] : memref<4x32x262144xf32, #tpu.memory_space<hbm>> -> memref<1x1x1024xf32, #tpu.memory_space<hbm>>
      %dma_wait3A_646 = tpu.memref_squeeze %dma_wait3A_645 : memref<1x1x1024xf32, #tpu.memory_space<hbm>> -> memref<1024xf32, #tpu.memory_space<hbm>>
      %dma_wait3A_647 = tpu.memref_slice %arg5[%select_n3A, %dma_wait3A_641, %add3A_219] : memref<4x32x262144xf32, #tpu.memory_space<hbm>> -> memref<1x1x1024xf32, #tpu.memory_space<hbm>>
      %dma_wait3A_648 = tpu.memref_squeeze %dma_wait3A_647 : memref<1x1x1024xf32, #tpu.memory_space<hbm>> -> memref<1024xf32, #tpu.memory_space<hbm>>
      %dma_wait3A_649 = arith.constant 0 : i32
      %dma_wait3A_650 = tpu.memref_slice %arg9[%dma_wait3A_640, %dma_wait3A_649] : memref<32x1025xf32, #tpu.memory_space<vmem>> -> memref<1x1024xf32, #tpu.memory_space<vmem>>
      %dma_wait3A_651 = tpu.memref_squeeze %dma_wait3A_650 : memref<1x1024xf32, #tpu.memory_space<vmem>> -> memref<1024xf32, #tpu.memory_space<vmem>>
      tpu.wait_dma2 semaphore(%arg11 : memref<!tpu.dma_semaphore, #tpu.memory_space<semaphore_mem>>) src(%dma_wait3A_651 : memref<1024xf32, #tpu.memory_space<vmem>>) dst(%dma_wait3A_648 : memref<1024xf32, #tpu.memory_space<hbm>>)
      %dma_wait3A_652 = arith.constant 4 : i32
      %dma_wait3A_653 = arith.constant 4 : i32
      %dma_wait3A_654 = arith.constant 0 : i32
      %dma_wait3A_655 = tpu.memref_slice %arg9[%dma_wait3A_652, %dma_wait3A_654] : memref<32x1025xf32, #tpu.memory_space<vmem>> -> memref<1x1024xf32, #tpu.memory_space<vmem>>
      %dma_wait3A_656 = tpu.memref_squeeze %dma_wait3A_655 : memref<1x1024xf32, #tpu.memory_space<vmem>> -> memref<1024xf32, #tpu.memory_space<vmem>>
      %dma_wait3A_657 = tpu.memref_slice %arg5[%select_n3A, %dma_wait3A_653, %add3A_219] : memref<4x32x262144xf32, #tpu.memory_space<hbm>> -> memref<1x1x1024xf32, #tpu.memory_space<hbm>>
      %dma_wait3A_658 = tpu.memref_squeeze %dma_wait3A_657 : memref<1x1x1024xf32, #tpu.memory_space<hbm>> -> memref<1024xf32, #tpu.memory_space<hbm>>
      %dma_wait3A_659 = tpu.memref_slice %arg5[%select_n3A, %dma_wait3A_653, %add3A_219] : memref<4x32x262144xf32, #tpu.memory_space<hbm>> -> memref<1x1x1024xf32, #tpu.memory_space<hbm>>
      %dma_wait3A_660 = tpu.memref_squeeze %dma_wait3A_659 : memref<1x1x1024xf32, #tpu.memory_space<hbm>> -> memref<1024xf32, #tpu.memory_space<hbm>>
      %dma_wait3A_661 = arith.constant 0 : i32
      %dma_wait3A_662 = tpu.memref_slice %arg9[%dma_wait3A_652, %dma_wait3A_661] : memref<32x1025xf32, #tpu.memory_space<vmem>> -> memref<1x1024xf32, #tpu.memory_space<vmem>>
      %dma_wait3A_663 = tpu.memref_squeeze %dma_wait3A_662 : memref<1x1024xf32, #tpu.memory_space<vmem>> -> memref<1024xf32, #tpu.memory_space<vmem>>
      tpu.wait_dma2 semaphore(%arg11 : memref<!tpu.dma_semaphore, #tpu.memory_space<semaphore_mem>>) src(%dma_wait3A_663 : memref<1024xf32, #tpu.memory_space<vmem>>) dst(%dma_wait3A_660 : memref<1024xf32, #tpu.memory_space<hbm>>)
      %dma_wait3A_664 = arith.constant 5 : i32
      %dma_wait3A_665 = arith.constant 5 : i32
      %dma_wait3A_666 = arith.constant 0 : i32
      %dma_wait3A_667 = tpu.memref_slice %arg9[%dma_wait3A_664, %dma_wait3A_666] : memref<32x1025xf32, #tpu.memory_space<vmem>> -> memref<1x1024xf32, #tpu.memory_space<vmem>>
      %dma_wait3A_668 = tpu.memref_squeeze %dma_wait3A_667 : memref<1x1024xf32, #tpu.memory_space<vmem>> -> memref<1024xf32, #tpu.memory_space<vmem>>
      %dma_wait3A_669 = tpu.memref_slice %arg5[%select_n3A, %dma_wait3A_665, %add3A_219] : memref<4x32x262144xf32, #tpu.memory_space<hbm>> -> memref<1x1x1024xf32, #tpu.memory_space<hbm>>
      %dma_wait3A_670 = tpu.memref_squeeze %dma_wait3A_669 : memref<1x1x1024xf32, #tpu.memory_space<hbm>> -> memref<1024xf32, #tpu.memory_space<hbm>>
      %dma_wait3A_671 = tpu.memref_slice %arg5[%select_n3A, %dma_wait3A_665, %add3A_219] : memref<4x32x262144xf32, #tpu.memory_space<hbm>> -> memref<1x1x1024xf32, #tpu.memory_space<hbm>>
      %dma_wait3A_672 = tpu.memref_squeeze %dma_wait3A_671 : memref<1x1x1024xf32, #tpu.memory_space<hbm>> -> memref<1024xf32, #tpu.memory_space<hbm>>
      %dma_wait3A_673 = arith.constant 0 : i32
      %dma_wait3A_674 = tpu.memref_slice %arg9[%dma_wait3A_664, %dma_wait3A_673] : memref<32x1025xf32, #tpu.memory_space<vmem>> -> memref<1x1024xf32, #tpu.memory_space<vmem>>
      %dma_wait3A_675 = tpu.memref_squeeze %dma_wait3A_674 : memref<1x1024xf32, #tpu.memory_space<vmem>> -> memref<1024xf32, #tpu.memory_space<vmem>>
      tpu.wait_dma2 semaphore(%arg11 : memref<!tpu.dma_semaphore, #tpu.memory_space<semaphore_mem>>) src(%dma_wait3A_675 : memref<1024xf32, #tpu.memory_space<vmem>>) dst(%dma_wait3A_672 : memref<1024xf32, #tpu.memory_space<hbm>>)
      %dma_wait3A_676 = arith.constant 6 : i32
      %dma_wait3A_677 = arith.constant 6 : i32
      %dma_wait3A_678 = arith.constant 0 : i32
      %dma_wait3A_679 = tpu.memref_slice %arg9[%dma_wait3A_676, %dma_wait3A_678] : memref<32x1025xf32, #tpu.memory_space<vmem>> -> memref<1x1024xf32, #tpu.memory_space<vmem>>
      %dma_wait3A_680 = tpu.memref_squeeze %dma_wait3A_679 : memref<1x1024xf32, #tpu.memory_space<vmem>> -> memref<1024xf32, #tpu.memory_space<vmem>>
      %dma_wait3A_681 = tpu.memref_slice %arg5[%select_n3A, %dma_wait3A_677, %add3A_219] : memref<4x32x262144xf32, #tpu.memory_space<hbm>> -> memref<1x1x1024xf32, #tpu.memory_space<hbm>>
      %dma_wait3A_682 = tpu.memref_squeeze %dma_wait3A_681 : memref<1x1x1024xf32, #tpu.memory_space<hbm>> -> memref<1024xf32, #tpu.memory_space<hbm>>
      %dma_wait3A_683 = tpu.memref_slice %arg5[%select_n3A, %dma_wait3A_677, %add3A_219] : memref<4x32x262144xf32, #tpu.memory_space<hbm>> -> memref<1x1x1024xf32, #tpu.memory_space<hbm>>
      %dma_wait3A_684 = tpu.memref_squeeze %dma_wait3A_683 : memref<1x1x1024xf32, #tpu.memory_space<hbm>> -> memref<1024xf32, #tpu.memory_space<hbm>>
      %dma_wait3A_685 = arith.constant 0 : i32
      %dma_wait3A_686 = tpu.memref_slice %arg9[%dma_wait3A_676, %dma_wait3A_685] : memref<32x1025xf32, #tpu.memory_space<vmem>> -> memref<1x1024xf32, #tpu.memory_space<vmem>>
      %dma_wait3A_687 = tpu.memref_squeeze %dma_wait3A_686 : memref<1x1024xf32, #tpu.memory_space<vmem>> -> memref<1024xf32, #tpu.memory_space<vmem>>
      tpu.wait_dma2 semaphore(%arg11 : memref<!tpu.dma_semaphore, #tpu.memory_space<semaphore_mem>>) src(%dma_wait3A_687 : memref<1024xf32, #tpu.memory_space<vmem>>) dst(%dma_wait3A_684 : memref<1024xf32, #tpu.memory_space<hbm>>)
      %dma_wait3A_688 = arith.constant 7 : i32
      %dma_wait3A_689 = arith.constant 7 : i32
      %dma_wait3A_690 = arith.constant 0 : i32
      %dma_wait3A_691 = tpu.memref_slice %arg9[%dma_wait3A_688, %dma_wait3A_690] : memref<32x1025xf32, #tpu.memory_space<vmem>> -> memref<1x1024xf32, #tpu.memory_space<vmem>>
      %dma_wait3A_692 = tpu.memref_squeeze %dma_wait3A_691 : memref<1x1024xf32, #tpu.memory_space<vmem>> -> memref<1024xf32, #tpu.memory_space<vmem>>
      %dma_wait3A_693 = tpu.memref_slice %arg5[%select_n3A, %dma_wait3A_689, %add3A_219] : memref<4x32x262144xf32, #tpu.memory_space<hbm>> -> memref<1x1x1024xf32, #tpu.memory_space<hbm>>
      %dma_wait3A_694 = tpu.memref_squeeze %dma_wait3A_693 : memref<1x1x1024xf32, #tpu.memory_space<hbm>> -> memref<1024xf32, #tpu.memory_space<hbm>>
      %dma_wait3A_695 = tpu.memref_slice %arg5[%select_n3A, %dma_wait3A_689, %add3A_219] : memref<4x32x262144xf32, #tpu.memory_space<hbm>> -> memref<1x1x1024xf32, #tpu.memory_space<hbm>>
      %dma_wait3A_696 = tpu.memref_squeeze %dma_wait3A_695 : memref<1x1x1024xf32, #tpu.memory_space<hbm>> -> memref<1024xf32, #tpu.memory_space<hbm>>
      %dma_wait3A_697 = arith.constant 0 : i32
      %dma_wait3A_698 = tpu.memref_slice %arg9[%dma_wait3A_688, %dma_wait3A_697] : memref<32x1025xf32, #tpu.memory_space<vmem>> -> memref<1x1024xf32, #tpu.memory_space<vmem>>
      %dma_wait3A_699 = tpu.memref_squeeze %dma_wait3A_698 : memref<1x1024xf32, #tpu.memory_space<vmem>> -> memref<1024xf32, #tpu.memory_space<vmem>>
      tpu.wait_dma2 semaphore(%arg11 : memref<!tpu.dma_semaphore, #tpu.memory_space<semaphore_mem>>) src(%dma_wait3A_699 : memref<1024xf32, #tpu.memory_space<vmem>>) dst(%dma_wait3A_696 : memref<1024xf32, #tpu.memory_space<hbm>>)
      %dma_wait3A_700 = arith.constant 8 : i32
      %dma_wait3A_701 = arith.constant 8 : i32
      %dma_wait3A_702 = arith.constant 0 : i32
      %dma_wait3A_703 = tpu.memref_slice %arg9[%dma_wait3A_700, %dma_wait3A_702] : memref<32x1025xf32, #tpu.memory_space<vmem>> -> memref<1x1024xf32, #tpu.memory_space<vmem>>
      %dma_wait3A_704 = tpu.memref_squeeze %dma_wait3A_703 : memref<1x1024xf32, #tpu.memory_space<vmem>> -> memref<1024xf32, #tpu.memory_space<vmem>>
      %dma_wait3A_705 = tpu.memref_slice %arg5[%select_n3A, %dma_wait3A_701, %add3A_219] : memref<4x32x262144xf32, #tpu.memory_space<hbm>> -> memref<1x1x1024xf32, #tpu.memory_space<hbm>>
      %dma_wait3A_706 = tpu.memref_squeeze %dma_wait3A_705 : memref<1x1x1024xf32, #tpu.memory_space<hbm>> -> memref<1024xf32, #tpu.memory_space<hbm>>
      %dma_wait3A_707 = tpu.memref_slice %arg5[%select_n3A, %dma_wait3A_701, %add3A_219] : memref<4x32x262144xf32, #tpu.memory_space<hbm>> -> memref<1x1x1024xf32, #tpu.memory_space<hbm>>
      %dma_wait3A_708 = tpu.memref_squeeze %dma_wait3A_707 : memref<1x1x1024xf32, #tpu.memory_space<hbm>> -> memref<1024xf32, #tpu.memory_space<hbm>>
      %dma_wait3A_709 = arith.constant 0 : i32
      %dma_wait3A_710 = tpu.memref_slice %arg9[%dma_wait3A_700, %dma_wait3A_709] : memref<32x1025xf32, #tpu.memory_space<vmem>> -> memref<1x1024xf32, #tpu.memory_space<vmem>>
      %dma_wait3A_711 = tpu.memref_squeeze %dma_wait3A_710 : memref<1x1024xf32, #tpu.memory_space<vmem>> -> memref<1024xf32, #tpu.memory_space<vmem>>
      tpu.wait_dma2 semaphore(%arg11 : memref<!tpu.dma_semaphore, #tpu.memory_space<semaphore_mem>>) src(%dma_wait3A_711 : memref<1024xf32, #tpu.memory_space<vmem>>) dst(%dma_wait3A_708 : memref<1024xf32, #tpu.memory_space<hbm>>)
      %dma_wait3A_712 = arith.constant 9 : i32
      %dma_wait3A_713 = arith.constant 9 : i32
      %dma_wait3A_714 = arith.constant 0 : i32
      %dma_wait3A_715 = tpu.memref_slice %arg9[%dma_wait3A_712, %dma_wait3A_714] : memref<32x1025xf32, #tpu.memory_space<vmem>> -> memref<1x1024xf32, #tpu.memory_space<vmem>>
      %dma_wait3A_716 = tpu.memref_squeeze %dma_wait3A_715 : memref<1x1024xf32, #tpu.memory_space<vmem>> -> memref<1024xf32, #tpu.memory_space<vmem>>
      %dma_wait3A_717 = tpu.memref_slice %arg5[%select_n3A, %dma_wait3A_713, %add3A_219] : memref<4x32x262144xf32, #tpu.memory_space<hbm>> -> memref<1x1x1024xf32, #tpu.memory_space<hbm>>
      %dma_wait3A_718 = tpu.memref_squeeze %dma_wait3A_717 : memref<1x1x1024xf32, #tpu.memory_space<hbm>> -> memref<1024xf32, #tpu.memory_space<hbm>>
      %dma_wait3A_719 = tpu.memref_slice %arg5[%select_n3A, %dma_wait3A_713, %add3A_219] : memref<4x32x262144xf32, #tpu.memory_space<hbm>> -> memref<1x1x1024xf32, #tpu.memory_space<hbm>>
      %dma_wait3A_720 = tpu.memref_squeeze %dma_wait3A_719 : memref<1x1x1024xf32, #tpu.memory_space<hbm>> -> memref<1024xf32, #tpu.memory_space<hbm>>
      %dma_wait3A_721 = arith.constant 0 : i32
      %dma_wait3A_722 = tpu.memref_slice %arg9[%dma_wait3A_712, %dma_wait3A_721] : memref<32x1025xf32, #tpu.memory_space<vmem>> -> memref<1x1024xf32, #tpu.memory_space<vmem>>
      %dma_wait3A_723 = tpu.memref_squeeze %dma_wait3A_722 : memref<1x1024xf32, #tpu.memory_space<vmem>> -> memref<1024xf32, #tpu.memory_space<vmem>>
      tpu.wait_dma2 semaphore(%arg11 : memref<!tpu.dma_semaphore, #tpu.memory_space<semaphore_mem>>) src(%dma_wait3A_723 : memref<1024xf32, #tpu.memory_space<vmem>>) dst(%dma_wait3A_720 : memref<1024xf32, #tpu.memory_space<hbm>>)
      %dma_wait3A_724 = arith.constant 10 : i32
      %dma_wait3A_725 = arith.constant 10 : i32
      %dma_wait3A_726 = arith.constant 0 : i32
      %dma_wait3A_727 = tpu.memref_slice %arg9[%dma_wait3A_724, %dma_wait3A_726] : memref<32x1025xf32, #tpu.memory_space<vmem>> -> memref<1x1024xf32, #tpu.memory_space<vmem>>
      %dma_wait3A_728 = tpu.memref_squeeze %dma_wait3A_727 : memref<1x1024xf32, #tpu.memory_space<vmem>> -> memref<1024xf32, #tpu.memory_space<vmem>>
      %dma_wait3A_729 = tpu.memref_slice %arg5[%select_n3A, %dma_wait3A_725, %add3A_219] : memref<4x32x262144xf32, #tpu.memory_space<hbm>> -> memref<1x1x1024xf32, #tpu.memory_space<hbm>>
      %dma_wait3A_730 = tpu.memref_squeeze %dma_wait3A_729 : memref<1x1x1024xf32, #tpu.memory_space<hbm>> -> memref<1024xf32, #tpu.memory_space<hbm>>
      %dma_wait3A_731 = tpu.memref_slice %arg5[%select_n3A, %dma_wait3A_725, %add3A_219] : memref<4x32x262144xf32, #tpu.memory_space<hbm>> -> memref<1x1x1024xf32, #tpu.memory_space<hbm>>
      %dma_wait3A_732 = tpu.memref_squeeze %dma_wait3A_731 : memref<1x1x1024xf32, #tpu.memory_space<hbm>> -> memref<1024xf32, #tpu.memory_space<hbm>>
      %dma_wait3A_733 = arith.constant 0 : i32
      %dma_wait3A_734 = tpu.memref_slice %arg9[%dma_wait3A_724, %dma_wait3A_733] : memref<32x1025xf32, #tpu.memory_space<vmem>> -> memref<1x1024xf32, #tpu.memory_space<vmem>>
      %dma_wait3A_735 = tpu.memref_squeeze %dma_wait3A_734 : memref<1x1024xf32, #tpu.memory_space<vmem>> -> memref<1024xf32, #tpu.memory_space<vmem>>
      tpu.wait_dma2 semaphore(%arg11 : memref<!tpu.dma_semaphore, #tpu.memory_space<semaphore_mem>>) src(%dma_wait3A_735 : memref<1024xf32, #tpu.memory_space<vmem>>) dst(%dma_wait3A_732 : memref<1024xf32, #tpu.memory_space<hbm>>)
      %dma_wait3A_736 = arith.constant 11 : i32
      %dma_wait3A_737 = arith.constant 11 : i32
      %dma_wait3A_738 = arith.constant 0 : i32
      %dma_wait3A_739 = tpu.memref_slice %arg9[%dma_wait3A_736, %dma_wait3A_738] : memref<32x1025xf32, #tpu.memory_space<vmem>> -> memref<1x1024xf32, #tpu.memory_space<vmem>>
      %dma_wait3A_740 = tpu.memref_squeeze %dma_wait3A_739 : memref<1x1024xf32, #tpu.memory_space<vmem>> -> memref<1024xf32, #tpu.memory_space<vmem>>
      %dma_wait3A_741 = tpu.memref_slice %arg5[%select_n3A, %dma_wait3A_737, %add3A_219] : memref<4x32x262144xf32, #tpu.memory_space<hbm>> -> memref<1x1x1024xf32, #tpu.memory_space<hbm>>
      %dma_wait3A_742 = tpu.memref_squeeze %dma_wait3A_741 : memref<1x1x1024xf32, #tpu.memory_space<hbm>> -> memref<1024xf32, #tpu.memory_space<hbm>>
      %dma_wait3A_743 = tpu.memref_slice %arg5[%select_n3A, %dma_wait3A_737, %add3A_219] : memref<4x32x262144xf32, #tpu.memory_space<hbm>> -> memref<1x1x1024xf32, #tpu.memory_space<hbm>>
      %dma_wait3A_744 = tpu.memref_squeeze %dma_wait3A_743 : memref<1x1x1024xf32, #tpu.memory_space<hbm>> -> memref<1024xf32, #tpu.memory_space<hbm>>
      %dma_wait3A_745 = arith.constant 0 : i32
      %dma_wait3A_746 = tpu.memref_slice %arg9[%dma_wait3A_736, %dma_wait3A_745] : memref<32x1025xf32, #tpu.memory_space<vmem>> -> memref<1x1024xf32, #tpu.memory_space<vmem>>
      %dma_wait3A_747 = tpu.memref_squeeze %dma_wait3A_746 : memref<1x1024xf32, #tpu.memory_space<vmem>> -> memref<1024xf32, #tpu.memory_space<vmem>>
      tpu.wait_dma2 semaphore(%arg11 : memref<!tpu.dma_semaphore, #tpu.memory_space<semaphore_mem>>) src(%dma_wait3A_747 : memref<1024xf32, #tpu.memory_space<vmem>>) dst(%dma_wait3A_744 : memref<1024xf32, #tpu.memory_space<hbm>>)
      %dma_wait3A_748 = arith.constant 12 : i32
      %dma_wait3A_749 = arith.constant 12 : i32
      %dma_wait3A_750 = arith.constant 0 : i32
      %dma_wait3A_751 = tpu.memref_slice %arg9[%dma_wait3A_748, %dma_wait3A_750] : memref<32x1025xf32, #tpu.memory_space<vmem>> -> memref<1x1024xf32, #tpu.memory_space<vmem>>
      %dma_wait3A_752 = tpu.memref_squeeze %dma_wait3A_751 : memref<1x1024xf32, #tpu.memory_space<vmem>> -> memref<1024xf32, #tpu.memory_space<vmem>>
      %dma_wait3A_753 = tpu.memref_slice %arg5[%select_n3A, %dma_wait3A_749, %add3A_219] : memref<4x32x262144xf32, #tpu.memory_space<hbm>> -> memref<1x1x1024xf32, #tpu.memory_space<hbm>>
      %dma_wait3A_754 = tpu.memref_squeeze %dma_wait3A_753 : memref<1x1x1024xf32, #tpu.memory_space<hbm>> -> memref<1024xf32, #tpu.memory_space<hbm>>
      %dma_wait3A_755 = tpu.memref_slice %arg5[%select_n3A, %dma_wait3A_749, %add3A_219] : memref<4x32x262144xf32, #tpu.memory_space<hbm>> -> memref<1x1x1024xf32, #tpu.memory_space<hbm>>
      %dma_wait3A_756 = tpu.memref_squeeze %dma_wait3A_755 : memref<1x1x1024xf32, #tpu.memory_space<hbm>> -> memref<1024xf32, #tpu.memory_space<hbm>>
      %dma_wait3A_757 = arith.constant 0 : i32
      %dma_wait3A_758 = tpu.memref_slice %arg9[%dma_wait3A_748, %dma_wait3A_757] : memref<32x1025xf32, #tpu.memory_space<vmem>> -> memref<1x1024xf32, #tpu.memory_space<vmem>>
      %dma_wait3A_759 = tpu.memref_squeeze %dma_wait3A_758 : memref<1x1024xf32, #tpu.memory_space<vmem>> -> memref<1024xf32, #tpu.memory_space<vmem>>
      tpu.wait_dma2 semaphore(%arg11 : memref<!tpu.dma_semaphore, #tpu.memory_space<semaphore_mem>>) src(%dma_wait3A_759 : memref<1024xf32, #tpu.memory_space<vmem>>) dst(%dma_wait3A_756 : memref<1024xf32, #tpu.memory_space<hbm>>)
      %dma_wait3A_760 = arith.constant 13 : i32
      %dma_wait3A_761 = arith.constant 13 : i32
      %dma_wait3A_762 = arith.constant 0 : i32
      %dma_wait3A_763 = tpu.memref_slice %arg9[%dma_wait3A_760, %dma_wait3A_762] : memref<32x1025xf32, #tpu.memory_space<vmem>> -> memref<1x1024xf32, #tpu.memory_space<vmem>>
      %dma_wait3A_764 = tpu.memref_squeeze %dma_wait3A_763 : memref<1x1024xf32, #tpu.memory_space<vmem>> -> memref<1024xf32, #tpu.memory_space<vmem>>
      %dma_wait3A_765 = tpu.memref_slice %arg5[%select_n3A, %dma_wait3A_761, %add3A_219] : memref<4x32x262144xf32, #tpu.memory_space<hbm>> -> memref<1x1x1024xf32, #tpu.memory_space<hbm>>
      %dma_wait3A_766 = tpu.memref_squeeze %dma_wait3A_765 : memref<1x1x1024xf32, #tpu.memory_space<hbm>> -> memref<1024xf32, #tpu.memory_space<hbm>>
      %dma_wait3A_767 = tpu.memref_slice %arg5[%select_n3A, %dma_wait3A_761, %add3A_219] : memref<4x32x262144xf32, #tpu.memory_space<hbm>> -> memref<1x1x1024xf32, #tpu.memory_space<hbm>>
      %dma_wait3A_768 = tpu.memref_squeeze %dma_wait3A_767 : memref<1x1x1024xf32, #tpu.memory_space<hbm>> -> memref<1024xf32, #tpu.memory_space<hbm>>
      %dma_wait3A_769 = arith.constant 0 : i32
      %dma_wait3A_770 = tpu.memref_slice %arg9[%dma_wait3A_760, %dma_wait3A_769] : memref<32x1025xf32, #tpu.memory_space<vmem>> -> memref<1x1024xf32, #tpu.memory_space<vmem>>
      %dma_wait3A_771 = tpu.memref_squeeze %dma_wait3A_770 : memref<1x1024xf32, #tpu.memory_space<vmem>> -> memref<1024xf32, #tpu.memory_space<vmem>>
      tpu.wait_dma2 semaphore(%arg11 : memref<!tpu.dma_semaphore, #tpu.memory_space<semaphore_mem>>) src(%dma_wait3A_771 : memref<1024xf32, #tpu.memory_space<vmem>>) dst(%dma_wait3A_768 : memref<1024xf32, #tpu.memory_space<hbm>>)
      %dma_wait3A_772 = arith.constant 14 : i32
      %dma_wait3A_773 = arith.constant 14 : i32
      %dma_wait3A_774 = arith.constant 0 : i32
      %dma_wait3A_775 = tpu.memref_slice %arg9[%dma_wait3A_772, %dma_wait3A_774] : memref<32x1025xf32, #tpu.memory_space<vmem>> -> memref<1x1024xf32, #tpu.memory_space<vmem>>
      %dma_wait3A_776 = tpu.memref_squeeze %dma_wait3A_775 : memref<1x1024xf32, #tpu.memory_space<vmem>> -> memref<1024xf32, #tpu.memory_space<vmem>>
      %dma_wait3A_777 = tpu.memref_slice %arg5[%select_n3A, %dma_wait3A_773, %add3A_219] : memref<4x32x262144xf32, #tpu.memory_space<hbm>> -> memref<1x1x1024xf32, #tpu.memory_space<hbm>>
      %dma_wait3A_778 = tpu.memref_squeeze %dma_wait3A_777 : memref<1x1x1024xf32, #tpu.memory_space<hbm>> -> memref<1024xf32, #tpu.memory_space<hbm>>
      %dma_wait3A_779 = tpu.memref_slice %arg5[%select_n3A, %dma_wait3A_773, %add3A_219] : memref<4x32x262144xf32, #tpu.memory_space<hbm>> -> memref<1x1x1024xf32, #tpu.memory_space<hbm>>
      %dma_wait3A_780 = tpu.memref_squeeze %dma_wait3A_779 : memref<1x1x1024xf32, #tpu.memory_space<hbm>> -> memref<1024xf32, #tpu.memory_space<hbm>>
      %dma_wait3A_781 = arith.constant 0 : i32
      %dma_wait3A_782 = tpu.memref_slice %arg9[%dma_wait3A_772, %dma_wait3A_781] : memref<32x1025xf32, #tpu.memory_space<vmem>> -> memref<1x1024xf32, #tpu.memory_space<vmem>>
      %dma_wait3A_783 = tpu.memref_squeeze %dma_wait3A_782 : memref<1x1024xf32, #tpu.memory_space<vmem>> -> memref<1024xf32, #tpu.memory_space<vmem>>
      tpu.wait_dma2 semaphore(%arg11 : memref<!tpu.dma_semaphore, #tpu.memory_space<semaphore_mem>>) src(%dma_wait3A_783 : memref<1024xf32, #tpu.memory_space<vmem>>) dst(%dma_wait3A_780 : memref<1024xf32, #tpu.memory_space<hbm>>)
      %dma_wait3A_784 = arith.constant 15 : i32
      %dma_wait3A_785 = arith.constant 15 : i32
      %dma_wait3A_786 = arith.constant 0 : i32
      %dma_wait3A_787 = tpu.memref_slice %arg9[%dma_wait3A_784, %dma_wait3A_786] : memref<32x1025xf32, #tpu.memory_space<vmem>> -> memref<1x1024xf32, #tpu.memory_space<vmem>>
      %dma_wait3A_788 = tpu.memref_squeeze %dma_wait3A_787 : memref<1x1024xf32, #tpu.memory_space<vmem>> -> memref<1024xf32, #tpu.memory_space<vmem>>
      %dma_wait3A_789 = tpu.memref_slice %arg5[%select_n3A, %dma_wait3A_785, %add3A_219] : memref<4x32x262144xf32, #tpu.memory_space<hbm>> -> memref<1x1x1024xf32, #tpu.memory_space<hbm>>
      %dma_wait3A_790 = tpu.memref_squeeze %dma_wait3A_789 : memref<1x1x1024xf32, #tpu.memory_space<hbm>> -> memref<1024xf32, #tpu.memory_space<hbm>>
      %dma_wait3A_791 = tpu.memref_slice %arg5[%select_n3A, %dma_wait3A_785, %add3A_219] : memref<4x32x262144xf32, #tpu.memory_space<hbm>> -> memref<1x1x1024xf32, #tpu.memory_space<hbm>>
      %dma_wait3A_792 = tpu.memref_squeeze %dma_wait3A_791 : memref<1x1x1024xf32, #tpu.memory_space<hbm>> -> memref<1024xf32, #tpu.memory_space<hbm>>
      %dma_wait3A_793 = arith.constant 0 : i32
      %dma_wait3A_794 = tpu.memref_slice %arg9[%dma_wait3A_784, %dma_wait3A_793] : memref<32x1025xf32, #tpu.memory_space<vmem>> -> memref<1x1024xf32, #tpu.memory_space<vmem>>
      %dma_wait3A_795 = tpu.memref_squeeze %dma_wait3A_794 : memref<1x1024xf32, #tpu.memory_space<vmem>> -> memref<1024xf32, #tpu.memory_space<vmem>>
      tpu.wait_dma2 semaphore(%arg11 : memref<!tpu.dma_semaphore, #tpu.memory_space<semaphore_mem>>) src(%dma_wait3A_795 : memref<1024xf32, #tpu.memory_space<vmem>>) dst(%dma_wait3A_792 : memref<1024xf32, #tpu.memory_space<hbm>>)
      %dma_wait3A_796 = arith.constant 16 : i32
      %dma_wait3A_797 = arith.constant 16 : i32
      %dma_wait3A_798 = arith.constant 0 : i32
      %dma_wait3A_799 = tpu.memref_slice %arg9[%dma_wait3A_796, %dma_wait3A_798] : memref<32x1025xf32, #tpu.memory_space<vmem>> -> memref<1x1024xf32, #tpu.memory_space<vmem>>
      %dma_wait3A_800 = tpu.memref_squeeze %dma_wait3A_799 : memref<1x1024xf32, #tpu.memory_space<vmem>> -> memref<1024xf32, #tpu.memory_space<vmem>>
      %dma_wait3A_801 = tpu.memref_slice %arg5[%select_n3A, %dma_wait3A_797, %add3A_219] : memref<4x32x262144xf32, #tpu.memory_space<hbm>> -> memref<1x1x1024xf32, #tpu.memory_space<hbm>>
      %dma_wait3A_802 = tpu.memref_squeeze %dma_wait3A_801 : memref<1x1x1024xf32, #tpu.memory_space<hbm>> -> memref<1024xf32, #tpu.memory_space<hbm>>
      %dma_wait3A_803 = tpu.memref_slice %arg5[%select_n3A, %dma_wait3A_797, %add3A_219] : memref<4x32x262144xf32, #tpu.memory_space<hbm>> -> memref<1x1x1024xf32, #tpu.memory_space<hbm>>
      %dma_wait3A_804 = tpu.memref_squeeze %dma_wait3A_803 : memref<1x1x1024xf32, #tpu.memory_space<hbm>> -> memref<1024xf32, #tpu.memory_space<hbm>>
      %dma_wait3A_805 = arith.constant 0 : i32
      %dma_wait3A_806 = tpu.memref_slice %arg9[%dma_wait3A_796, %dma_wait3A_805] : memref<32x1025xf32, #tpu.memory_space<vmem>> -> memref<1x1024xf32, #tpu.memory_space<vmem>>
      %dma_wait3A_807 = tpu.memref_squeeze %dma_wait3A_806 : memref<1x1024xf32, #tpu.memory_space<vmem>> -> memref<1024xf32, #tpu.memory_space<vmem>>
      tpu.wait_dma2 semaphore(%arg11 : memref<!tpu.dma_semaphore, #tpu.memory_space<semaphore_mem>>) src(%dma_wait3A_807 : memref<1024xf32, #tpu.memory_space<vmem>>) dst(%dma_wait3A_804 : memref<1024xf32, #tpu.memory_space<hbm>>)
      %dma_wait3A_808 = arith.constant 17 : i32
      %dma_wait3A_809 = arith.constant 17 : i32
      %dma_wait3A_810 = arith.constant 0 : i32
      %dma_wait3A_811 = tpu.memref_slice %arg9[%dma_wait3A_808, %dma_wait3A_810] : memref<32x1025xf32, #tpu.memory_space<vmem>> -> memref<1x1024xf32, #tpu.memory_space<vmem>>
      %dma_wait3A_812 = tpu.memref_squeeze %dma_wait3A_811 : memref<1x1024xf32, #tpu.memory_space<vmem>> -> memref<1024xf32, #tpu.memory_space<vmem>>
      %dma_wait3A_813 = tpu.memref_slice %arg5[%select_n3A, %dma_wait3A_809, %add3A_219] : memref<4x32x262144xf32, #tpu.memory_space<hbm>> -> memref<1x1x1024xf32, #tpu.memory_space<hbm>>
      %dma_wait3A_814 = tpu.memref_squeeze %dma_wait3A_813 : memref<1x1x1024xf32, #tpu.memory_space<hbm>> -> memref<1024xf32, #tpu.memory_space<hbm>>
      %dma_wait3A_815 = tpu.memref_slice %arg5[%select_n3A, %dma_wait3A_809, %add3A_219] : memref<4x32x262144xf32, #tpu.memory_space<hbm>> -> memref<1x1x1024xf32, #tpu.memory_space<hbm>>
      %dma_wait3A_816 = tpu.memref_squeeze %dma_wait3A_815 : memref<1x1x1024xf32, #tpu.memory_space<hbm>> -> memref<1024xf32, #tpu.memory_space<hbm>>
      %dma_wait3A_817 = arith.constant 0 : i32
      %dma_wait3A_818 = tpu.memref_slice %arg9[%dma_wait3A_808, %dma_wait3A_817] : memref<32x1025xf32, #tpu.memory_space<vmem>> -> memref<1x1024xf32, #tpu.memory_space<vmem>>
      %dma_wait3A_819 = tpu.memref_squeeze %dma_wait3A_818 : memref<1x1024xf32, #tpu.memory_space<vmem>> -> memref<1024xf32, #tpu.memory_space<vmem>>
      tpu.wait_dma2 semaphore(%arg11 : memref<!tpu.dma_semaphore, #tpu.memory_space<semaphore_mem>>) src(%dma_wait3A_819 : memref<1024xf32, #tpu.memory_space<vmem>>) dst(%dma_wait3A_816 : memref<1024xf32, #tpu.memory_space<hbm>>)
      %dma_wait3A_820 = arith.constant 18 : i32
      %dma_wait3A_821 = arith.constant 18 : i32
      %dma_wait3A_822 = arith.constant 0 : i32
      %dma_wait3A_823 = tpu.memref_slice %arg9[%dma_wait3A_820, %dma_wait3A_822] : memref<32x1025xf32, #tpu.memory_space<vmem>> -> memref<1x1024xf32, #tpu.memory_space<vmem>>
      %dma_wait3A_824 = tpu.memref_squeeze %dma_wait3A_823 : memref<1x1024xf32, #tpu.memory_space<vmem>> -> memref<1024xf32, #tpu.memory_space<vmem>>
      %dma_wait3A_825 = tpu.memref_slice %arg5[%select_n3A, %dma_wait3A_821, %add3A_219] : memref<4x32x262144xf32, #tpu.memory_space<hbm>> -> memref<1x1x1024xf32, #tpu.memory_space<hbm>>
      %dma_wait3A_826 = tpu.memref_squeeze %dma_wait3A_825 : memref<1x1x1024xf32, #tpu.memory_space<hbm>> -> memref<1024xf32, #tpu.memory_space<hbm>>
      %dma_wait3A_827 = tpu.memref_slice %arg5[%select_n3A, %dma_wait3A_821, %add3A_219] : memref<4x32x262144xf32, #tpu.memory_space<hbm>> -> memref<1x1x1024xf32, #tpu.memory_space<hbm>>
      %dma_wait3A_828 = tpu.memref_squeeze %dma_wait3A_827 : memref<1x1x1024xf32, #tpu.memory_space<hbm>> -> memref<1024xf32, #tpu.memory_space<hbm>>
      %dma_wait3A_829 = arith.constant 0 : i32
      %dma_wait3A_830 = tpu.memref_slice %arg9[%dma_wait3A_820, %dma_wait3A_829] : memref<32x1025xf32, #tpu.memory_space<vmem>> -> memref<1x1024xf32, #tpu.memory_space<vmem>>
      %dma_wait3A_831 = tpu.memref_squeeze %dma_wait3A_830 : memref<1x1024xf32, #tpu.memory_space<vmem>> -> memref<1024xf32, #tpu.memory_space<vmem>>
      tpu.wait_dma2 semaphore(%arg11 : memref<!tpu.dma_semaphore, #tpu.memory_space<semaphore_mem>>) src(%dma_wait3A_831 : memref<1024xf32, #tpu.memory_space<vmem>>) dst(%dma_wait3A_828 : memref<1024xf32, #tpu.memory_space<hbm>>)
      %dma_wait3A_832 = arith.constant 19 : i32
      %dma_wait3A_833 = arith.constant 19 : i32
      %dma_wait3A_834 = arith.constant 0 : i32
      %dma_wait3A_835 = tpu.memref_slice %arg9[%dma_wait3A_832, %dma_wait3A_834] : memref<32x1025xf32, #tpu.memory_space<vmem>> -> memref<1x1024xf32, #tpu.memory_space<vmem>>
      %dma_wait3A_836 = tpu.memref_squeeze %dma_wait3A_835 : memref<1x1024xf32, #tpu.memory_space<vmem>> -> memref<1024xf32, #tpu.memory_space<vmem>>
      %dma_wait3A_837 = tpu.memref_slice %arg5[%select_n3A, %dma_wait3A_833, %add3A_219] : memref<4x32x262144xf32, #tpu.memory_space<hbm>> -> memref<1x1x1024xf32, #tpu.memory_space<hbm>>
      %dma_wait3A_838 = tpu.memref_squeeze %dma_wait3A_837 : memref<1x1x1024xf32, #tpu.memory_space<hbm>> -> memref<1024xf32, #tpu.memory_space<hbm>>
      %dma_wait3A_839 = tpu.memref_slice %arg5[%select_n3A, %dma_wait3A_833, %add3A_219] : memref<4x32x262144xf32, #tpu.memory_space<hbm>> -> memref<1x1x1024xf32, #tpu.memory_space<hbm>>
      %dma_wait3A_840 = tpu.memref_squeeze %dma_wait3A_839 : memref<1x1x1024xf32, #tpu.memory_space<hbm>> -> memref<1024xf32, #tpu.memory_space<hbm>>
      %dma_wait3A_841 = arith.constant 0 : i32
      %dma_wait3A_842 = tpu.memref_slice %arg9[%dma_wait3A_832, %dma_wait3A_841] : memref<32x1025xf32, #tpu.memory_space<vmem>> -> memref<1x1024xf32, #tpu.memory_space<vmem>>
      %dma_wait3A_843 = tpu.memref_squeeze %dma_wait3A_842 : memref<1x1024xf32, #tpu.memory_space<vmem>> -> memref<1024xf32, #tpu.memory_space<vmem>>
      tpu.wait_dma2 semaphore(%arg11 : memref<!tpu.dma_semaphore, #tpu.memory_space<semaphore_mem>>) src(%dma_wait3A_843 : memref<1024xf32, #tpu.memory_space<vmem>>) dst(%dma_wait3A_840 : memref<1024xf32, #tpu.memory_space<hbm>>)
      %dma_wait3A_844 = arith.constant 20 : i32
      %dma_wait3A_845 = arith.constant 20 : i32
      %dma_wait3A_846 = arith.constant 0 : i32
      %dma_wait3A_847 = tpu.memref_slice %arg9[%dma_wait3A_844, %dma_wait3A_846] : memref<32x1025xf32, #tpu.memory_space<vmem>> -> memref<1x1024xf32, #tpu.memory_space<vmem>>
      %dma_wait3A_848 = tpu.memref_squeeze %dma_wait3A_847 : memref<1x1024xf32, #tpu.memory_space<vmem>> -> memref<1024xf32, #tpu.memory_space<vmem>>
      %dma_wait3A_849 = tpu.memref_slice %arg5[%select_n3A, %dma_wait3A_845, %add3A_219] : memref<4x32x262144xf32, #tpu.memory_space<hbm>> -> memref<1x1x1024xf32, #tpu.memory_space<hbm>>
      %dma_wait3A_850 = tpu.memref_squeeze %dma_wait3A_849 : memref<1x1x1024xf32, #tpu.memory_space<hbm>> -> memref<1024xf32, #tpu.memory_space<hbm>>
      %dma_wait3A_851 = tpu.memref_slice %arg5[%select_n3A, %dma_wait3A_845, %add3A_219] : memref<4x32x262144xf32, #tpu.memory_space<hbm>> -> memref<1x1x1024xf32, #tpu.memory_space<hbm>>
      %dma_wait3A_852 = tpu.memref_squeeze %dma_wait3A_851 : memref<1x1x1024xf32, #tpu.memory_space<hbm>> -> memref<1024xf32, #tpu.memory_space<hbm>>
      %dma_wait3A_853 = arith.constant 0 : i32
      %dma_wait3A_854 = tpu.memref_slice %arg9[%dma_wait3A_844, %dma_wait3A_853] : memref<32x1025xf32, #tpu.memory_space<vmem>> -> memref<1x1024xf32, #tpu.memory_space<vmem>>
      %dma_wait3A_855 = tpu.memref_squeeze %dma_wait3A_854 : memref<1x1024xf32, #tpu.memory_space<vmem>> -> memref<1024xf32, #tpu.memory_space<vmem>>
      tpu.wait_dma2 semaphore(%arg11 : memref<!tpu.dma_semaphore, #tpu.memory_space<semaphore_mem>>) src(%dma_wait3A_855 : memref<1024xf32, #tpu.memory_space<vmem>>) dst(%dma_wait3A_852 : memref<1024xf32, #tpu.memory_space<hbm>>)
      %dma_wait3A_856 = arith.constant 21 : i32
      %dma_wait3A_857 = arith.constant 21 : i32
      %dma_wait3A_858 = arith.constant 0 : i32
      %dma_wait3A_859 = tpu.memref_slice %arg9[%dma_wait3A_856, %dma_wait3A_858] : memref<32x1025xf32, #tpu.memory_space<vmem>> -> memref<1x1024xf32, #tpu.memory_space<vmem>>
      %dma_wait3A_860 = tpu.memref_squeeze %dma_wait3A_859 : memref<1x1024xf32, #tpu.memory_space<vmem>> -> memref<1024xf32, #tpu.memory_space<vmem>>
      %dma_wait3A_861 = tpu.memref_slice %arg5[%select_n3A, %dma_wait3A_857, %add3A_219] : memref<4x32x262144xf32, #tpu.memory_space<hbm>> -> memref<1x1x1024xf32, #tpu.memory_space<hbm>>
      %dma_wait3A_862 = tpu.memref_squeeze %dma_wait3A_861 : memref<1x1x1024xf32, #tpu.memory_space<hbm>> -> memref<1024xf32, #tpu.memory_space<hbm>>
      %dma_wait3A_863 = tpu.memref_slice %arg5[%select_n3A, %dma_wait3A_857, %add3A_219] : memref<4x32x262144xf32, #tpu.memory_space<hbm>> -> memref<1x1x1024xf32, #tpu.memory_space<hbm>>
      %dma_wait3A_864 = tpu.memref_squeeze %dma_wait3A_863 : memref<1x1x1024xf32, #tpu.memory_space<hbm>> -> memref<1024xf32, #tpu.memory_space<hbm>>
      %dma_wait3A_865 = arith.constant 0 : i32
      %dma_wait3A_866 = tpu.memref_slice %arg9[%dma_wait3A_856, %dma_wait3A_865] : memref<32x1025xf32, #tpu.memory_space<vmem>> -> memref<1x1024xf32, #tpu.memory_space<vmem>>
      %dma_wait3A_867 = tpu.memref_squeeze %dma_wait3A_866 : memref<1x1024xf32, #tpu.memory_space<vmem>> -> memref<1024xf32, #tpu.memory_space<vmem>>
      tpu.wait_dma2 semaphore(%arg11 : memref<!tpu.dma_semaphore, #tpu.memory_space<semaphore_mem>>) src(%dma_wait3A_867 : memref<1024xf32, #tpu.memory_space<vmem>>) dst(%dma_wait3A_864 : memref<1024xf32, #tpu.memory_space<hbm>>)
      %dma_wait3A_868 = arith.constant 22 : i32
      %dma_wait3A_869 = arith.constant 22 : i32
      %dma_wait3A_870 = arith.constant 0 : i32
      %dma_wait3A_871 = tpu.memref_slice %arg9[%dma_wait3A_868, %dma_wait3A_870] : memref<32x1025xf32, #tpu.memory_space<vmem>> -> memref<1x1024xf32, #tpu.memory_space<vmem>>
      %dma_wait3A_872 = tpu.memref_squeeze %dma_wait3A_871 : memref<1x1024xf32, #tpu.memory_space<vmem>> -> memref<1024xf32, #tpu.memory_space<vmem>>
      %dma_wait3A_873 = tpu.memref_slice %arg5[%select_n3A, %dma_wait3A_869, %add3A_219] : memref<4x32x262144xf32, #tpu.memory_space<hbm>> -> memref<1x1x1024xf32, #tpu.memory_space<hbm>>
      %dma_wait3A_874 = tpu.memref_squeeze %dma_wait3A_873 : memref<1x1x1024xf32, #tpu.memory_space<hbm>> -> memref<1024xf32, #tpu.memory_space<hbm>>
      %dma_wait3A_875 = tpu.memref_slice %arg5[%select_n3A, %dma_wait3A_869, %add3A_219] : memref<4x32x262144xf32, #tpu.memory_space<hbm>> -> memref<1x1x1024xf32, #tpu.memory_space<hbm>>
      %dma_wait3A_876 = tpu.memref_squeeze %dma_wait3A_875 : memref<1x1x1024xf32, #tpu.memory_space<hbm>> -> memref<1024xf32, #tpu.memory_space<hbm>>
      %dma_wait3A_877 = arith.constant 0 : i32
      %dma_wait3A_878 = tpu.memref_slice %arg9[%dma_wait3A_868, %dma_wait3A_877] : memref<32x1025xf32, #tpu.memory_space<vmem>> -> memref<1x1024xf32, #tpu.memory_space<vmem>>
      %dma_wait3A_879 = tpu.memref_squeeze %dma_wait3A_878 : memref<1x1024xf32, #tpu.memory_space<vmem>> -> memref<1024xf32, #tpu.memory_space<vmem>>
      tpu.wait_dma2 semaphore(%arg11 : memref<!tpu.dma_semaphore, #tpu.memory_space<semaphore_mem>>) src(%dma_wait3A_879 : memref<1024xf32, #tpu.memory_space<vmem>>) dst(%dma_wait3A_876 : memref<1024xf32, #tpu.memory_space<hbm>>)
      %dma_wait3A_880 = arith.constant 23 : i32
      %dma_wait3A_881 = arith.constant 23 : i32
      %dma_wait3A_882 = arith.constant 0 : i32
      %dma_wait3A_883 = tpu.memref_slice %arg9[%dma_wait3A_880, %dma_wait3A_882] : memref<32x1025xf32, #tpu.memory_space<vmem>> -> memref<1x1024xf32, #tpu.memory_space<vmem>>
      %dma_wait3A_884 = tpu.memref_squeeze %dma_wait3A_883 : memref<1x1024xf32, #tpu.memory_space<vmem>> -> memref<1024xf32, #tpu.memory_space<vmem>>
      %dma_wait3A_885 = tpu.memref_slice %arg5[%select_n3A, %dma_wait3A_881, %add3A_219] : memref<4x32x262144xf32, #tpu.memory_space<hbm>> -> memref<1x1x1024xf32, #tpu.memory_space<hbm>>
      %dma_wait3A_886 = tpu.memref_squeeze %dma_wait3A_885 : memref<1x1x1024xf32, #tpu.memory_space<hbm>> -> memref<1024xf32, #tpu.memory_space<hbm>>
      %dma_wait3A_887 = tpu.memref_slice %arg5[%select_n3A, %dma_wait3A_881, %add3A_219] : memref<4x32x262144xf32, #tpu.memory_space<hbm>> -> memref<1x1x1024xf32, #tpu.memory_space<hbm>>
      %dma_wait3A_888 = tpu.memref_squeeze %dma_wait3A_887 : memref<1x1x1024xf32, #tpu.memory_space<hbm>> -> memref<1024xf32, #tpu.memory_space<hbm>>
      %dma_wait3A_889 = arith.constant 0 : i32
      %dma_wait3A_890 = tpu.memref_slice %arg9[%dma_wait3A_880, %dma_wait3A_889] : memref<32x1025xf32, #tpu.memory_space<vmem>> -> memref<1x1024xf32, #tpu.memory_space<vmem>>
      %dma_wait3A_891 = tpu.memref_squeeze %dma_wait3A_890 : memref<1x1024xf32, #tpu.memory_space<vmem>> -> memref<1024xf32, #tpu.memory_space<vmem>>
      tpu.wait_dma2 semaphore(%arg11 : memref<!tpu.dma_semaphore, #tpu.memory_space<semaphore_mem>>) src(%dma_wait3A_891 : memref<1024xf32, #tpu.memory_space<vmem>>) dst(%dma_wait3A_888 : memref<1024xf32, #tpu.memory_space<hbm>>)
      %dma_wait3A_892 = arith.constant 24 : i32
      %dma_wait3A_893 = arith.constant 24 : i32
      %dma_wait3A_894 = arith.constant 0 : i32
      %dma_wait3A_895 = tpu.memref_slice %arg9[%dma_wait3A_892, %dma_wait3A_894] : memref<32x1025xf32, #tpu.memory_space<vmem>> -> memref<1x1024xf32, #tpu.memory_space<vmem>>
      %dma_wait3A_896 = tpu.memref_squeeze %dma_wait3A_895 : memref<1x1024xf32, #tpu.memory_space<vmem>> -> memref<1024xf32, #tpu.memory_space<vmem>>
      %dma_wait3A_897 = tpu.memref_slice %arg5[%select_n3A, %dma_wait3A_893, %add3A_219] : memref<4x32x262144xf32, #tpu.memory_space<hbm>> -> memref<1x1x1024xf32, #tpu.memory_space<hbm>>
      %dma_wait3A_898 = tpu.memref_squeeze %dma_wait3A_897 : memref<1x1x1024xf32, #tpu.memory_space<hbm>> -> memref<1024xf32, #tpu.memory_space<hbm>>
      %dma_wait3A_899 = tpu.memref_slice %arg5[%select_n3A, %dma_wait3A_893, %add3A_219] : memref<4x32x262144xf32, #tpu.memory_space<hbm>> -> memref<1x1x1024xf32, #tpu.memory_space<hbm>>
      %dma_wait3A_900 = tpu.memref_squeeze %dma_wait3A_899 : memref<1x1x1024xf32, #tpu.memory_space<hbm>> -> memref<1024xf32, #tpu.memory_space<hbm>>
      %dma_wait3A_901 = arith.constant 0 : i32
      %dma_wait3A_902 = tpu.memref_slice %arg9[%dma_wait3A_892, %dma_wait3A_901] : memref<32x1025xf32, #tpu.memory_space<vmem>> -> memref<1x1024xf32, #tpu.memory_space<vmem>>
      %dma_wait3A_903 = tpu.memref_squeeze %dma_wait3A_902 : memref<1x1024xf32, #tpu.memory_space<vmem>> -> memref<1024xf32, #tpu.memory_space<vmem>>
      tpu.wait_dma2 semaphore(%arg11 : memref<!tpu.dma_semaphore, #tpu.memory_space<semaphore_mem>>) src(%dma_wait3A_903 : memref<1024xf32, #tpu.memory_space<vmem>>) dst(%dma_wait3A_900 : memref<1024xf32, #tpu.memory_space<hbm>>)
      %dma_wait3A_904 = arith.constant 25 : i32
      %dma_wait3A_905 = arith.constant 25 : i32
      %dma_wait3A_906 = arith.constant 0 : i32
      %dma_wait3A_907 = tpu.memref_slice %arg9[%dma_wait3A_904, %dma_wait3A_906] : memref<32x1025xf32, #tpu.memory_space<vmem>> -> memref<1x1024xf32, #tpu.memory_space<vmem>>
      %dma_wait3A_908 = tpu.memref_squeeze %dma_wait3A_907 : memref<1x1024xf32, #tpu.memory_space<vmem>> -> memref<1024xf32, #tpu.memory_space<vmem>>
      %dma_wait3A_909 = tpu.memref_slice %arg5[%select_n3A, %dma_wait3A_905, %add3A_219] : memref<4x32x262144xf32, #tpu.memory_space<hbm>> -> memref<1x1x1024xf32, #tpu.memory_space<hbm>>
      %dma_wait3A_910 = tpu.memref_squeeze %dma_wait3A_909 : memref<1x1x1024xf32, #tpu.memory_space<hbm>> -> memref<1024xf32, #tpu.memory_space<hbm>>
      %dma_wait3A_911 = tpu.memref_slice %arg5[%select_n3A, %dma_wait3A_905, %add3A_219] : memref<4x32x262144xf32, #tpu.memory_space<hbm>> -> memref<1x1x1024xf32, #tpu.memory_space<hbm>>
      %dma_wait3A_912 = tpu.memref_squeeze %dma_wait3A_911 : memref<1x1x1024xf32, #tpu.memory_space<hbm>> -> memref<1024xf32, #tpu.memory_space<hbm>>
      %dma_wait3A_913 = arith.constant 0 : i32
      %dma_wait3A_914 = tpu.memref_slice %arg9[%dma_wait3A_904, %dma_wait3A_913] : memref<32x1025xf32, #tpu.memory_space<vmem>> -> memref<1x1024xf32, #tpu.memory_space<vmem>>
      %dma_wait3A_915 = tpu.memref_squeeze %dma_wait3A_914 : memref<1x1024xf32, #tpu.memory_space<vmem>> -> memref<1024xf32, #tpu.memory_space<vmem>>
      tpu.wait_dma2 semaphore(%arg11 : memref<!tpu.dma_semaphore, #tpu.memory_space<semaphore_mem>>) src(%dma_wait3A_915 : memref<1024xf32, #tpu.memory_space<vmem>>) dst(%dma_wait3A_912 : memref<1024xf32, #tpu.memory_space<hbm>>)
      %dma_wait3A_916 = arith.constant 26 : i32
      %dma_wait3A_917 = arith.constant 26 : i32
      %dma_wait3A_918 = arith.constant 0 : i32
      %dma_wait3A_919 = tpu.memref_slice %arg9[%dma_wait3A_916, %dma_wait3A_918] : memref<32x1025xf32, #tpu.memory_space<vmem>> -> memref<1x1024xf32, #tpu.memory_space<vmem>>
      %dma_wait3A_920 = tpu.memref_squeeze %dma_wait3A_919 : memref<1x1024xf32, #tpu.memory_space<vmem>> -> memref<1024xf32, #tpu.memory_space<vmem>>
      %dma_wait3A_921 = tpu.memref_slice %arg5[%select_n3A, %dma_wait3A_917, %add3A_219] : memref<4x32x262144xf32, #tpu.memory_space<hbm>> -> memref<1x1x1024xf32, #tpu.memory_space<hbm>>
      %dma_wait3A_922 = tpu.memref_squeeze %dma_wait3A_921 : memref<1x1x1024xf32, #tpu.memory_space<hbm>> -> memref<1024xf32, #tpu.memory_space<hbm>>
      %dma_wait3A_923 = tpu.memref_slice %arg5[%select_n3A, %dma_wait3A_917, %add3A_219] : memref<4x32x262144xf32, #tpu.memory_space<hbm>> -> memref<1x1x1024xf32, #tpu.memory_space<hbm>>
      %dma_wait3A_924 = tpu.memref_squeeze %dma_wait3A_923 : memref<1x1x1024xf32, #tpu.memory_space<hbm>> -> memref<1024xf32, #tpu.memory_space<hbm>>
      %dma_wait3A_925 = arith.constant 0 : i32
      %dma_wait3A_926 = tpu.memref_slice %arg9[%dma_wait3A_916, %dma_wait3A_925] : memref<32x1025xf32, #tpu.memory_space<vmem>> -> memref<1x1024xf32, #tpu.memory_space<vmem>>
      %dma_wait3A_927 = tpu.memref_squeeze %dma_wait3A_926 : memref<1x1024xf32, #tpu.memory_space<vmem>> -> memref<1024xf32, #tpu.memory_space<vmem>>
      tpu.wait_dma2 semaphore(%arg11 : memref<!tpu.dma_semaphore, #tpu.memory_space<semaphore_mem>>) src(%dma_wait3A_927 : memref<1024xf32, #tpu.memory_space<vmem>>) dst(%dma_wait3A_924 : memref<1024xf32, #tpu.memory_space<hbm>>)
      %dma_wait3A_928 = arith.constant 27 : i32
      %dma_wait3A_929 = arith.constant 27 : i32
      %dma_wait3A_930 = arith.constant 0 : i32
      %dma_wait3A_931 = tpu.memref_slice %arg9[%dma_wait3A_928, %dma_wait3A_930] : memref<32x1025xf32, #tpu.memory_space<vmem>> -> memref<1x1024xf32, #tpu.memory_space<vmem>>
      %dma_wait3A_932 = tpu.memref_squeeze %dma_wait3A_931 : memref<1x1024xf32, #tpu.memory_space<vmem>> -> memref<1024xf32, #tpu.memory_space<vmem>>
      %dma_wait3A_933 = tpu.memref_slice %arg5[%select_n3A, %dma_wait3A_929, %add3A_219] : memref<4x32x262144xf32, #tpu.memory_space<hbm>> -> memref<1x1x1024xf32, #tpu.memory_space<hbm>>
      %dma_wait3A_934 = tpu.memref_squeeze %dma_wait3A_933 : memref<1x1x1024xf32, #tpu.memory_space<hbm>> -> memref<1024xf32, #tpu.memory_space<hbm>>
      %dma_wait3A_935 = tpu.memref_slice %arg5[%select_n3A, %dma_wait3A_929, %add3A_219] : memref<4x32x262144xf32, #tpu.memory_space<hbm>> -> memref<1x1x1024xf32, #tpu.memory_space<hbm>>
      %dma_wait3A_936 = tpu.memref_squeeze %dma_wait3A_935 : memref<1x1x1024xf32, #tpu.memory_space<hbm>> -> memref<1024xf32, #tpu.memory_space<hbm>>
      %dma_wait3A_937 = arith.constant 0 : i32
      %dma_wait3A_938 = tpu.memref_slice %arg9[%dma_wait3A_928, %dma_wait3A_937] : memref<32x1025xf32, #tpu.memory_space<vmem>> -> memref<1x1024xf32, #tpu.memory_space<vmem>>
      %dma_wait3A_939 = tpu.memref_squeeze %dma_wait3A_938 : memref<1x1024xf32, #tpu.memory_space<vmem>> -> memref<1024xf32, #tpu.memory_space<vmem>>
      tpu.wait_dma2 semaphore(%arg11 : memref<!tpu.dma_semaphore, #tpu.memory_space<semaphore_mem>>) src(%dma_wait3A_939 : memref<1024xf32, #tpu.memory_space<vmem>>) dst(%dma_wait3A_936 : memref<1024xf32, #tpu.memory_space<hbm>>)
      %dma_wait3A_940 = arith.constant 28 : i32
      %dma_wait3A_941 = arith.constant 28 : i32
      %dma_wait3A_942 = arith.constant 0 : i32
      %dma_wait3A_943 = tpu.memref_slice %arg9[%dma_wait3A_940, %dma_wait3A_942] : memref<32x1025xf32, #tpu.memory_space<vmem>> -> memref<1x1024xf32, #tpu.memory_space<vmem>>
      %dma_wait3A_944 = tpu.memref_squeeze %dma_wait3A_943 : memref<1x1024xf32, #tpu.memory_space<vmem>> -> memref<1024xf32, #tpu.memory_space<vmem>>
      %dma_wait3A_945 = tpu.memref_slice %arg5[%select_n3A, %dma_wait3A_941, %add3A_219] : memref<4x32x262144xf32, #tpu.memory_space<hbm>> -> memref<1x1x1024xf32, #tpu.memory_space<hbm>>
      %dma_wait3A_946 = tpu.memref_squeeze %dma_wait3A_945 : memref<1x1x1024xf32, #tpu.memory_space<hbm>> -> memref<1024xf32, #tpu.memory_space<hbm>>
      %dma_wait3A_947 = tpu.memref_slice %arg5[%select_n3A, %dma_wait3A_941, %add3A_219] : memref<4x32x262144xf32, #tpu.memory_space<hbm>> -> memref<1x1x1024xf32, #tpu.memory_space<hbm>>
      %dma_wait3A_948 = tpu.memref_squeeze %dma_wait3A_947 : memref<1x1x1024xf32, #tpu.memory_space<hbm>> -> memref<1024xf32, #tpu.memory_space<hbm>>
      %dma_wait3A_949 = arith.constant 0 : i32
      %dma_wait3A_950 = tpu.memref_slice %arg9[%dma_wait3A_940, %dma_wait3A_949] : memref<32x1025xf32, #tpu.memory_space<vmem>> -> memref<1x1024xf32, #tpu.memory_space<vmem>>
      %dma_wait3A_951 = tpu.memref_squeeze %dma_wait3A_950 : memref<1x1024xf32, #tpu.memory_space<vmem>> -> memref<1024xf32, #tpu.memory_space<vmem>>
      tpu.wait_dma2 semaphore(%arg11 : memref<!tpu.dma_semaphore, #tpu.memory_space<semaphore_mem>>) src(%dma_wait3A_951 : memref<1024xf32, #tpu.memory_space<vmem>>) dst(%dma_wait3A_948 : memref<1024xf32, #tpu.memory_space<hbm>>)
      %dma_wait3A_952 = arith.constant 29 : i32
      %dma_wait3A_953 = arith.constant 29 : i32
      %dma_wait3A_954 = arith.constant 0 : i32
      %dma_wait3A_955 = tpu.memref_slice %arg9[%dma_wait3A_952, %dma_wait3A_954] : memref<32x1025xf32, #tpu.memory_space<vmem>> -> memref<1x1024xf32, #tpu.memory_space<vmem>>
      %dma_wait3A_956 = tpu.memref_squeeze %dma_wait3A_955 : memref<1x1024xf32, #tpu.memory_space<vmem>> -> memref<1024xf32, #tpu.memory_space<vmem>>
      %dma_wait3A_957 = tpu.memref_slice %arg5[%select_n3A, %dma_wait3A_953, %add3A_219] : memref<4x32x262144xf32, #tpu.memory_space<hbm>> -> memref<1x1x1024xf32, #tpu.memory_space<hbm>>
      %dma_wait3A_958 = tpu.memref_squeeze %dma_wait3A_957 : memref<1x1x1024xf32, #tpu.memory_space<hbm>> -> memref<1024xf32, #tpu.memory_space<hbm>>
      %dma_wait3A_959 = tpu.memref_slice %arg5[%select_n3A, %dma_wait3A_953, %add3A_219] : memref<4x32x262144xf32, #tpu.memory_space<hbm>> -> memref<1x1x1024xf32, #tpu.memory_space<hbm>>
      %dma_wait3A_960 = tpu.memref_squeeze %dma_wait3A_959 : memref<1x1x1024xf32, #tpu.memory_space<hbm>> -> memref<1024xf32, #tpu.memory_space<hbm>>
      %dma_wait3A_961 = arith.constant 0 : i32
      %dma_wait3A_962 = tpu.memref_slice %arg9[%dma_wait3A_952, %dma_wait3A_961] : memref<32x1025xf32, #tpu.memory_space<vmem>> -> memref<1x1024xf32, #tpu.memory_space<vmem>>
      %dma_wait3A_963 = tpu.memref_squeeze %dma_wait3A_962 : memref<1x1024xf32, #tpu.memory_space<vmem>> -> memref<1024xf32, #tpu.memory_space<vmem>>
      tpu.wait_dma2 semaphore(%arg11 : memref<!tpu.dma_semaphore, #tpu.memory_space<semaphore_mem>>) src(%dma_wait3A_963 : memref<1024xf32, #tpu.memory_space<vmem>>) dst(%dma_wait3A_960 : memref<1024xf32, #tpu.memory_space<hbm>>)
      %dma_wait3A_964 = arith.constant 30 : i32
      %dma_wait3A_965 = arith.constant 30 : i32
      %dma_wait3A_966 = arith.constant 0 : i32
      %dma_wait3A_967 = tpu.memref_slice %arg9[%dma_wait3A_964, %dma_wait3A_966] : memref<32x1025xf32, #tpu.memory_space<vmem>> -> memref<1x1024xf32, #tpu.memory_space<vmem>>
      %dma_wait3A_968 = tpu.memref_squeeze %dma_wait3A_967 : memref<1x1024xf32, #tpu.memory_space<vmem>> -> memref<1024xf32, #tpu.memory_space<vmem>>
      %dma_wait3A_969 = tpu.memref_slice %arg5[%select_n3A, %dma_wait3A_965, %add3A_219] : memref<4x32x262144xf32, #tpu.memory_space<hbm>> -> memref<1x1x1024xf32, #tpu.memory_space<hbm>>
      %dma_wait3A_970 = tpu.memref_squeeze %dma_wait3A_969 : memref<1x1x1024xf32, #tpu.memory_space<hbm>> -> memref<1024xf32, #tpu.memory_space<hbm>>
      %dma_wait3A_971 = tpu.memref_slice %arg5[%select_n3A, %dma_wait3A_965, %add3A_219] : memref<4x32x262144xf32, #tpu.memory_space<hbm>> -> memref<1x1x1024xf32, #tpu.memory_space<hbm>>
      %dma_wait3A_972 = tpu.memref_squeeze %dma_wait3A_971 : memref<1x1x1024xf32, #tpu.memory_space<hbm>> -> memref<1024xf32, #tpu.memory_space<hbm>>
      %dma_wait3A_973 = arith.constant 0 : i32
      %dma_wait3A_974 = tpu.memref_slice %arg9[%dma_wait3A_964, %dma_wait3A_973] : memref<32x1025xf32, #tpu.memory_space<vmem>> -> memref<1x1024xf32, #tpu.memory_space<vmem>>
      %dma_wait3A_975 = tpu.memref_squeeze %dma_wait3A_974 : memref<1x1024xf32, #tpu.memory_space<vmem>> -> memref<1024xf32, #tpu.memory_space<vmem>>
      tpu.wait_dma2 semaphore(%arg11 : memref<!tpu.dma_semaphore, #tpu.memory_space<semaphore_mem>>) src(%dma_wait3A_975 : memref<1024xf32, #tpu.memory_space<vmem>>) dst(%dma_wait3A_972 : memref<1024xf32, #tpu.memory_space<hbm>>)
      %dma_wait3A_976 = arith.constant 31 : i32
      %dma_wait3A_977 = arith.constant 31 : i32
      %dma_wait3A_978 = arith.constant 0 : i32
      %dma_wait3A_979 = tpu.memref_slice %arg9[%dma_wait3A_976, %dma_wait3A_978] : memref<32x1025xf32, #tpu.memory_space<vmem>> -> memref<1x1024xf32, #tpu.memory_space<vmem>>
      %dma_wait3A_980 = tpu.memref_squeeze %dma_wait3A_979 : memref<1x1024xf32, #tpu.memory_space<vmem>> -> memref<1024xf32, #tpu.memory_space<vmem>>
      %dma_wait3A_981 = tpu.memref_slice %arg5[%select_n3A, %dma_wait3A_977, %add3A_219] : memref<4x32x262144xf32, #tpu.memory_space<hbm>> -> memref<1x1x1024xf32, #tpu.memory_space<hbm>>
      %dma_wait3A_982 = tpu.memref_squeeze %dma_wait3A_981 : memref<1x1x1024xf32, #tpu.memory_space<hbm>> -> memref<1024xf32, #tpu.memory_space<hbm>>
      %dma_wait3A_983 = tpu.memref_slice %arg5[%select_n3A, %dma_wait3A_977, %add3A_219] : memref<4x32x262144xf32, #tpu.memory_space<hbm>> -> memref<1x1x1024xf32, #tpu.memory_space<hbm>>
      %dma_wait3A_984 = tpu.memref_squeeze %dma_wait3A_983 : memref<1x1x1024xf32, #tpu.memory_space<hbm>> -> memref<1024xf32, #tpu.memory_space<hbm>>
      %dma_wait3A_985 = arith.constant 0 : i32
      %dma_wait3A_986 = tpu.memref_slice %arg9[%dma_wait3A_976, %dma_wait3A_985] : memref<32x1025xf32, #tpu.memory_space<vmem>> -> memref<1x1024xf32, #tpu.memory_space<vmem>>
      %dma_wait3A_987 = tpu.memref_squeeze %dma_wait3A_986 : memref<1x1024xf32, #tpu.memory_space<vmem>> -> memref<1024xf32, #tpu.memory_space<vmem>>
      tpu.wait_dma2 semaphore(%arg11 : memref<!tpu.dma_semaphore, #tpu.memory_space<semaphore_mem>>) src(%dma_wait3A_987 : memref<1024xf32, #tpu.memory_space<vmem>>) dst(%dma_wait3A_984 : memref<1024xf32, #tpu.memory_space<hbm>>)
    }
    %scan3A_25 = arith.constant 32 : i32
    return
  }
}

</mosaic_0001>

<sc_bundles>
// kernel: _run.3.cloned.1.call-start
scs
__scs_entry_jumppad:
0x0: {  	(pc) =	sbr.rel $0x88, $3  }
0x1: {  	(tag) =	ssettag $0x0;
	lr =	simm.s32 $0x1  }
0x2: {  	[smem:$0x3F9E] =	sst lr;
	_ =	strace $0xD0000000  }
0x3: {  	_ = 	snop  }
0x4: {  	_ = 	snop  }
0x5: {  	_ = 	snop  }
0x6: {  	_ = 	snop  }
0x7: {  	_ = 	snop  }
__scs_overlays_trampoline_lowered:
0x8: {  	[smem:$0x3FAD] =	sst s0  }
0x9: {  	[smem:$0x3FAE] =	sst s1  }
0xa: {  	[smem:$0x3FAF] =	sst s2  }
0xb: {  	[smem:$0x3FB0] =	sst s3  }
0xc: {  	[smem:$0x3FB1] =	sst s4  }
0xd: {  	[smem:$0x3FB2] =	sst s5  }
0xe: {  	[smem:$0x3FB3] =	sst s6  }
0xf: {  	[smem:$0x3FB4] =	sst s7  }
0x10: {  	[smem:$0x3FB5] =	sst s8  }
0x11: {  	[smem:$0x3FB6] =	sst s9;
	s0 =	simm.s32 @!p0 $0x0  }
0x12: {  	s1 =	sld [smem:$0x3F9C];
	s0 =	simm.s32 @p0 $0x1  }
0x13: {  	[smem:$0x3FB7] =	sst s0;
	s0 =	simm.s32 @!p1 $0x0  }
0x14: {  	s2 =	sld [smem:$0x3F9B];
	s0 =	simm.s32 @p1 $0x1  }
0x15: {  	[smem:$0x3FB8] =	sst s0;
	s0 =	simm.s32 @!p2 $0x0  }
0x16: {  	s3 =	sld [smem:$0x3FDB];
	s0 =	simm.s32 @p2 $0x1  }
0x17: {  	s4 =	simm.s32 $0x1BF5;
	[smem:$0x3FBA] =	sst s0  }
0x18: {  	s0 =	sld [smem:$0x3F9D];
	_ =	swait.ge [sflag:s4], $0x0  }
0x19: {  	s7 =	sld [smem:$0x3F9E]  }
0x1a: {  	s8 =	sadd.s32 $0xFFFFE003, lr  }
0x1b: {  	s9 =	sadd.s32 $0xFFFFFEF7, lr;
	s5 =	simm.s32 $0xFFFFFFFF;
	p2 =	slt.u32 s8, $0xFFFFF086  }
0x1c: {  	p1 =	slt.u32 s9, $0xF7A;
	s5 =	simm.s32 @!p2 $0x0  }
0x1d: {  	s5 =	simm.s32 @p1 $0x1;
	p0 =	seq.s32 s7, s2  }
0x1e: {  	s7 =	smul.u32 @!p0 $0xF7A, s2;
	p2 =	seq.s32 @!p0 s5, $0x0  }
0x1f: {  	s9 =	smul.u32 $0xF7A, s1;
	s8 =	simm.s32 @!p0 $0x1BF5;
	p2 =	por !p2, p0  }
0x20: {  	[sflag:s8] =	ssyncset.s32 @!p0 $0xFFFFF086;
	s6 =	sadd.s32 @!p0 s3, s7;
	s7 =	simm.s32 @!p0 $0x108  }
0x21: {  	s3 =	sadd.s32 s3, s9;
	s6 =	sadd.s32 @!p0 $0x88, s6;
	s7 =	simm.s32 @p2 $0x1082  }
0x22: {  	[simem:s7], [sflag:s8] =	dma.local @!p0 [hbm:s6], $0xF7A  }
0x23: {  	s9 =	sor.u32 $0xD0000000, s2;
	s6 =	simm.s32 $0x108;
	_ =	swait.ge @!p0 [sflag:s8], $0x0  }
0x24: {  	s3 =	sadd.s32 $0x88, s3;
	s6 =	simm.s32 @!p1 $0x1082;
	[sflag:s4] =	ssyncset.s32 $0xFFFFF086  }
0x25: {  	[simem:s6], [sflag:s4] =	dma.local [hbm:s3], $0xF7A  }
0x26: {  	[smem:$0x3F9E] =	sst s1;
	(tag) =	ssettag s2;
	_ =	strace s9  }
0x27: {  	s1 =	sld [smem:$0x3FAE]  }
0x28: {  	s2 =	sld [smem:$0x3FAF]  }
0x29: {  	s4 =	sld [smem:$0x3FB1]  }
0x2a: {  	p0 =	seq.s32 s5, $0x0;
	s5 =	sld [smem:$0x3FB2]  }
0x2b: {  	s6 =	sld [smem:$0x3FB3]  }
0x2c: {  	s7 =	sld [smem:$0x3FB4]  }
0x2d: {  	s3 =	simm.s32 $0x108;
	s8 =	sld [smem:$0x3FB5]  }
0x2e: {  	s3 =	simm.s32 @!p0 $0x1082;
	s9 =	sld [smem:$0x3FB6]  }
0x2f: {  	lr =	sadd.s32 s0, s3;
	s0 =	sld [smem:$0x3FAD]  }
0x30: {  	s3 =	sld [smem:$0x3FB0]  }
0x31: {  	[smem:$0x3FB9] =	sst s10  }
0x32: {  	s10 =	sld [smem:$0x3FB7];
	_ =	sdelay $0x3  }
0x33: {  	p0 =	seq.s32 s10, $0x1;
	s10 =	sld [smem:$0x3FB9];
	_ =	sdelay $0x3  }
0x34: {  	[smem:$0x3FB9] =	sst s10  }
0x35: {  	s10 =	sld [smem:$0x3FB8];
	_ =	sdelay $0x3  }
0x36: {  	p1 =	seq.s32 s10, $0x1;
	s10 =	sld [smem:$0x3FB9];
	_ =	sdelay $0x3  }
0x37: {  	[smem:$0x3FB9] =	sst s10  }
0x38: {  	s10 =	sld [smem:$0x3FBA]  }
0x39: {  	_ = 	snop;
	(pc) =	sbr.ind lr, $3  }
0x3a: {  	_ = 	snop  }
0x3b: {  	_ = 	snop  }
0x3c: {  	p2 =	seq.s32 s10, $0x1;
	s10 =	sld [smem:$0x3FB9]  }
0x3d: {  	_ =	shalt  }
0x3e: {  	_ =	shalt  }
0x3f: {  	_ =	shalt  }
0x40: {  	_ =	shalt  }
0x41: {  	_ =	shalt  }
0x42: {  	_ =	shalt  }
0x43: {  	_ =	shalt  }
0x44: {  	_ =	shalt  }
0x45: {  	_ =	shalt  }
0x46: {  	_ =	shalt  }
0x47: {  	_ =	shalt  }
0x48: {  	_ =	shalt  }
0x49: {  	_ =	shalt  }
0x4a: {  	_ =	shalt  }
0x4b: {  	_ =	shalt  }
0x4c: {  	_ =	shalt  }
0x4d: {  	_ =	shalt  }
0x4e: {  	_ =	shalt  }
0x4f: {  	_ =	shalt  }
0x50: {  	_ =	shalt  }
0x51: {  	_ =	shalt  }
0x52: {  	_ =	shalt  }
0x53: {  	_ =	shalt  }
0x54: {  	_ =	shalt  }
0x55: {  	_ =	shalt  }
0x56: {  	_ =	shalt  }
0x57: {  	_ =	shalt  }
0x58: {  	_ =	shalt  }
0x59: {  	_ =	shalt  }
0x5a: {  	_ =	shalt  }
0x5b: {  	_ =	shalt  }
0x5c: {  	_ =	shalt  }
0x5d: {  	_ =	shalt  }
0x5e: {  	_ =	shalt  }
0x5f: {  	_ =	shalt  }
0x60: {  	_ =	shalt  }
0x61: {  	_ =	shalt  }
0x62: {  	_ =	shalt  }
0x63: {  	_ =	shalt  }
0x64: {  	_ =	shalt  }
0x65: {  	_ =	shalt  }
0x66: {  	_ =	shalt  }
0x67: {  	_ =	shalt  }
0x68: {  	_ =	shalt  }
0x69: {  	_ =	shalt  }
0x6a: {  	_ =	shalt  }
0x6b: {  	_ =	shalt  }
0x6c: {  	_ =	shalt  }
0x6d: {  	_ =	shalt  }
0x6e: {  	_ =	shalt  }
0x6f: {  	_ =	shalt  }
0x70: {  	_ =	shalt  }
0x71: {  	_ =	shalt  }
0x72: {  	_ =	shalt  }
0x73: {  	_ =	shalt  }
0x74: {  	_ =	shalt  }
0x75: {  	_ =	shalt  }
0x76: {  	_ =	shalt  }
0x77: {  	_ =	shalt  }
0x78: {  	_ =	shalt  }
0x79: {  	_ =	shalt  }
0x7a: {  	_ =	shalt  }
0x7b: {  	_ =	shalt  }
0x7c: {  	_ =	shalt  }
0x7d: {  	_ =	shalt  }
0x7e: {  	_ =	shalt  }
0x7f: {  	_ =	shalt  }
0x80: {  	_ =	shalt  }
0x81: {  	_ =	shalt  }
0x82: {  	_ =	shalt  }
0x83: {  	_ =	shalt  }
0x84: {  	_ =	shalt  }
0x85: {  	_ =	shalt  }
0x86: {  	_ =	shalt  }
0x87: {  	_ =	shalt  }
.Lfunc_end0:
.L_simem_size_0:
called_computation_lowered:
.L_overlay_start_0:
0x88: {  	s2 =	sld [smem:$0x3FD9]  }
0x89: {  	s3 =	sld [smem:$0x3FFE];
	_ =	sdelay $0x1  }
0x8a: {  	s1 =	srdreg.scid  }
0x8b: {  	s0 =	sand.u32 $0x1, s1  }
0x8c: {  	s17 =	sshll.u32 s0, $0xA;
	s2 =	sadd.s32 s3, s2  }
0x8d: {  	s2 =	sadd.s32 s2, s17  }
0x8e: {  	[smem:$0x3FC5] =	sst s2  }
0x8f: {  	_ = 	snop  }
0x90: {  	s2 =	sld [smem:$0x3FC8]  }
0x91: {  	s18 =	sld [smem:$0x3FC7]  }
0x92: {  	s4 =	sld [smem:$0x3FD0];
	(tm) =	ssettm $0x1  }
0x93: {  	s5 =	sld [smem:$0x3FFB];
	_ =	sdelay $0x3  }
0x94: {  	_ =	strace s5  }
0x95: {  	s5 =	sld [smem:$0x3FFC];
	_ =	sdelay $0x3  }
0x96: {  	_ =	strace s5  }
0x97: {  	s5 =	sld [smem:$0x3FFD];
	_ =	sdelay $0x3  }
0x98: {  	_ =	strace s5  }
0x99: {  	_ =	strace $0x8FFFFFFF  }
0x9a: {  	s19 =	sld [smem:$0x3FDB];
	_ =	sdelay $0x1  }
0x9b: {  	s6 =	simm.s32 $_scs_section_size  }
0x9c: {  	s7 =	simm.s32 $_size__tile_overlayer_lowered;
	s8 =	simm.s32 $_tile_overlayer_lowered  }
0x9d: {  	s22 =	simm.s32 $0x1BFF;
	s21 =	sshll.u32 s8, $0x1;
	s5 =	sadd.s32 s6, s19  }
0x9e: {  	s9 =	simm.s32 $0x0;
	s20 =	sshll.u32 s7, $0x1;
	s7 =	sadd.s32 s21, s5  }
0x9f: {  	[timem:s9], [sflag:s22] =	dma.local [hbm:s7], s20  }
0xa0: {  	_ =	swait.ge [sflag:s22], s20  }
0xa1: {  	s6 =	ssub.s32 $0x0, s20;
	[sflag:s22] =	ssyncset.done $0x0  }
0xa2: {  	[sflag:s22] =	ssyncadd.s32 s6;
	_ =	sdelay $0x1  }
0xa3: {  	s23 =	simm.s32 $0x1B8B  }
0xa4: {  	_ =	swait.ge [sflag:s23], $0x1  }
0xa5: {  	[sflag:s23] =	ssyncset.done $0x0  }
0xa6: {  	s25 =	simm.s32 $0x1B8E;
	s24 =	sld [smem:$0x3FFE];
	[sflag:s23] =	ssyncadd.s32 $0xFFFFFFFF  }
0xa7: {  	s26 =	simm.s32 $execute0_lowered;
	[smem:$0x3FD2] =	sst s25  }
0xa8: {  	s7 =	sshll.u32 s26, $0x1;
	_ =	strace $0x80000046;
	[dreg:$0x1] =	wrdreg $0xFFFFFFFF  }
0xa9: {  	s28 =	simm.s32 $_size_execute0_lowered;
	s5 =	sadd.s32 s5, s7;
	[dreg:$0x0] =	wrdreg $0x0  }
0xaa: {  	s7 =	sshll.u32 s28, $0x1;
	[dreg:$0x2] =	wrdreg s5  }
0xab: {  	[dreg:$0x3] =	wrdreg s7  }
0xac: {  	[dreg:$0x4] =	wrdreg $0xC0  }
0xad: {  	_ =	task [dreg:s9], $0x5FFFF  }
0xae: {  	[dreg:$0x1] =	wrdreg $0xFFFFFFFF  }
0xaf: {  	[dreg:$0x0] =	wrdreg $0x60  }
0xb0: {  	[dreg:$0x2] =	wrdreg s4  }
0xb1: {  	[dreg:$0x3] =	wrdreg s2  }
0xb2: {  	[dreg:$0x4] =	wrdreg s18  }
0xb3: {  	[dreg:$0x5] =	wrdreg s24  }
0xb4: {  	[dreg:$0x6] =	wrdreg $0x9  }
0xb5: {  	_ =	task.clear_ibuf [dreg:s9], $0x7FFFF;
	_ =	strace $0x90000046  }
0xb6: {  	s29 =	simm.s32 $0x9;
	_ =	strace $0x80000048  }
0xb7: {  	_ =	swait.ge [sflag:s29], $0x1  }
0xb8: {  	[sflag:s29] =	ssyncadd.s32 $0xFFFFFFFF  }
0xb9: {  	_ =	strace $0x90000048  }
0xba: {  	_ =	sfence  }
0xbb: {  	s30 =	sld [smem:$0x0];
	_ =	sdelay $0x2  }
0xbc: {  	s31 =	sshll.u32 s1, $0xD;
	s1 =	sshrl.u32 s1, $0x2  }
0xbd: {  	s3 =	sand.u32 $0x4000, s31;
	s1 =	sadd.s32 s1, s30  }
0xbe: {  	s0 =	sor.u32 s3, s0;
	s1 =	sshll.u32 s1, $0x11  }
0xbf: {  	s0 =	sor.u32 s1, s0  }
0xc0: {  	s0 =	sadd.s32 $0x8F2B, s0  }
0xc1: {  	[sflag:s0] =	ssyncadd.remote.s32 $0x1  }
0xc2: {  	_ =	sfence.sel $0xFFFF  }
0xc3: {  	[dreg:$0x0] =	wrdreg $0xFFFFFFFF;
	(pc) =	sbr.abs _section_cstart, $3  }
0xc4: {  	[dreg:$0x1] =	wrdreg $0xFFFFFFFF  }
0xc5: {  	_ =	task.clear_ibuf [dreg:s9], $0x2FFFF;
	_ =	strace $0x9FFFFFFF  }
0xc6: {  	(tm) =	ssettm $0x7FFFFFFF  }
0xc7: {  	_ =	shalt  }
tec
execute0_lowered:
.L_overlay_start_1:
0x0: {  	(tag) =	ssettag $0x1  }
0x1: {  	s1 =	rddreg [dreg:$0x0]  }
0x2: {  	s10 =	rddreg [dreg:$0x3];
	s5 =	simm.s32 $0x0  }
0x3: {  	[smem:$0x7FF] =	sst s5;
	s11 =	sadd.s32 $0x400, s10  }
0x4: {  	s12 =	sadd.s32 $0x8400, s10;
	_ =	strace $0x80000047;
	[dreg:$0x6] =	wrdreg s11  }
0x5: {  	s13 =	sadd.s32 $0x10400, s10;
	[dreg:$0x8] =	wrdreg s12  }
0x6: {  	s14 =	sadd.s32 $0x18400, s10;
	[dreg:$0x9] =	wrdreg s13  }
0x7: {  	s0 =	srdreg.scid;
	s15 =	sadd.s32 $0x20400, s10;
	[dreg:$0xa] =	wrdreg s14  }
0x8: {  	s6 =	stileid.u32;
	s16 =	sadd.s32 $0x28400, s10;
	[dreg:$0xb] =	wrdreg s15  }
0x9: {  	s0 =	sand.u32 $0x1, s0;
	s17 =	sadd.s32 $0x30400, s10;
	[dreg:$0xc] =	wrdreg s16  }
0xa: {  	s3 =	sshll.u32 s6, $0x10;
	s18 =	sadd.s32 $0x38400, s10;
	[dreg:$0xd] =	wrdreg s17  }
0xb: {  	s9 =	sshll.u32 s6, $0x15;
	s19 =	sadd.s32 $0x40400, s10;
	[dreg:$0xe] =	wrdreg s18  }
0xc: {  	s20 =	sadd.s32 $0x48400, s10;
	s21 =	sadd.s32 $0x50400, s10;
	[dreg:$0xf] =	wrdreg s19  }
0xd: {  	s22 =	sadd.s32 $0x58400, s10;
	s23 =	sadd.s32 $0x60400, s10;
	[dreg:$0x10] =	wrdreg s20  }
0xe: {  	s24 =	sadd.s32 $0x68400, s10;
	s25 =	sadd.s32 $0x70400, s10;
	[dreg:$0x11] =	wrdreg s21  }
0xf: {  	s26 =	sadd.s32 $0x78400, s10;
	s28 =	sadd.s32 $0x98400, s10;
	[dreg:$0x12] =	wrdreg s22  }
0x10: {  	s29 =	sadd.s32 $0xA0400, s10;
	s30 =	sadd.s32 $0xA8400, s10;
	[dreg:$0x13] =	wrdreg s23  }
0x11: {  	s31 =	sadd.s32 $0xB0400, s10;
	s6 =	sadd.s32 $0xD8400, s10;
	[dreg:$0x14] =	wrdreg s24  }
0x12: {  	s7 =	sadd.s32 $0xE0400, s10;
	s8 =	sadd.s32 $0xE8400, s10;
	[dreg:$0x15] =	wrdreg s25  }
0x13: {  	s2 =	ssub.s32 $0x2, s0;
	s0 =	sshll.u32 s0, $0xF;
	[dreg:$0x16] =	wrdreg s26  }
0x14: {  	v0 =	vlaneseq.u32;
	s24 =	sadd.s32 $0x80400, s10;
	s25 =	sadd.s32 $0x88400, s10;
	s26 =	sadd.s32 $0x90400, s10  }
0x15: {  	v1 =	vimm.s32 $0x0;
	vm0 =	vcmask $0x300;
	v0 =	vmul.u32 $0x408, v0;
	s12 =	simm.s32 $0x80;
	s13 =	simm.s32 $0x1;
	s14 =	simm.s32 $0x8800  }
0x16: {  	v1 =	vsel vm0, $0x3, v1;
	s15 =	simm.s32 $0x2;
	s4 =	sshrl.u32 s2, $0x1;
	s3 =	sor.u32 s0, s3  }
0x17: {  	s17 =	simm.s32 $0x0;
	v2 =	vadd.s32 $0x4080, v0;
	v3 =	vor.u32 $0x1, v0;
	v4 =	vadd.s32 $0x4081, v0;
	s11 =	ssub.s32 s2, s4;
	[dreg:$0x5] =	wrdreg s3  }
0x18: {  	v5 =	vor.u32 $0x2, v0;
	v6 =	vadd.s32 $0x4082, v0;
	v7 =	vor.u32 $0x3, v0;
	s0 =	sor.u32 s9, s3;
	s4 =	sadd.s32 $0xC0400, s10;
	s2 =	sadd.s32 $0xC8400, s10  }
0x19: {  	v8 =	vadd.s32 $0x4083, v0;
	v9 =	vor.u32 $0x4, v0;
	v10 =	vadd.s32 $0x4084, v0;
	s3 =	sadd.s32 $0xD0400, s10;
	s9 =	sadd.s32 $0xF0400, s10;
	s0 =	sand.u32 $0x1838000, s0  }
0x1a: {  	v11 =	vor.u32 $0x5, v0;
	v12 =	vadd.s32 $0x4085, v0;
	v13 =	vor.u32 $0x6, v0;
	s11 =	smax.u32 s11, $0x1;
	[dreg:$0x7] =	wrdreg s0;
	s0 =	sadd.s32 $0xB8400, s10  }
0x1b: {  	v14 =	vadd.s32 $0x4086, v0;
	v15 =	vor.u32 $0x7, v0;
	v16 =	vadd.s32 $0x4087, v0;
	s10 =	sadd.s32 $0xF8400, s10;
	[dreg:$0x17] =	wrdreg s11;
	s11 =	simm.s32 $0x3  }
.LBB2_1:
0x1c: {  	[dreg:$0x18] =	wrdreg s17;
	s16 =	simm.s32 $0x0  }
.LBB2_2:
0x1d: {  	s17 =	sshll.u32 s16, $0xA;
	s18 =	rddreg [dreg:$0x5]  }
0x1e: {  	s18 =	sor.u32 s18, s17  }
0x1f: {  	s19 =	rddreg [dreg:$0x1];
	s18 =	sshrl.u32 s18, $0x3  }
0x20: {  	s19 =	sadd.s32 s19, s18  }
0x21: {  	[tilespmem:s5], [sflag:$0x3] =	stream.linear.gather [hbm4b:s19+s5], $0x400, $0x38;
	[tilespmem:$0x10900] =	vst v63  }
0x22: {  	_ =	swait.ge [sflag:s11], $0x400  }
0x23: {  	[sflag:s11] =	ssyncset.done $0x0  }
0x24: {  	[sflag:s11] =	ssyncadd.s32 $0xFFFFFC00  }
0x25: {  	s22 =	rddreg [dreg:$0x2]  }
0x26: {  	s19 =	sadd.s32 s22, s18;
	s18 =	simm.s32 $0x400  }
0x27: {  	[tilespmem:s18], [sflag:$0x3] =	stream.linear.gather [hbm4b:s19+s5], $0x400, $0x38;
	[tilespmem:$0x10900] =	vst v63  }
0x28: {  	_ =	swait.ge [sflag:s11], $0x400  }
0x29: {  	[sflag:s11] =	ssyncset.done $0x0  }
0x2a: {  	s23 =	simm.s32 $0x800;
	[sflag:s11] =	ssyncadd.s32 $0xFFFFFC00  }
0x2b: {  	[tilespmem:s23], [sflag:$0x1] =	stream.indirect.gather [hbm4b:s1+s12], $0x20, s5, s12, $0xb8;
	[tilespmem:$0x10900] =	vst v63  }
0x2c: {  	s20 =	simm.s32 $0x1800  }
0x2d: {  	[tilespmem:s20], [sflag:$0x1] =	stream.indirect.gather [hbm4b:s1+s12], $0x20, s12, s12, $0xb8;
	[tilespmem:$0x10900] =	vst v63  }
0x2e: {  	s21 =	simm.s32 $0x100;
	s20 =	simm.s32 $0x2800  }
0x2f: {  	[tilespmem:s20], [sflag:$0x1] =	stream.indirect.gather [hbm4b:s1+s12], $0x20, s21, s12, $0xb8;
	[tilespmem:$0x10900] =	vst v63  }
0x30: {  	s22 =	simm.s32 $0x180;
	s23 =	simm.s32 $0x3800  }
0x31: {  	[tilespmem:s23], [sflag:$0x1] =	stream.indirect.gather [hbm4b:s1+s12], $0x20, s22, s12, $0xb8;
	[tilespmem:$0x10900] =	vst v63  }
0x32: {  	s20 =	simm.s32 $0x200;
	s21 =	simm.s32 $0x4800  }
0x33: {  	[tilespmem:s21], [sflag:$0x1] =	stream.indirect.gather [hbm4b:s1+s12], $0x20, s20, s12, $0xb8;
	[tilespmem:$0x10900] =	vst v63  }
0x34: {  	s22 =	simm.s32 $0x280;
	s23 =	simm.s32 $0x5800  }
0x35: {  	[tilespmem:s23], [sflag:$0x1] =	stream.indirect.gather [hbm4b:s1+s12], $0x20, s22, s12, $0xb8;
	[tilespmem:$0x10900] =	vst v63  }
0x36: {  	s20 =	simm.s32 $0x300;
	s21 =	simm.s32 $0x6800  }
0x37: {  	[tilespmem:s21], [sflag:$0x1] =	stream.indirect.gather [hbm4b:s1+s12], $0x20, s20, s12, $0xb8;
	[tilespmem:$0x10900] =	vst v63  }
0x38: {  	s22 =	simm.s32 $0x380;
	s23 =	simm.s32 $0x7800  }
0x39: {  	[tilespmem:s23], [sflag:$0x1] =	stream.indirect.gather [hbm4b:s1+s12], $0x20, s22, s12, $0xb8;
	[tilespmem:$0x10900] =	vst v63  }
0x3a: {  	_ =	swait.ge [sflag:s13], $0x1000  }
0x3b: {  	[sflag:s13] =	ssyncset.done $0x0  }
0x3c: {  	[sflag:s13] =	ssyncadd.s32 $0xFFFFF000  }
0x3d: {  	_ =	swait.ge [sflag:s13], $0x1000  }
0x3e: {  	[sflag:s13] =	ssyncset.done $0x0  }
0x3f: {  	[sflag:s13] =	ssyncadd.s32 $0xFFFFF000  }
0x40: {  	_ =	swait.ge [sflag:s13], $0x1000  }
0x41: {  	[sflag:s13] =	ssyncset.done $0x0  }
0x42: {  	[sflag:s13] =	ssyncadd.s32 $0xFFFFF000  }
0x43: {  	_ =	swait.ge [sflag:s13], $0x1000  }
0x44: {  	[sflag:s13] =	ssyncset.done $0x0  }
0x45: {  	[sflag:s13] =	ssyncadd.s32 $0xFFFFF000  }
0x46: {  	_ =	swait.ge [sflag:s13], $0x1000  }
0x47: {  	[sflag:s13] =	ssyncset.done $0x0  }
0x48: {  	[sflag:s13] =	ssyncadd.s32 $0xFFFFF000  }
0x49: {  	_ =	swait.ge [sflag:s13], $0x1000  }
0x4a: {  	[sflag:s13] =	ssyncset.done $0x0  }
0x4b: {  	[sflag:s13] =	ssyncadd.s32 $0xFFFFF000  }
0x4c: {  	_ =	swait.ge [sflag:s13], $0x1000  }
0x4d: {  	[sflag:s13] =	ssyncset.done $0x0  }
0x4e: {  	[sflag:s13] =	ssyncadd.s32 $0xFFFFF000  }
0x4f: {  	_ =	swait.ge [sflag:s13], $0x1000  }
0x50: {  	s20 =	simm.s32 $0x0;
	[sflag:s13] =	ssyncset.done $0x0  }
0x51: {  	v18 =	vmov s20;
	[sflag:s13] =	ssyncadd.s32 $0xFFFFF000  }
0x52: {  	v18 =	vshrl.u32 v18, $0x3;
	v17 =	vld [tilespmem:s18+$0x0]  }
0x53: {  	s19 =	simm.s32 $0x900;
	v18 =	vshll.u32 v18, v1  }
0x54: {  	v18 =	vbroadcast v18, $0x0;
	v19 =	vld [tilespmem:s19+$0xFFFFFF00]  }
0x55: {  	v20 =	vld [tilespmem:s19+$0xFFFFFF10]  }
0x56: {  	v21 =	vadd.s32 v0, v18  }
0x57: {  	v18 =	vadd.s32 v2, v18;
	v22 =	vbroadcast v17, $0x0;
	_ =	sdelay $0x1  }
0x58: {  	s21 =	simm.s32 $0x1;
	v19 =	vmul.f32 v22, v19  }
0x59: {  	v59 =	vmov s21;
	v20 =	vmul.f32 v20, v22  }
0x5a: {  	[tilespmem:v21+s14+$0x0] =	vst.idx.msk $0xffff, v19;
	v19 =	vshrl.u32 v59, $0x3  }
0x5b: {  	[tilespmem:v18+s14+$0x0] =	vst.idx.msk $0xffff, v20;
	v18 =	vshll.u32 v19, v1  }
0x5c: {  	v19 =	vld [tilespmem:s19+$0xFFFFFF20];
	v18 =	vbroadcast v18, $0x0  }
0x5d: {  	v20 =	vld [tilespmem:s19+$0xFFFFFF30]  }
0x5e: {  	v60 =	vadd.s32 v3, v18  }
0x5f: {  	v61 =	vbroadcast v17, $0x1;
	v18 =	vadd.s32 v4, v18;
	_ =	sdelay $0x1  }
0x60: {  	s22 =	simm.s32 $0x2;
	v19 =	vmul.f32 v19, v61  }
0x61: {  	v62 =	vmov s22;
	v20 =	vmul.f32 v20, v61  }
0x62: {  	[tilespmem:v60+s14+$0x0] =	vst.idx.msk $0xffff, v19;
	v19 =	vshrl.u32 v62, $0x3  }
0x63: {  	[tilespmem:v18+s14+$0x0] =	vst.idx.msk $0xffff, v20;
	v18 =	vshll.u32 v19, v1  }
0x64: {  	v19 =	vld [tilespmem:s19+$0xFFFFFF40];
	v18 =	vbroadcast v18, $0x0  }
0x65: {  	v20 =	vld [tilespmem:s19+$0xFFFFFF50]  }
0x66: {  	v63 =	vadd.s32 v5, v18  }
0x67: {  	v24 =	vbroadcast v17, $0x2;
	v18 =	vadd.s32 v6, v18;
	_ =	sdelay $0x1  }
0x68: {  	s23 =	simm.s32 $0x3;
	v19 =	vmul.f32 v19, v24  }
0x69: {  	v25 =	vmov s23;
	v20 =	vmul.f32 v20, v24  }
0x6a: {  	[tilespmem:v63+s14+$0x0] =	vst.idx.msk $0xffff, v19;
	v19 =	vshrl.u32 v25, $0x3  }
0x6b: {  	[tilespmem:v18+s14+$0x0] =	vst.idx.msk $0xffff, v20;
	v18 =	vshll.u32 v19, v1  }
0x6c: {  	v19 =	vld [tilespmem:s19+$0xFFFFFF60];
	v18 =	vbroadcast v18, $0x0  }
0x6d: {  	v20 =	vld [tilespmem:s19+$0xFFFFFF70]  }
0x6e: {  	v26 =	vadd.s32 v7, v18  }
0x6f: {  	v27 =	vbroadcast v17, $0x3;
	v18 =	vadd.s32 v8, v18;
	_ =	sdelay $0x1  }
0x70: {  	s21 =	simm.s32 $0x4;
	v19 =	vmul.f32 v19, v27  }
0x71: {  	v28 =	vmov s21;
	v20 =	vmul.f32 v20, v27  }
0x72: {  	[tilespmem:v26+s14+$0x0] =	vst.idx.msk $0xffff, v19;
	v19 =	vshrl.u32 v28, $0x3  }
0x73: {  	[tilespmem:v18+s14+$0x0] =	vst.idx.msk $0xffff, v20;
	v18 =	vshll.u32 v19, v1  }
0x74: {  	v19 =	vld [tilespmem:s19+$0xFFFFFF80];
	v18 =	vbroadcast v18, $0x0  }
0x75: {  	v20 =	vld [tilespmem:s19+$0xFFFFFF90]  }
0x76: {  	v29 =	vadd.s32 v9, v18  }
0x77: {  	v30 =	vbroadcast v17, $0x4;
	v18 =	vadd.s32 v10, v18;
	_ =	sdelay $0x1  }
0x78: {  	s22 =	simm.s32 $0x5;
	v19 =	vmul.f32 v19, v30  }
0x79: {  	v31 =	vmov s22;
	v20 =	vmul.f32 v20, v30  }
0x7a: {  	[tilespmem:v29+s14+$0x0] =	vst.idx.msk $0xffff, v19;
	v19 =	vshrl.u32 v31, $0x3  }
0x7b: {  	[tilespmem:v18+s14+$0x0] =	vst.idx.msk $0xffff, v20;
	v18 =	vshll.u32 v19, v1  }
0x7c: {  	v19 =	vld [tilespmem:s19+$0xFFFFFFA0];
	v18 =	vbroadcast v18, $0x0  }
0x7d: {  	v20 =	vld [tilespmem:s19+$0xFFFFFFB0]  }
0x7e: {  	v32 =	vadd.s32 v11, v18  }
0x7f: {  	v33 =	vbroadcast v17, $0x5;
	v18 =	vadd.s32 v12, v18;
	_ =	sdelay $0x1  }
0x80: {  	s23 =	simm.s32 $0x6;
	v19 =	vmul.f32 v19, v33  }
0x81: {  	v34 =	vmov s23;
	v20 =	vmul.f32 v20, v33  }
0x82: {  	[tilespmem:v32+s14+$0x0] =	vst.idx.msk $0xffff, v19;
	v19 =	vshrl.u32 v34, $0x3  }
0x83: {  	[tilespmem:v18+s14+$0x0] =	vst.idx.msk $0xffff, v20;
	v18 =	vshll.u32 v19, v1  }
0x84: {  	v19 =	vld [tilespmem:s19+$0xFFFFFFC0];
	v18 =	vbroadcast v18, $0x0  }
0x85: {  	v20 =	vld [tilespmem:s19+$0xFFFFFFD0]  }
0x86: {  	v35 =	vadd.s32 v13, v18  }
0x87: {  	v36 =	vbroadcast v17, $0x6;
	v18 =	vadd.s32 v14, v18;
	_ =	sdelay $0x1  }
0x88: {  	s21 =	simm.s32 $0x7;
	v19 =	vmul.f32 v19, v36  }
0x89: {  	v37 =	vmov s21;
	v20 =	vmul.f32 v20, v36  }
0x8a: {  	[tilespmem:v35+s14+$0x0] =	vst.idx.msk $0xffff, v19;
	v19 =	vshrl.u32 v37, $0x3  }
0x8b: {  	[tilespmem:v18+s14+$0x0] =	vst.idx.msk $0xffff, v20;
	v18 =	vshll.u32 v19, v1  }
0x8c: {  	v19 =	vld [tilespmem:s19+$0xFFFFFFE0];
	v18 =	vbroadcast v18, $0x0  }
0x8d: {  	v20 =	vld [tilespmem:s19+$0xFFFFFFF0]  }
0x8e: {  	v38 =	vadd.s32 v15, v18  }
0x8f: {  	v39 =	vbroadcast v17, $0x7;
	v18 =	vadd.s32 v16, v18;
	_ =	sdelay $0x1  }
0x90: {  	s22 =	simm.s32 $0x8;
	v19 =	vmul.f32 v19, v39  }
0x91: {  	v40 =	vmov s22;
	v20 =	vmul.f32 v20, v39  }
0x92: {  	[tilespmem:v38+s14+$0x0] =	vst.idx.msk $0xffff, v19;
	v19 =	vshrl.u32 v40, $0x3  }
0x93: {  	[tilespmem:v18+s14+$0x0] =	vst.idx.msk $0xffff, v20;
	v18 =	vshll.u32 v19, v1  }
0x94: {  	v19 =	vld [tilespmem:s19+$0x0];
	v18 =	vbroadcast v18, $0x0  }
0x95: {  	v20 =	vld [tilespmem:s19+$0x10]  }
0x96: {  	v41 =	vadd.s32 v0, v18  }
0x97: {  	v42 =	vbroadcast v17, $0x8;
	v18 =	vadd.s32 v2, v18;
	_ =	sdelay $0x1  }
0x98: {  	s23 =	simm.s32 $0x9;
	v19 =	vmul.f32 v19, v42  }
0x99: {  	v43 =	vmov s23;
	v20 =	vmul.f32 v20, v42  }
0x9a: {  	[tilespmem:v41+s14+$0x0] =	vst.idx.msk $0xffff, v19;
	v19 =	vshrl.u32 v43, $0x3  }
0x9b: {  	[tilespmem:v18+s14+$0x0] =	vst.idx.msk $0xffff, v20;
	v18 =	vshll.u32 v19, v1  }
0x9c: {  	v19 =	vld [tilespmem:s19+$0x20];
	v18 =	vbroadcast v18, $0x0  }
0x9d: {  	v20 =	vld [tilespmem:s19+$0x30]  }
0x9e: {  	v44 =	vadd.s32 v3, v18  }
0x9f: {  	v45 =	vbroadcast v17, $0x9;
	v18 =	vadd.s32 v4, v18;
	_ =	sdelay $0x1  }
0xa0: {  	s21 =	simm.s32 $0xA;
	v19 =	vmul.f32 v19, v45  }
0xa1: {  	v46 =	vmov s21;
	v20 =	vmul.f32 v20, v45  }
0xa2: {  	[tilespmem:v44+s14+$0x0] =	vst.idx.msk $0xffff, v19;
	v19 =	vshrl.u32 v46, $0x3  }
0xa3: {  	[tilespmem:v18+s14+$0x0] =	vst.idx.msk $0xffff, v20;
	v18 =	vshll.u32 v19, v1  }
0xa4: {  	v19 =	vld [tilespmem:s19+$0x40];
	v18 =	vbroadcast v18, $0x0  }
0xa5: {  	v20 =	vld [tilespmem:s19+$0x50]  }
0xa6: {  	v47 =	vadd.s32 v5, v18  }
0xa7: {  	v48 =	vbroadcast v17, $0xA;
	v18 =	vadd.s32 v6, v18;
	_ =	sdelay $0x1  }
0xa8: {  	s22 =	simm.s32 $0xB;
	v19 =	vmul.f32 v19, v48  }
0xa9: {  	v49 =	vmov s22;
	v20 =	vmul.f32 v20, v48  }
0xaa: {  	[tilespmem:v47+s14+$0x0] =	vst.idx.msk $0xffff, v19;
	v19 =	vshrl.u32 v49, $0x3  }
0xab: {  	[tilespmem:v18+s14+$0x0] =	vst.idx.msk $0xffff, v20;
	v18 =	vshll.u32 v19, v1  }
0xac: {  	v19 =	vld [tilespmem:s19+$0x60];
	v18 =	vbroadcast v18, $0x0  }
0xad: {  	v20 =	vld [tilespmem:s19+$0x70]  }
0xae: {  	v50 =	vadd.s32 v7, v18  }
0xaf: {  	v51 =	vbroadcast v17, $0xB;
	v18 =	vadd.s32 v8, v18;
	_ =	sdelay $0x1  }
0xb0: {  	s23 =	simm.s32 $0xC;
	v19 =	vmul.f32 v19, v51  }
0xb1: {  	v52 =	vmov s23;
	v20 =	vmul.f32 v20, v51  }
0xb2: {  	[tilespmem:v50+s14+$0x0] =	vst.idx.msk $0xffff, v19;
	v19 =	vshrl.u32 v52, $0x3  }
0xb3: {  	[tilespmem:v18+s14+$0x0] =	vst.idx.msk $0xffff, v20;
	v18 =	vshll.u32 v19, v1  }
0xb4: {  	v19 =	vld [tilespmem:s19+$0x80];
	v18 =	vbroadcast v18, $0x0  }
0xb5: {  	v20 =	vld [tilespmem:s19+$0x90]  }
0xb6: {  	v53 =	vadd.s32 v9, v18  }
0xb7: {  	v54 =	vbroadcast v17, $0xC;
	v18 =	vadd.s32 v10, v18;
	_ =	sdelay $0x1  }
0xb8: {  	s21 =	simm.s32 $0xD;
	v19 =	vmul.f32 v19, v54  }
0xb9: {  	v55 =	vmov s21;
	v20 =	vmul.f32 v20, v54  }
0xba: {  	[tilespmem:v53+s14+$0x0] =	vst.idx.msk $0xffff, v19;
	v19 =	vshrl.u32 v55, $0x3  }
0xbb: {  	[tilespmem:v18+s14+$0x0] =	vst.idx.msk $0xffff, v20;
	v18 =	vshll.u32 v19, v1  }
0xbc: {  	v19 =	vld [tilespmem:s19+$0xA0];
	v18 =	vbroadcast v18, $0x0  }
0xbd: {  	v20 =	vld [tilespmem:s19+$0xB0]  }
0xbe: {  	v56 =	vadd.s32 v11, v18  }
0xbf: {  	v57 =	vbroadcast v17, $0xD;
	v18 =	vadd.s32 v12, v18;
	_ =	sdelay $0x1  }
0xc0: {  	s22 =	simm.s32 $0xE;
	v19 =	vmul.f32 v19, v57  }
0xc1: {  	v58 =	vmov s22;
	v20 =	vmul.f32 v20, v57  }
0xc2: {  	[tilespmem:v56+s14+$0x0] =	vst.idx.msk $0xffff, v19;
	v19 =	vshrl.u32 v58, $0x3  }
0xc3: {  	[tilespmem:v18+s14+$0x0] =	vst.idx.msk $0xffff, v20;
	v18 =	vshll.u32 v19, v1  }
0xc4: {  	v19 =	vld [tilespmem:s19+$0xC0];
	v18 =	vbroadcast v18, $0x0  }
0xc5: {  	v20 =	vld [tilespmem:s19+$0xD0]  }
0xc6: {  	v59 =	vadd.s32 v13, v18  }
0xc7: {  	v60 =	vbroadcast v17, $0xE;
	v18 =	vadd.s32 v14, v18;
	_ =	sdelay $0x1  }
0xc8: {  	s23 =	simm.s32 $0xF;
	v19 =	vmul.f32 v19, v60  }
0xc9: {  	v61 =	vmov s23;
	v20 =	vmul.f32 v20, v60  }
0xca: {  	[tilespmem:v59+s14+$0x0] =	vst.idx.msk $0xffff, v19;
	v19 =	vshrl.u32 v61, $0x3  }
0xcb: {  	[tilespmem:v18+s14+$0x0] =	vst.idx.msk $0xffff, v20;
	v18 =	vshll.u32 v19, v1  }
0xcc: {  	v19 =	vld [tilespmem:s19+$0xE0];
	v18 =	vbroadcast v18, $0x0;
	_ =	sdelay $0x1  }
0xcd: {  	v20 =	vld [tilespmem:s19+$0xF0];
	v62 =	vadd.s32 v15, v18  }
0xce: {  	v63 =	vbroadcast v17, $0xF  }
0xcf: {  	v17 =	vadd.s32 v16, v18  }
0xd0: {  	v19 =	vmul.f32 v19, v63;
	_ =	sdelay $0x1  }
0xd1: {  	s20 =	simm.s32 $0x1F;
	s21 =	simm.s32 $0x2F;
	s22 =	simm.s32 $0x10;
	v18 =	vmul.f32 v20, v63;
	[tilespmem:v62+s14+$0x0] =	vst.idx.msk $0xffff, v19  }
.LBB2_3:
0xd2: {  	s18 =	sadd.s32 $0x10, s18  }
0xd3: {  	v19 =	vmov s22;
	[tilespmem:v17+s14+$0x0] =	vst.idx.msk $0xffff, v18;
	s19 =	sadd.s32 $0x200, s19;
	s22 =	smov.u32 s21;
	s23 =	sadd.s32 $0x10, s21  }
0xd4: {  	p0 =	sne.s32 s21, $0x3FF;
	v17 =	vld [tilespmem:s18+$0x0];
	v18 =	vshrl.u32 v19, $0x3  }
0xd5: {  	v18 =	vshll.u32 v18, v1  }
0xd6: {  	v19 =	vld [tilespmem:s19+$0xFFFFFF00];
	v18 =	vbroadcast v18, $0x0  }
0xd7: {  	v20 =	vld [tilespmem:s19+$0xFFFFFF10]  }
0xd8: {  	v21 =	vadd.s32 v0, v18  }
0xd9: {  	v18 =	vadd.s32 v2, v18;
	v22 =	vbroadcast v17, $0x0;
	_ =	sdelay $0x1  }
0xda: {  	s21 =	sadd.s32 $0xFFFFFFF2, s20;
	v19 =	vmul.f32 v22, v19  }
0xdb: {  	v20 =	vmul.f32 v20, v22;
	v22 =	vmov s21  }
0xdc: {  	[tilespmem:v21+s14+$0x0] =	vst.idx.msk $0xffff, v19;
	v19 =	vshrl.u32 v22, $0x3  }
0xdd: {  	[tilespmem:v18+s14+$0x0] =	vst.idx.msk $0xffff, v20;
	v18 =	vshll.u32 v19, v1  }
0xde: {  	v19 =	vld [tilespmem:s19+$0xFFFFFF20];
	v18 =	vbroadcast v18, $0x0  }
0xdf: {  	v20 =	vld [tilespmem:s19+$0xFFFFFF30]  }
0xe0: {  	v21 =	vadd.s32 v3, v18  }
0xe1: {  	v22 =	vbroadcast v17, $0x1;
	v18 =	vadd.s32 v4, v18;
	_ =	sdelay $0x1  }
0xe2: {  	s21 =	sadd.s32 $0xFFFFFFF3, s20;
	v19 =	vmul.f32 v19, v22  }
0xe3: {  	v20 =	vmul.f32 v20, v22;
	v22 =	vmov s21  }
0xe4: {  	[tilespmem:v21+s14+$0x0] =	vst.idx.msk $0xffff, v19;
	v19 =	vshrl.u32 v22, $0x3  }
0xe5: {  	[tilespmem:v18+s14+$0x0] =	vst.idx.msk $0xffff, v20;
	v18 =	vshll.u32 v19, v1  }
0xe6: {  	v19 =	vld [tilespmem:s19+$0xFFFFFF40];
	v18 =	vbroadcast v18, $0x0  }
0xe7: {  	v20 =	vld [tilespmem:s19+$0xFFFFFF50]  }
0xe8: {  	v21 =	vadd.s32 v5, v18  }
0xe9: {  	v22 =	vbroadcast v17, $0x2;
	v18 =	vadd.s32 v6, v18;
	_ =	sdelay $0x1  }
0xea: {  	s21 =	sadd.s32 $0xFFFFFFF4, s20;
	v19 =	vmul.f32 v19, v22  }
0xeb: {  	v20 =	vmul.f32 v20, v22;
	v22 =	vmov s21  }
0xec: {  	[tilespmem:v21+s14+$0x0] =	vst.idx.msk $0xffff, v19;
	v19 =	vshrl.u32 v22, $0x3  }
0xed: {  	[tilespmem:v18+s14+$0x0] =	vst.idx.msk $0xffff, v20;
	v18 =	vshll.u32 v19, v1  }
0xee: {  	v19 =	vld [tilespmem:s19+$0xFFFFFF60];
	v18 =	vbroadcast v18, $0x0  }
0xef: {  	v20 =	vld [tilespmem:s19+$0xFFFFFF70]  }
0xf0: {  	v21 =	vadd.s32 v7, v18  }
0xf1: {  	v22 =	vbroadcast v17, $0x3;
	v18 =	vadd.s32 v8, v18;
	_ =	sdelay $0x1  }
0xf2: {  	s21 =	sadd.s32 $0xFFFFFFF5, s20;
	v19 =	vmul.f32 v19, v22  }
0xf3: {  	v20 =	vmul.f32 v20, v22;
	v22 =	vmov s21  }
0xf4: {  	[tilespmem:v21+s14+$0x0] =	vst.idx.msk $0xffff, v19;
	v19 =	vshrl.u32 v22, $0x3  }
0xf5: {  	[tilespmem:v18+s14+$0x0] =	vst.idx.msk $0xffff, v20;
	v18 =	vshll.u32 v19, v1  }
0xf6: {  	v19 =	vld [tilespmem:s19+$0xFFFFFF80];
	v18 =	vbroadcast v18, $0x0  }
0xf7: {  	v20 =	vld [tilespmem:s19+$0xFFFFFF90]  }
0xf8: {  	v21 =	vadd.s32 v9, v18  }
0xf9: {  	v22 =	vbroadcast v17, $0x4;
	v18 =	vadd.s32 v10, v18;
	_ =	sdelay $0x1  }
0xfa: {  	s21 =	sadd.s32 $0xFFFFFFF6, s20;
	v19 =	vmul.f32 v19, v22  }
0xfb: {  	v20 =	vmul.f32 v20, v22;
	v22 =	vmov s21  }
0xfc: {  	[tilespmem:v21+s14+$0x0] =	vst.idx.msk $0xffff, v19;
	v19 =	vshrl.u32 v22, $0x3  }
0xfd: {  	[tilespmem:v18+s14+$0x0] =	vst.idx.msk $0xffff, v20;
	v18 =	vshll.u32 v19, v1  }
0xfe: {  	v19 =	vld [tilespmem:s19+$0xFFFFFFA0];
	v18 =	vbroadcast v18, $0x0  }
0xff: {  	v20 =	vld [tilespmem:s19+$0xFFFFFFB0]  }
0x100: {  	v21 =	vadd.s32 v11, v18  }
0x101: {  	v22 =	vbroadcast v17, $0x5;
	v18 =	vadd.s32 v12, v18;
	_ =	sdelay $0x1  }
0x102: {  	s21 =	sadd.s32 $0xFFFFFFF7, s20;
	v19 =	vmul.f32 v19, v22  }
0x103: {  	v20 =	vmul.f32 v20, v22;
	v22 =	vmov s21  }
0x104: {  	[tilespmem:v21+s14+$0x0] =	vst.idx.msk $0xffff, v19;
	v19 =	vshrl.u32 v22, $0x3  }
0x105: {  	[tilespmem:v18+s14+$0x0] =	vst.idx.msk $0xffff, v20;
	v18 =	vshll.u32 v19, v1  }
0x106: {  	v19 =	vld [tilespmem:s19+$0xFFFFFFC0];
	v18 =	vbroadcast v18, $0x0  }
0x107: {  	v20 =	vld [tilespmem:s19+$0xFFFFFFD0]  }
0x108: {  	v21 =	vadd.s32 v13, v18  }
0x109: {  	v22 =	vbroadcast v17, $0x6;
	v18 =	vadd.s32 v14, v18;
	_ =	sdelay $0x1  }
0x10a: {  	s21 =	sadd.s32 $0xFFFFFFF8, s20;
	v19 =	vmul.f32 v19, v22  }
0x10b: {  	v20 =	vmul.f32 v20, v22;
	v22 =	vmov s21  }
0x10c: {  	[tilespmem:v21+s14+$0x0] =	vst.idx.msk $0xffff, v19;
	v19 =	vshrl.u32 v22, $0x3  }
0x10d: {  	[tilespmem:v18+s14+$0x0] =	vst.idx.msk $0xffff, v20;
	v18 =	vshll.u32 v19, v1  }
0x10e: {  	v19 =	vld [tilespmem:s19+$0xFFFFFFE0];
	v18 =	vbroadcast v18, $0x0  }
0x10f: {  	v20 =	vld [tilespmem:s19+$0xFFFFFFF0]  }
0x110: {  	v21 =	vadd.s32 v15, v18  }
0x111: {  	v22 =	vbroadcast v17, $0x7;
	v18 =	vadd.s32 v16, v18;
	_ =	sdelay $0x1  }
0x112: {  	s21 =	sadd.s32 $0xFFFFFFF9, s20;
	v19 =	vmul.f32 v19, v22  }
0x113: {  	v20 =	vmul.f32 v20, v22;
	v22 =	vmov s21  }
0x114: {  	[tilespmem:v21+s14+$0x0] =	vst.idx.msk $0xffff, v19;
	v19 =	vshrl.u32 v22, $0x3  }
0x115: {  	[tilespmem:v18+s14+$0x0] =	vst.idx.msk $0xffff, v20;
	v18 =	vshll.u32 v19, v1  }
0x116: {  	v19 =	vld [tilespmem:s19+$0x0];
	v18 =	vbroadcast v18, $0x0  }
0x117: {  	v20 =	vld [tilespmem:s19+$0x10]  }
0x118: {  	v21 =	vadd.s32 v0, v18  }
0x119: {  	v22 =	vbroadcast v17, $0x8;
	v18 =	vadd.s32 v2, v18;
	_ =	sdelay $0x1  }
0x11a: {  	s21 =	sadd.s32 $0xFFFFFFFA, s20;
	v19 =	vmul.f32 v19, v22  }
0x11b: {  	v20 =	vmul.f32 v20, v22;
	v22 =	vmov s21  }
0x11c: {  	[tilespmem:v21+s14+$0x0] =	vst.idx.msk $0xffff, v19;
	v19 =	vshrl.u32 v22, $0x3  }
0x11d: {  	[tilespmem:v18+s14+$0x0] =	vst.idx.msk $0xffff, v20;
	v18 =	vshll.u32 v19, v1  }
0x11e: {  	v19 =	vld [tilespmem:s19+$0x20];
	v18 =	vbroadcast v18, $0x0  }
0x11f: {  	v20 =	vld [tilespmem:s19+$0x30]  }
0x120: {  	v21 =	vadd.s32 v3, v18  }
0x121: {  	v22 =	vbroadcast v17, $0x9;
	v18 =	vadd.s32 v4, v18;
	_ =	sdelay $0x1  }
0x122: {  	s21 =	sadd.s32 $0xFFFFFFFB, s20;
	v19 =	vmul.f32 v19, v22  }
0x123: {  	v20 =	vmul.f32 v20, v22;
	v22 =	vmov s21  }
0x124: {  	[tilespmem:v21+s14+$0x0] =	vst.idx.msk $0xffff, v19;
	v19 =	vshrl.u32 v22, $0x3  }
0x125: {  	[tilespmem:v18+s14+$0x0] =	vst.idx.msk $0xffff, v20;
	v18 =	vshll.u32 v19, v1  }
0x126: {  	v19 =	vld [tilespmem:s19+$0x40];
	v18 =	vbroadcast v18, $0x0  }
0x127: {  	v20 =	vld [tilespmem:s19+$0x50]  }
0x128: {  	v21 =	vadd.s32 v5, v18  }
0x129: {  	v22 =	vbroadcast v17, $0xA;
	v18 =	vadd.s32 v6, v18;
	_ =	sdelay $0x1  }
0x12a: {  	s21 =	sadd.s32 $0xFFFFFFFC, s20;
	v19 =	vmul.f32 v19, v22  }
0x12b: {  	v20 =	vmul.f32 v20, v22;
	v22 =	vmov s21  }
0x12c: {  	[tilespmem:v21+s14+$0x0] =	vst.idx.msk $0xffff, v19;
	v19 =	vshrl.u32 v22, $0x3  }
0x12d: {  	[tilespmem:v18+s14+$0x0] =	vst.idx.msk $0xffff, v20;
	v18 =	vshll.u32 v19, v1  }
0x12e: {  	v19 =	vld [tilespmem:s19+$0x60];
	v18 =	vbroadcast v18, $0x0  }
0x12f: {  	v20 =	vld [tilespmem:s19+$0x70]  }
0x130: {  	v21 =	vadd.s32 v7, v18  }
0x131: {  	v22 =	vbroadcast v17, $0xB;
	v18 =	vadd.s32 v8, v18;
	_ =	sdelay $0x1  }
0x132: {  	s21 =	sadd.s32 $0xFFFFFFFD, s20;
	v19 =	vmul.f32 v19, v22  }
0x133: {  	v20 =	vmul.f32 v20, v22;
	v22 =	vmov s21  }
0x134: {  	[tilespmem:v21+s14+$0x0] =	vst.idx.msk $0xffff, v19;
	v19 =	vshrl.u32 v22, $0x3  }
0x135: {  	[tilespmem:v18+s14+$0x0] =	vst.idx.msk $0xffff, v20;
	v18 =	vshll.u32 v19, v1  }
0x136: {  	v19 =	vld [tilespmem:s19+$0x80];
	v18 =	vbroadcast v18, $0x0  }
0x137: {  	v20 =	vld [tilespmem:s19+$0x90]  }
0x138: {  	v21 =	vadd.s32 v9, v18  }
0x139: {  	v22 =	vbroadcast v17, $0xC;
	v18 =	vadd.s32 v10, v18;
	_ =	sdelay $0x1  }
0x13a: {  	s21 =	sadd.s32 $0xFFFFFFFE, s20;
	v19 =	vmul.f32 v19, v22  }
0x13b: {  	v20 =	vmul.f32 v20, v22;
	v22 =	vmov s21  }
0x13c: {  	[tilespmem:v21+s14+$0x0] =	vst.idx.msk $0xffff, v19;
	v19 =	vshrl.u32 v22, $0x3  }
0x13d: {  	[tilespmem:v18+s14+$0x0] =	vst.idx.msk $0xffff, v20;
	v18 =	vshll.u32 v19, v1  }
0x13e: {  	v19 =	vld [tilespmem:s19+$0xA0];
	v18 =	vbroadcast v18, $0x0  }
0x13f: {  	v20 =	vld [tilespmem:s19+$0xB0]  }
0x140: {  	v21 =	vadd.s32 v11, v18  }
0x141: {  	v22 =	vbroadcast v17, $0xD;
	v18 =	vadd.s32 v12, v18;
	_ =	sdelay $0x1  }
0x142: {  	s21 =	sadd.s32 $0xFFFFFFFF, s20;
	v19 =	vmul.f32 v19, v22  }
0x143: {  	v20 =	vmul.f32 v20, v22;
	v22 =	vmov s21  }
0x144: {  	[tilespmem:v21+s14+$0x0] =	vst.idx.msk $0xffff, v19;
	v19 =	vshrl.u32 v22, $0x3  }
0x145: {  	[tilespmem:v18+s14+$0x0] =	vst.idx.msk $0xffff, v20;
	v18 =	vshll.u32 v19, v1  }
0x146: {  	v19 =	vld [tilespmem:s19+$0xC0];
	v18 =	vbroadcast v18, $0x0  }
0x147: {  	v20 =	vld [tilespmem:s19+$0xD0]  }
0x148: {  	v21 =	vadd.s32 v13, v18  }
0x149: {  	v22 =	vbroadcast v17, $0xE;
	v18 =	vadd.s32 v14, v18;
	_ =	sdelay $0x1  }
0x14a: {  	v19 =	vmul.f32 v19, v22  }
0x14b: {  	v20 =	vmul.f32 v20, v22;
	v22 =	vmov s20;
	s20 =	smov.u32 s22  }
0x14c: {  	[tilespmem:v21+s14+$0x0] =	vst.idx.msk $0xffff, v19;
	v19 =	vshrl.u32 v22, $0x3  }
0x14d: {  	[tilespmem:v18+s14+$0x0] =	vst.idx.msk $0xffff, v20;
	v18 =	vshll.u32 v19, v1  }
0x14e: {  	v19 =	vld [tilespmem:s19+$0xE0];
	v18 =	vbroadcast v18, $0x0  }
0x14f: {  	v20 =	vld [tilespmem:s19+$0xF0]  }
0x150: {  	v21 =	vadd.s32 v15, v18  }
.Ltmp0:
0x151: {  	v22 =	vbroadcast v17, $0xF;
	v17 =	vadd.s32 v16, v18;
	(pc) =	sbr.rel @p0 .LBB2_3-.Ltmp0, $4  }
0x152: {  	_ = 	snop  }
0x153: {  	v19 =	vmul.f32 v19, v22  }
0x154: {  	v18 =	vmul.f32 v20, v22  }
0x155: {  	s21 =	smov.u32 s23;
	s22 =	sadd.s32 $0xFFFFFFF1, s20;
	[tilespmem:v21+s14+$0x0] =	vst.idx.msk $0xffff, v19  }
0x156: {  	_ =	sdelay $0x3  }
0x157: {  	v19 =	vmov s22;
	[tilespmem:v17+s14+$0x0] =	vst.idx.msk $0xffff, v18;
	s18 =	sadd.s32 $0x10, s18  }
0x158: {  	v17 =	vld [tilespmem:s18+$0x0];
	v18 =	vshrl.u32 v19, $0x3  }
0x159: {  	s18 =	sadd.s32 $0x200, s19;
	v18 =	vshll.u32 v18, v1  }
0x15a: {  	v19 =	vld [tilespmem:s18+$0xFFFFFF00];
	v18 =	vbroadcast v18, $0x0  }
0x15b: {  	v20 =	vld [tilespmem:s18+$0xFFFFFF10]  }
0x15c: {  	v21 =	vadd.s32 v0, v18  }
0x15d: {  	v18 =	vadd.s32 v2, v18;
	v22 =	vbroadcast v17, $0x0;
	_ =	sdelay $0x1  }
0x15e: {  	s21 =	sadd.s32 $0xFFFFFFF2, s20;
	v19 =	vmul.f32 v22, v19  }
0x15f: {  	v61 =	vmov s21;
	v20 =	vmul.f32 v20, v22  }
0x160: {  	[tilespmem:v21+s14+$0x0] =	vst.idx.msk $0xffff, v19;
	v19 =	vshrl.u32 v61, $0x3  }
0x161: {  	[tilespmem:v18+s14+$0x0] =	vst.idx.msk $0xffff, v20;
	v18 =	vshll.u32 v19, v1  }
0x162: {  	v19 =	vld [tilespmem:s18+$0xFFFFFF20];
	v18 =	vbroadcast v18, $0x0  }
0x163: {  	v20 =	vld [tilespmem:s18+$0xFFFFFF30]  }
0x164: {  	v62 =	vadd.s32 v3, v18  }
0x165: {  	v63 =	vbroadcast v17, $0x1;
	v18 =	vadd.s32 v4, v18;
	_ =	sdelay $0x1  }
0x166: {  	s22 =	sadd.s32 $0xFFFFFFF3, s20;
	v19 =	vmul.f32 v19, v63  }
0x167: {  	v24 =	vmov s22;
	v20 =	vmul.f32 v20, v63  }
0x168: {  	[tilespmem:v62+s14+$0x0] =	vst.idx.msk $0xffff, v19;
	v19 =	vshrl.u32 v24, $0x3  }
0x169: {  	[tilespmem:v18+s14+$0x0] =	vst.idx.msk $0xffff, v20;
	v18 =	vshll.u32 v19, v1  }
0x16a: {  	v19 =	vld [tilespmem:s18+$0xFFFFFF40];
	v18 =	vbroadcast v18, $0x0  }
0x16b: {  	v20 =	vld [tilespmem:s18+$0xFFFFFF50]  }
0x16c: {  	v25 =	vadd.s32 v5, v18  }
0x16d: {  	v26 =	vbroadcast v17, $0x2;
	v18 =	vadd.s32 v6, v18;
	_ =	sdelay $0x1  }
0x16e: {  	s23 =	sadd.s32 $0xFFFFFFF4, s20;
	v19 =	vmul.f32 v19, v26  }
0x16f: {  	v27 =	vmov s23;
	v20 =	vmul.f32 v20, v26  }
0x170: {  	[tilespmem:v25+s14+$0x0] =	vst.idx.msk $0xffff, v19;
	v19 =	vshrl.u32 v27, $0x3  }
0x171: {  	[tilespmem:v18+s14+$0x0] =	vst.idx.msk $0xffff, v20;
	v18 =	vshll.u32 v19, v1  }
0x172: {  	v19 =	vld [tilespmem:s18+$0xFFFFFF60];
	v18 =	vbroadcast v18, $0x0  }
0x173: {  	v20 =	vld [tilespmem:s18+$0xFFFFFF70]  }
0x174: {  	v28 =	vadd.s32 v7, v18  }
0x175: {  	v29 =	vbroadcast v17, $0x3;
	v18 =	vadd.s32 v8, v18;
	_ =	sdelay $0x1  }
0x176: {  	s21 =	sadd.s32 $0xFFFFFFF5, s20;
	v19 =	vmul.f32 v19, v29  }
0x177: {  	v30 =	vmov s21;
	v20 =	vmul.f32 v20, v29  }
0x178: {  	[tilespmem:v28+s14+$0x0] =	vst.idx.msk $0xffff, v19;
	v19 =	vshrl.u32 v30, $0x3  }
0x179: {  	[tilespmem:v18+s14+$0x0] =	vst.idx.msk $0xffff, v20;
	v18 =	vshll.u32 v19, v1  }
0x17a: {  	v19 =	vld [tilespmem:s18+$0xFFFFFF80];
	v18 =	vbroadcast v18, $0x0  }
0x17b: {  	v20 =	vld [tilespmem:s18+$0xFFFFFF90]  }
0x17c: {  	v31 =	vadd.s32 v9, v18  }
0x17d: {  	v32 =	vbroadcast v17, $0x4;
	v18 =	vadd.s32 v10, v18;
	_ =	sdelay $0x1  }
0x17e: {  	s22 =	sadd.s32 $0xFFFFFFF6, s20;
	v19 =	vmul.f32 v19, v32  }
0x17f: {  	v33 =	vmov s22;
	v20 =	vmul.f32 v20, v32  }
0x180: {  	[tilespmem:v31+s14+$0x0] =	vst.idx.msk $0xffff, v19;
	v19 =	vshrl.u32 v33, $0x3  }
0x181: {  	[tilespmem:v18+s14+$0x0] =	vst.idx.msk $0xffff, v20;
	v18 =	vshll.u32 v19, v1  }
0x182: {  	v19 =	vld [tilespmem:s18+$0xFFFFFFA0];
	v18 =	vbroadcast v18, $0x0  }
0x183: {  	v20 =	vld [tilespmem:s18+$0xFFFFFFB0]  }
0x184: {  	v34 =	vadd.s32 v11, v18  }
0x185: {  	v35 =	vbroadcast v17, $0x5;
	v18 =	vadd.s32 v12, v18;
	_ =	sdelay $0x1  }
0x186: {  	s23 =	sadd.s32 $0xFFFFFFF7, s20;
	v19 =	vmul.f32 v19, v35  }
0x187: {  	v36 =	vmov s23;
	v20 =	vmul.f32 v20, v35  }
0x188: {  	[tilespmem:v34+s14+$0x0] =	vst.idx.msk $0xffff, v19;
	v19 =	vshrl.u32 v36, $0x3  }
0x189: {  	[tilespmem:v18+s14+$0x0] =	vst.idx.msk $0xffff, v20;
	v18 =	vshll.u32 v19, v1  }
0x18a: {  	v19 =	vld [tilespmem:s18+$0xFFFFFFC0];
	v18 =	vbroadcast v18, $0x0  }
0x18b: {  	v20 =	vld [tilespmem:s18+$0xFFFFFFD0]  }
0x18c: {  	v37 =	vadd.s32 v13, v18  }
0x18d: {  	v38 =	vbroadcast v17, $0x6;
	v18 =	vadd.s32 v14, v18;
	_ =	sdelay $0x1  }
0x18e: {  	s21 =	sadd.s32 $0xFFFFFFF8, s20;
	v19 =	vmul.f32 v19, v38  }
0x18f: {  	v39 =	vmov s21;
	v20 =	vmul.f32 v20, v38  }
0x190: {  	[tilespmem:v37+s14+$0x0] =	vst.idx.msk $0xffff, v19;
	v19 =	vshrl.u32 v39, $0x3  }
0x191: {  	[tilespmem:v18+s14+$0x0] =	vst.idx.msk $0xffff, v20;
	v18 =	vshll.u32 v19, v1  }
0x192: {  	v19 =	vld [tilespmem:s18+$0xFFFFFFE0];
	v18 =	vbroadcast v18, $0x0  }
0x193: {  	v20 =	vld [tilespmem:s18+$0xFFFFFFF0]  }
0x194: {  	v40 =	vadd.s32 v15, v18  }
0x195: {  	v41 =	vbroadcast v17, $0x7;
	v18 =	vadd.s32 v16, v18;
	_ =	sdelay $0x1  }
0x196: {  	s22 =	sadd.s32 $0xFFFFFFF9, s20;
	v19 =	vmul.f32 v19, v41  }
0x197: {  	v42 =	vmov s22;
	v20 =	vmul.f32 v20, v41  }
0x198: {  	[tilespmem:v40+s14+$0x0] =	vst.idx.msk $0xffff, v19;
	v19 =	vshrl.u32 v42, $0x3  }
0x199: {  	[tilespmem:v18+s14+$0x0] =	vst.idx.msk $0xffff, v20;
	v18 =	vshll.u32 v19, v1  }
0x19a: {  	v19 =	vld [tilespmem:s18+$0x0];
	v18 =	vbroadcast v18, $0x0  }
0x19b: {  	v20 =	vld [tilespmem:s18+$0x10]  }
0x19c: {  	v43 =	vadd.s32 v0, v18  }
0x19d: {  	v44 =	vbroadcast v17, $0x8;
	v18 =	vadd.s32 v2, v18;
	_ =	sdelay $0x1  }
0x19e: {  	s23 =	sadd.s32 $0xFFFFFFFA, s20;
	v19 =	vmul.f32 v19, v44  }
0x19f: {  	v45 =	vmov s23;
	v20 =	vmul.f32 v20, v44  }
0x1a0: {  	[tilespmem:v43+s14+$0x0] =	vst.idx.msk $0xffff, v19;
	v19 =	vshrl.u32 v45, $0x3  }
0x1a1: {  	[tilespmem:v18+s14+$0x0] =	vst.idx.msk $0xffff, v20;
	v18 =	vshll.u32 v19, v1  }
0x1a2: {  	v19 =	vld [tilespmem:s18+$0x20];
	v18 =	vbroadcast v18, $0x0  }
0x1a3: {  	v20 =	vld [tilespmem:s18+$0x30]  }
0x1a4: {  	v46 =	vadd.s32 v3, v18  }
0x1a5: {  	v47 =	vbroadcast v17, $0x9;
	v18 =	vadd.s32 v4, v18;
	_ =	sdelay $0x1  }
0x1a6: {  	s21 =	sadd.s32 $0xFFFFFFFB, s20;
	v19 =	vmul.f32 v19, v47  }
0x1a7: {  	v48 =	vmov s21;
	v20 =	vmul.f32 v20, v47  }
0x1a8: {  	[tilespmem:v46+s14+$0x0] =	vst.idx.msk $0xffff, v19;
	v19 =	vshrl.u32 v48, $0x3  }
0x1a9: {  	[tilespmem:v18+s14+$0x0] =	vst.idx.msk $0xffff, v20;
	v18 =	vshll.u32 v19, v1  }
0x1aa: {  	v19 =	vld [tilespmem:s18+$0x40];
	v18 =	vbroadcast v18, $0x0  }
0x1ab: {  	v20 =	vld [tilespmem:s18+$0x50]  }
0x1ac: {  	v49 =	vadd.s32 v5, v18  }
0x1ad: {  	v50 =	vbroadcast v17, $0xA;
	v18 =	vadd.s32 v6, v18;
	_ =	sdelay $0x1  }
0x1ae: {  	s22 =	sadd.s32 $0xFFFFFFFC, s20;
	v19 =	vmul.f32 v19, v50  }
0x1af: {  	v51 =	vmov s22;
	v20 =	vmul.f32 v20, v50  }
0x1b0: {  	[tilespmem:v49+s14+$0x0] =	vst.idx.msk $0xffff, v19;
	v19 =	vshrl.u32 v51, $0x3  }
0x1b1: {  	[tilespmem:v18+s14+$0x0] =	vst.idx.msk $0xffff, v20;
	v18 =	vshll.u32 v19, v1  }
0x1b2: {  	v19 =	vld [tilespmem:s18+$0x60];
	v18 =	vbroadcast v18, $0x0  }
0x1b3: {  	v20 =	vld [tilespmem:s18+$0x70]  }
0x1b4: {  	v52 =	vadd.s32 v7, v18  }
0x1b5: {  	v53 =	vbroadcast v17, $0xB;
	v18 =	vadd.s32 v8, v18;
	_ =	sdelay $0x1  }
0x1b6: {  	s23 =	sadd.s32 $0xFFFFFFFD, s20;
	v19 =	vmul.f32 v19, v53  }
0x1b7: {  	v54 =	vmov s23;
	v20 =	vmul.f32 v20, v53  }
0x1b8: {  	[tilespmem:v52+s14+$0x0] =	vst.idx.msk $0xffff, v19;
	v19 =	vshrl.u32 v54, $0x3  }
0x1b9: {  	[tilespmem:v18+s14+$0x0] =	vst.idx.msk $0xffff, v20;
	v18 =	vshll.u32 v19, v1  }
0x1ba: {  	v19 =	vld [tilespmem:s18+$0x80];
	v18 =	vbroadcast v18, $0x0  }
0x1bb: {  	v20 =	vld [tilespmem:s18+$0x90]  }
0x1bc: {  	v55 =	vadd.s32 v9, v18  }
0x1bd: {  	v56 =	vbroadcast v17, $0xC;
	v18 =	vadd.s32 v10, v18;
	_ =	sdelay $0x1  }
0x1be: {  	s21 =	sadd.s32 $0xFFFFFFFE, s20;
	v19 =	vmul.f32 v19, v56  }
0x1bf: {  	v57 =	vmov s21;
	v20 =	vmul.f32 v20, v56  }
0x1c0: {  	[tilespmem:v55+s14+$0x0] =	vst.idx.msk $0xffff, v19;
	v19 =	vshrl.u32 v57, $0x3  }
0x1c1: {  	[tilespmem:v18+s14+$0x0] =	vst.idx.msk $0xffff, v20;
	v18 =	vshll.u32 v19, v1  }
0x1c2: {  	v19 =	vld [tilespmem:s18+$0xA0];
	v18 =	vbroadcast v18, $0x0  }
0x1c3: {  	v20 =	vld [tilespmem:s18+$0xB0]  }
0x1c4: {  	v58 =	vadd.s32 v11, v18  }
0x1c5: {  	v59 =	vbroadcast v17, $0xD;
	v18 =	vadd.s32 v12, v18;
	_ =	sdelay $0x1  }
0x1c6: {  	s22 =	sadd.s32 $0xFFFFFFFF, s20;
	v19 =	vmul.f32 v19, v59  }
0x1c7: {  	v23 =	vmov s22;
	v20 =	vmul.f32 v20, v59  }
0x1c8: {  	[tilespmem:v58+s14+$0x0] =	vst.idx.msk $0xffff, v19;
	v19 =	vshrl.u32 v23, $0x3  }
0x1c9: {  	[tilespmem:v18+s14+$0x0] =	vst.idx.msk $0xffff, v20;
	v18 =	vshll.u32 v19, v1  }
0x1ca: {  	v19 =	vld [tilespmem:s18+$0xC0];
	v18 =	vbroadcast v18, $0x0  }
0x1cb: {  	v20 =	vld [tilespmem:s18+$0xD0]  }
0x1cc: {  	v60 =	vadd.s32 v13, v18  }
0x1cd: {  	v61 =	vbroadcast v17, $0xE;
	v18 =	vadd.s32 v14, v18;
	_ =	sdelay $0x1  }
0x1ce: {  	v19 =	vmul.f32 v19, v61  }
0x1cf: {  	v62 =	vmov s20;
	v20 =	vmul.f32 v20, v61  }
0x1d0: {  	[tilespmem:v60+s14+$0x0] =	vst.idx.msk $0xffff, v19;
	v19 =	vshrl.u32 v62, $0x3  }
0x1d1: {  	[tilespmem:v18+s14+$0x0] =	vst.idx.msk $0xffff, v20;
	v18 =	vshll.u32 v19, v1  }
0x1d2: {  	v19 =	vld [tilespmem:s18+$0xE0];
	v18 =	vbroadcast v18, $0x0  }
0x1d3: {  	v20 =	vld [tilespmem:s18+$0xF0]  }
0x1d4: {  	v63 =	vadd.s32 v15, v18  }
0x1d5: {  	v17 =	vbroadcast v17, $0xF;
	v18 =	vadd.s32 v16, v18;
	_ =	sdelay $0x1  }
0x1d6: {  	s23 =	rddreg [dreg:$0x7];
	v19 =	vmul.f32 v19, v17  }
0x1d7: {  	s17 =	sor.u32 s17, s23;
	v17 =	vmul.f32 v20, v17  }
0x1d8: {  	s19 =	rddreg [dreg:$0x6];
	s17 =	sshrl.u32 s17, $0x3;
	[tilespmem:v63+s14+$0x0] =	vst.idx.msk $0xffff, v19  }
0x1d9: {  	s20 =	rddreg [dreg:$0x8];
	s18 =	sadd.s32 s19, s17;
	[tilespmem:v18+s14+$0x0] =	vst.idx.msk $0xffff, v17  }
0x1da: {  	[hbm4b:s18+s5] =	stream.linear.scatter [tilespmem:s14], [sflag:$0x2], $0x400, $0x38;
	[tilespmem:$0x10900] =	vst v63  }
0x1db: {  	s21 =	simm.s32 $0x8C08;
	s22 =	rddreg [dreg:$0x9];
	s18 =	sadd.s32 s17, s20  }
0x1dc: {  	[hbm4b:s18+s5] =	stream.linear.scatter [tilespmem:s21], [sflag:$0x2], $0x400, $0x38;
	[tilespmem:$0x10900] =	vst v63  }
0x1dd: {  	s23 =	simm.s32 $0x9010;
	s20 =	rddreg [dreg:$0xa];
	s18 =	sadd.s32 s17, s22  }
0x1de: {  	[hbm4b:s18+s5] =	stream.linear.scatter [tilespmem:s23], [sflag:$0x2], $0x400, $0x38;
	[tilespmem:$0x10900] =	vst v63  }
0x1df: {  	s21 =	simm.s32 $0x9418;
	s22 =	rddreg [dreg:$0xb];
	s18 =	sadd.s32 s17, s20  }
0x1e0: {  	[hbm4b:s18+s5] =	stream.linear.scatter [tilespmem:s21], [sflag:$0x2], $0x400, $0x38;
	[tilespmem:$0x10900] =	vst v63  }
0x1e1: {  	s23 =	simm.s32 $0x9820;
	s20 =	rddreg [dreg:$0xc];
	s18 =	sadd.s32 s17, s22  }
0x1e2: {  	[hbm4b:s18+s5] =	stream.linear.scatter [tilespmem:s23], [sflag:$0x2], $0x400, $0x38;
	[tilespmem:$0x10900] =	vst v63  }
0x1e3: {  	s21 =	simm.s32 $0x9C28;
	s22 =	rddreg [dreg:$0xd];
	s18 =	sadd.s32 s17, s20  }
0x1e4: {  	[hbm4b:s18+s5] =	stream.linear.scatter [tilespmem:s21], [sflag:$0x2], $0x400, $0x38;
	[tilespmem:$0x10900] =	vst v63  }
0x1e5: {  	s23 =	simm.s32 $0xA030;
	s20 =	rddreg [dreg:$0xe];
	s18 =	sadd.s32 s17, s22  }
0x1e6: {  	[hbm4b:s18+s5] =	stream.linear.scatter [tilespmem:s23], [sflag:$0x2], $0x400, $0x38;
	[tilespmem:$0x10900] =	vst v63  }
0x1e7: {  	s21 =	simm.s32 $0xA438;
	s22 =	rddreg [dreg:$0xf];
	s18 =	sadd.s32 s17, s20  }
0x1e8: {  	[hbm4b:s18+s5] =	stream.linear.scatter [tilespmem:s21], [sflag:$0x2], $0x400, $0x38;
	[tilespmem:$0x10900] =	vst v63  }
0x1e9: {  	s23 =	simm.s32 $0xA840;
	s20 =	rddreg [dreg:$0x10];
	s18 =	sadd.s32 s17, s22  }
0x1ea: {  	[hbm4b:s18+s5] =	stream.linear.scatter [tilespmem:s23], [sflag:$0x2], $0x400, $0x38;
	[tilespmem:$0x10900] =	vst v63  }
0x1eb: {  	s21 =	simm.s32 $0xAC48;
	s22 =	rddreg [dreg:$0x11];
	s18 =	sadd.s32 s17, s20  }
0x1ec: {  	[hbm4b:s18+s5] =	stream.linear.scatter [tilespmem:s21], [sflag:$0x2], $0x400, $0x38;
	[tilespmem:$0x10900] =	vst v63  }
0x1ed: {  	s23 =	simm.s32 $0xB050;
	s20 =	rddreg [dreg:$0x12];
	s18 =	sadd.s32 s17, s22  }
0x1ee: {  	[hbm4b:s18+s5] =	stream.linear.scatter [tilespmem:s23], [sflag:$0x2], $0x400, $0x38;
	[tilespmem:$0x10900] =	vst v63  }
0x1ef: {  	s21 =	simm.s32 $0xB458;
	s22 =	rddreg [dreg:$0x13];
	s18 =	sadd.s32 s17, s20  }
0x1f0: {  	[hbm4b:s18+s5] =	stream.linear.scatter [tilespmem:s21], [sflag:$0x2], $0x400, $0x38;
	[tilespmem:$0x10900] =	vst v63  }
0x1f1: {  	s23 =	simm.s32 $0xB860;
	s20 =	rddreg [dreg:$0x14];
	s18 =	sadd.s32 s17, s22  }
0x1f2: {  	[hbm4b:s18+s5] =	stream.linear.scatter [tilespmem:s23], [sflag:$0x2], $0x400, $0x38;
	[tilespmem:$0x10900] =	vst v63  }
0x1f3: {  	s21 =	simm.s32 $0xBC68;
	s22 =	rddreg [dreg:$0x15];
	s18 =	sadd.s32 s17, s20  }
0x1f4: {  	[hbm4b:s18+s5] =	stream.linear.scatter [tilespmem:s21], [sflag:$0x2], $0x400, $0x38;
	[tilespmem:$0x10900] =	vst v63  }
0x1f5: {  	s23 =	simm.s32 $0xC070;
	s20 =	rddreg [dreg:$0x16];
	s18 =	sadd.s32 s17, s22  }
0x1f6: {  	[hbm4b:s18+s5] =	stream.linear.scatter [tilespmem:s23], [sflag:$0x2], $0x400, $0x38;
	[tilespmem:$0x10900] =	vst v63  }
0x1f7: {  	s21 =	simm.s32 $0xC478;
	s18 =	sadd.s32 s17, s20  }
0x1f8: {  	[hbm4b:s18+s5] =	stream.linear.scatter [tilespmem:s21], [sflag:$0x2], $0x400, $0x38;
	[tilespmem:$0x10900] =	vst v63  }
0x1f9: {  	s22 =	sadd.s32 s17, s24;
	s23 =	simm.s32 $0xC880  }
0x1fa: {  	[hbm4b:s22+s5] =	stream.linear.scatter [tilespmem:s23], [sflag:$0x2], $0x400, $0x38;
	[tilespmem:$0x10900] =	vst v63  }
0x1fb: {  	s20 =	sadd.s32 s17, s25;
	s21 =	simm.s32 $0xCC88  }
0x1fc: {  	[hbm4b:s20+s5] =	stream.linear.scatter [tilespmem:s21], [sflag:$0x2], $0x400, $0x38;
	[tilespmem:$0x10900] =	vst v63  }
0x1fd: {  	s22 =	sadd.s32 s17, s26;
	s23 =	simm.s32 $0xD090  }
0x1fe: {  	[hbm4b:s22+s5] =	stream.linear.scatter [tilespmem:s23], [sflag:$0x2], $0x400, $0x38;
	[tilespmem:$0x10900] =	vst v63  }
0x1ff: {  	s20 =	sadd.s32 s17, s28;
	s21 =	simm.s32 $0xD498  }
0x200: {  	[hbm4b:s20+s5] =	stream.linear.scatter [tilespmem:s21], [sflag:$0x2], $0x400, $0x38;
	[tilespmem:$0x10900] =	vst v63  }
0x201: {  	s22 =	sadd.s32 s17, s29;
	s23 =	simm.s32 $0xD8A0  }
0x202: {  	[hbm4b:s22+s5] =	stream.linear.scatter [tilespmem:s23], [sflag:$0x2], $0x400, $0x38;
	[tilespmem:$0x10900] =	vst v63  }
0x203: {  	s20 =	sadd.s32 s17, s30;
	s21 =	simm.s32 $0xDCA8  }
0x204: {  	[hbm4b:s20+s5] =	stream.linear.scatter [tilespmem:s21], [sflag:$0x2], $0x400, $0x38;
	[tilespmem:$0x10900] =	vst v63  }
0x205: {  	s22 =	sadd.s32 s17, s31;
	s23 =	simm.s32 $0xE0B0  }
0x206: {  	[hbm4b:s22+s5] =	stream.linear.scatter [tilespmem:s23], [sflag:$0x2], $0x400, $0x38;
	[tilespmem:$0x10900] =	vst v63  }
0x207: {  	s20 =	sadd.s32 s17, s0;
	s21 =	simm.s32 $0xE4B8  }
0x208: {  	[hbm4b:s20+s5] =	stream.linear.scatter [tilespmem:s21], [sflag:$0x2], $0x400, $0x38;
	[tilespmem:$0x10900] =	vst v63  }
0x209: {  	s22 =	sadd.s32 s17, s4;
	s23 =	simm.s32 $0xE8C0  }
0x20a: {  	[hbm4b:s22+s5] =	stream.linear.scatter [tilespmem:s23], [sflag:$0x2], $0x400, $0x38;
	[tilespmem:$0x10900] =	vst v63  }
0x20b: {  	s20 =	sadd.s32 s17, s2;
	s21 =	simm.s32 $0xECC8  }
0x20c: {  	[hbm4b:s20+s5] =	stream.linear.scatter [tilespmem:s21], [sflag:$0x2], $0x400, $0x38;
	[tilespmem:$0x10900] =	vst v63  }
0x20d: {  	s22 =	sadd.s32 s17, s3;
	s23 =	simm.s32 $0xF0D0  }
0x20e: {  	[hbm4b:s22+s5] =	stream.linear.scatter [tilespmem:s23], [sflag:$0x2], $0x400, $0x38;
	[tilespmem:$0x10900] =	vst v63  }
0x20f: {  	s20 =	sadd.s32 s17, s6;
	s21 =	simm.s32 $0xF4D8  }
0x210: {  	[hbm4b:s20+s5] =	stream.linear.scatter [tilespmem:s21], [sflag:$0x2], $0x400, $0x38;
	[tilespmem:$0x10900] =	vst v63  }
0x211: {  	s22 =	sadd.s32 s17, s7;
	s23 =	simm.s32 $0xF8E0  }
0x212: {  	[hbm4b:s22+s5] =	stream.linear.scatter [tilespmem:s23], [sflag:$0x2], $0x400, $0x38;
	[tilespmem:$0x10900] =	vst v63  }
0x213: {  	s19 =	sadd.s32 s17, s8;
	s20 =	simm.s32 $0xFCE8  }
0x214: {  	[hbm4b:s19+s5] =	stream.linear.scatter [tilespmem:s20], [sflag:$0x2], $0x400, $0x38;
	[tilespmem:$0x10900] =	vst v63  }
0x215: {  	s21 =	sadd.s32 s17, s9;
	s22 =	simm.s32 $0x100F0  }
0x216: {  	[hbm4b:s21+s5] =	stream.linear.scatter [tilespmem:s22], [sflag:$0x2], $0x400, $0x38;
	[tilespmem:$0x10900] =	vst v63  }
0x217: {  	s17 =	sadd.s32 s17, s10;
	s23 =	simm.s32 $0x104F8  }
0x218: {  	[hbm4b:s17+s5] =	stream.linear.scatter [tilespmem:s23], [sflag:$0x2], $0x400, $0x38;
	[tilespmem:$0x10900] =	vst v63  }
0x219: {  	_ =	swait.ge [sflag:s15], $0x400  }
0x21a: {  	[sflag:s15] =	ssyncset.done $0x0  }
0x21b: {  	[sflag:s15] =	ssyncadd.s32 $0xFFFFFC00  }
0x21c: {  	_ =	swait.ge [sflag:s15], $0x400  }
0x21d: {  	[sflag:s15] =	ssyncset.done $0x0  }
0x21e: {  	[sflag:s15] =	ssyncadd.s32 $0xFFFFFC00  }
0x21f: {  	_ =	swait.ge [sflag:s15], $0x400  }
0x220: {  	[sflag:s15] =	ssyncset.done $0x0  }
0x221: {  	[sflag:s15] =	ssyncadd.s32 $0xFFFFFC00  }
0x222: {  	_ =	swait.ge [sflag:s15], $0x400  }
0x223: {  	[sflag:s15] =	ssyncset.done $0x0  }
0x224: {  	[sflag:s15] =	ssyncadd.s32 $0xFFFFFC00  }
0x225: {  	_ =	swait.ge [sflag:s15], $0x400  }
0x226: {  	[sflag:s15] =	ssyncset.done $0x0  }
0x227: {  	[sflag:s15] =	ssyncadd.s32 $0xFFFFFC00  }
0x228: {  	_ =	swait.ge [sflag:s15], $0x400  }
0x229: {  	[sflag:s15] =	ssyncset.done $0x0  }
0x22a: {  	[sflag:s15] =	ssyncadd.s32 $0xFFFFFC00  }
0x22b: {  	_ =	swait.ge [sflag:s15], $0x400  }
0x22c: {  	[sflag:s15] =	ssyncset.done $0x0  }
0x22d: {  	[sflag:s15] =	ssyncadd.s32 $0xFFFFFC00  }
0x22e: {  	_ =	swait.ge [sflag:s15], $0x400  }
0x22f: {  	[sflag:s15] =	ssyncset.done $0x0  }
0x230: {  	[sflag:s15] =	ssyncadd.s32 $0xFFFFFC00  }
0x231: {  	_ =	swait.ge [sflag:s15], $0x400  }
0x232: {  	[sflag:s15] =	ssyncset.done $0x0  }
0x233: {  	[sflag:s15] =	ssyncadd.s32 $0xFFFFFC00  }
0x234: {  	_ =	swait.ge [sflag:s15], $0x400  }
0x235: {  	[sflag:s15] =	ssyncset.done $0x0  }
0x236: {  	[sflag:s15] =	ssyncadd.s32 $0xFFFFFC00  }
0x237: {  	_ =	swait.ge [sflag:s15], $0x400  }
0x238: {  	[sflag:s15] =	ssyncset.done $0x0  }
0x239: {  	[sflag:s15] =	ssyncadd.s32 $0xFFFFFC00  }
0x23a: {  	_ =	swait.ge [sflag:s15], $0x400  }
0x23b: {  	[sflag:s15] =	ssyncset.done $0x0  }
0x23c: {  	[sflag:s15] =	ssyncadd.s32 $0xFFFFFC00  }
0x23d: {  	_ =	swait.ge [sflag:s15], $0x400  }
0x23e: {  	[sflag:s15] =	ssyncset.done $0x0  }
0x23f: {  	[sflag:s15] =	ssyncadd.s32 $0xFFFFFC00  }
0x240: {  	_ =	swait.ge [sflag:s15], $0x400  }
0x241: {  	[sflag:s15] =	ssyncset.done $0x0  }
0x242: {  	[sflag:s15] =	ssyncadd.s32 $0xFFFFFC00  }
0x243: {  	_ =	swait.ge [sflag:s15], $0x400  }
0x244: {  	[sflag:s15] =	ssyncset.done $0x0  }
0x245: {  	[sflag:s15] =	ssyncadd.s32 $0xFFFFFC00  }
0x246: {  	_ =	swait.ge [sflag:s15], $0x400  }
0x247: {  	[sflag:s15] =	ssyncset.done $0x0  }
0x248: {  	[sflag:s15] =	ssyncadd.s32 $0xFFFFFC00  }
0x249: {  	_ =	swait.ge [sflag:s15], $0x400  }
0x24a: {  	[sflag:s15] =	ssyncset.done $0x0  }
0x24b: {  	[sflag:s15] =	ssyncadd.s32 $0xFFFFFC00  }
0x24c: {  	_ =	swait.ge [sflag:s15], $0x400  }
0x24d: {  	[sflag:s15] =	ssyncset.done $0x0  }
0x24e: {  	[sflag:s15] =	ssyncadd.s32 $0xFFFFFC00  }
0x24f: {  	_ =	swait.ge [sflag:s15], $0x400  }
0x250: {  	[sflag:s15] =	ssyncset.done $0x0  }
0x251: {  	[sflag:s15] =	ssyncadd.s32 $0xFFFFFC00  }
0x252: {  	_ =	swait.ge [sflag:s15], $0x400  }
0x253: {  	[sflag:s15] =	ssyncset.done $0x0  }
0x254: {  	[sflag:s15] =	ssyncadd.s32 $0xFFFFFC00  }
0x255: {  	_ =	swait.ge [sflag:s15], $0x400  }
0x256: {  	[sflag:s15] =	ssyncset.done $0x0  }
0x257: {  	[sflag:s15] =	ssyncadd.s32 $0xFFFFFC00  }
0x258: {  	_ =	swait.ge [sflag:s15], $0x400  }
0x259: {  	[sflag:s15] =	ssyncset.done $0x0  }
0x25a: {  	[sflag:s15] =	ssyncadd.s32 $0xFFFFFC00  }
0x25b: {  	_ =	swait.ge [sflag:s15], $0x400  }
0x25c: {  	[sflag:s15] =	ssyncset.done $0x0  }
0x25d: {  	[sflag:s15] =	ssyncadd.s32 $0xFFFFFC00  }
0x25e: {  	_ =	swait.ge [sflag:s15], $0x400  }
0x25f: {  	[sflag:s15] =	ssyncset.done $0x0  }
0x260: {  	[sflag:s15] =	ssyncadd.s32 $0xFFFFFC00  }
0x261: {  	_ =	swait.ge [sflag:s15], $0x400  }
0x262: {  	[sflag:s15] =	ssyncset.done $0x0  }
0x263: {  	[sflag:s15] =	ssyncadd.s32 $0xFFFFFC00  }
0x264: {  	_ =	swait.ge [sflag:s15], $0x400  }
0x265: {  	[sflag:s15] =	ssyncset.done $0x0  }
0x266: {  	[sflag:s15] =	ssyncadd.s32 $0xFFFFFC00  }
0x267: {  	_ =	swait.ge [sflag:s15], $0x400  }
0x268: {  	[sflag:s15] =	ssyncset.done $0x0  }
0x269: {  	[sflag:s15] =	ssyncadd.s32 $0xFFFFFC00  }
0x26a: {  	_ =	swait.ge [sflag:s15], $0x400  }
0x26b: {  	[sflag:s15] =	ssyncset.done $0x0  }
0x26c: {  	[sflag:s15] =	ssyncadd.s32 $0xFFFFFC00  }
0x26d: {  	_ =	swait.ge [sflag:s15], $0x400  }
0x26e: {  	[sflag:s15] =	ssyncset.done $0x0  }
0x26f: {  	[sflag:s15] =	ssyncadd.s32 $0xFFFFFC00  }
0x270: {  	_ =	swait.ge [sflag:s15], $0x400  }
0x271: {  	[sflag:s15] =	ssyncset.done $0x0  }
0x272: {  	s16 =	sadd.s32 $0x1, s16;
	[sflag:s15] =	ssyncadd.s32 $0xFFFFFC00  }
0x273: {  	p0 =	sne.s32 s16, $0x20;
	_ =	swait.ge [sflag:s15], $0x400  }
.Ltmp1:
0x274: {  	[sflag:s15] =	ssyncset.done $0x0;
	(pc) =	sbr.rel @p0 .LBB2_2-.Ltmp1, $4  }
0x275: {  	[sflag:s15] =	ssyncadd.s32 $0xFFFFFC00  }
0x276: {  	_ =	swait.ge [sflag:s15], $0x400  }
0x277: {  	[sflag:s15] =	ssyncset.done $0x0  }
0x278: {  	[sflag:s15] =	ssyncadd.s32 $0xFFFFFC00  }
0x279: {  	s17 =	rddreg [dreg:$0x18]  }
0x27a: {  	s16 =	rddreg [dreg:$0x17];
	s17 =	sadd.s32 $0x1, s17  }
0x27b: {  	p0 =	sne.s32 s17, s16  }
.Ltmp2:
0x27c: {  	_ = 	snop;
	(pc) =	sbr.rel @p0 .LBB2_1-.Ltmp2, $1  }
0x27d: {  	_ =	sdelay $0x3  }
0x27e: {  	_ =	sfence.sel $0x180000  }
0x27f: {  	[bflag:$0x0] =	sbarrier.arrive $0xFFFF  }
0x280: {  	_ =	strace $0x90000047  }
0x281: {  	s0 =	stileid.u32;
	[bflag:$0x2] =	sbarrier.arrive $0xFFFF  }
0x282: {  	p0 =	sne.s32 s0, $0x0;
	s0 =	rddreg [dreg:$0x4]  }
0x283: {  	s0 =	sadd.s32 @!p0 $0x100000, s0  }
0x284: {  	[sflag:s0] =	ssyncadd.tile.s32 @!p0 $0x1;
	_ =	shalt  }
.Lfunc_end2:
_tile_overlayer_lowered:
.L_overlay_start_2:
0x285: {  	(tag) =	ssettag $0x2  }
0x286: {  	s0 =	rddreg [dreg:$0x0];
	s2 =	stileid.u32  }
0x287: {  	s1 =	rddreg [dreg:$0x1];
	p0 =	sne.s32 s2, $0x0  }
0x288: {  	s3 =	rddreg [dreg:$0x2];
	[bflag:$0x3] =	sbarrier.arrive $0xFFFF;
	s2 =	simm.s32 @!p0 $0x1C03  }
0x289: {  	[timem:s3], [sflag:s2] =	dma.local @!p0 [hbm:s0], s1  }
0x28a: {  	s0 =	simm.s32 @!p0 $0x3  }
0x28b: {  	_ =	swait.ge @!p0 [sflag:s0], s1  }
0x28c: {  	s1 =	ssub.s32 @!p0 $0x0, s1;
	[sflag:s0] =	ssyncset.done @!p0 $0x0  }
0x28d: {  	[sflag:s0] =	ssyncadd.s32 @!p0 s1  }
0x28e: {  	[bflag:$0x3] =	sbarrier.arrive $0xFFFF  }
0x28f: {  	_ =	shalt  }

</sc_bundles>
